<compile_context>
chip_gen: v7x
topology: tpu7x:2x2x1
jax: 0.10.2.dev20260603
libtpu: 0.0.44.dev20260713+nightly
codegen_flags: <defaults>
</compile_context>

<pallas_src>
import functools

import jax
import jax.numpy as jnp
from jax import lax
from jax.experimental import pallas as pl
from jax.experimental.pallas import tpu as pltpu
from jax.experimental.pallas import tpu_sc as plsc

BATCH = 16384
D = 128
LANES = 16
NUM_WORKERS = 32
ROWS_PER_W = BATCH // NUM_WORKERS
CHUNK = 64
NCHUNK = ROWS_PER_W // CHUNK
NGROUP = CHUNK // LANES

_mesh = plsc.VectorSubcoreMesh(core_axis_name="c", subcore_axis_name="s")


@functools.partial(
    pl.kernel,
    mesh=_mesh,
    out_type=jax.ShapeDtypeStruct((BATCH,), jnp.float32),
    compiler_params=pltpu.CompilerParams(
        needs_layout_passes=False,
        disable_bounds_checks=True,
        disable_semaphore_checks=True,
    ),
    scratch_types=[
        pltpu.VMEM((NCHUNK, CHUNK), jnp.int32),
        pltpu.VMEM((NCHUNK, CHUNK), jnp.int32),
        pltpu.VMEM((2 * CHUNK, D), jnp.float32),
        pltpu.VMEM((2 * CHUNK, D), jnp.float32),
        pltpu.VMEM((NGROUP * LANES * LANES,), jnp.float32),
        pltpu.VMEM((ROWS_PER_W,), jnp.float32),
        pltpu.SemaphoreType.DMA,
        pltpu.SemaphoreType.DMA,
        pltpu.SemaphoreType.DMA,
        pltpu.SemaphoreType.DMA,
        pltpu.SemaphoreType.DMA,
        pltpu.SemaphoreType.DMA,
    ],
)
def _mf_kernel(users, items, utab, itab, out,
               uidx, iidx, urows, irows, pbuf, outv,
               semu_a, semi_a, semu_b, semi_b, semx, semy):
    cid = lax.axis_index("c")
    sid = lax.axis_index("s")
    wid = sid * 2 + cid
    lanes16 = lax.iota(jnp.int32, LANES)
    idx_base = lanes16 * LANES

    cx = pltpu.async_copy(users.at[pl.ds(wid * NCHUNK, NCHUNK)], uidx, semx)
    cy = pltpu.async_copy(items.at[pl.ds(wid * NCHUNK, NCHUNK)], iidx, semy)
    cx.wait()
    cy.wait()

    def start_gather(g, half):
        su, si = (semu_a, semi_a) if half == 0 else (semu_b, semi_b)
        r0 = half * CHUNK
        pltpu.async_copy(utab.at[uidx.at[g]], urows.at[pl.ds(r0, CHUNK)], su)
        pltpu.async_copy(itab.at[iidx.at[g]], irows.at[pl.ds(r0, CHUNK)], si)

    def wait_gather(half):
        su, si = (semu_a, semi_a) if half == 0 else (semu_b, semi_b)
        r0 = half * CHUNK
        pltpu.make_async_copy(
            utab.at[uidx.at[0]], urows.at[pl.ds(r0, CHUNK)], su).wait()
        pltpu.make_async_copy(
            itab.at[iidx.at[0]], irows.at[pl.ds(r0, CHUNK)], si).wait()

    start_gather(0, 0)

    def chunk_body(g, _):
        parity = lax.rem(g, 2)

        @pl.when(jnp.logical_and(parity == 0, g + 1 < NCHUNK))
        def _():
            start_gather(g + 1, 1)

        @pl.when(jnp.logical_and(parity == 1, g + 1 < NCHUNK))
        def _():
            start_gather(g + 1, 0)

        @pl.when(parity == 0)
        def _():
            wait_gather(0)

        @pl.when(parity == 1)
        def _():
            wait_gather(1)

        b0 = parity * CHUNK

        @plsc.parallel_loop(0, NGROUP, unroll=2)
        def group_body(g2):
            row0 = g2 * LANES
            pb = g2 * (LANES * LANES)
            for r in range(LANES):
                row = b0 + row0 + r
                ms = [urows[row, pl.ds(d * LANES, LANES)]
                      * irows[row, pl.ds(d * LANES, LANES)]
                      for d in range(D // LANES)]
                while len(ms) > 1:
                    ms = [ms[i] + ms[i + 1] for i in range(0, len(ms), 2)]
                pbuf[pl.ds(pb + r * LANES, LANES)] = ms[0]
            gs = [plsc.load_gather(pbuf, [idx_base + pb + l])
                  for l in range(LANES)]
            while len(gs) > 1:
                gs = [gs[i] + gs[i + 1] for i in range(0, len(gs), 2)]
            sig = 1.0 / (1.0 + jnp.exp(-gs[0]))
            outv[pl.ds(g * CHUNK + row0, LANES)] = sig

        return 0

    lax.fori_loop(0, NCHUNK, chunk_body, 0)
    pltpu.sync_copy(outv, out.at[pl.ds(wid * ROWS_PER_W, ROWS_PER_W)])


def kernel(users, items, embedding_user, embedding_item):
    users2d = users.reshape(NUM_WORKERS * NCHUNK, CHUNK)
    items2d = items.reshape(NUM_WORKERS * NCHUNK, CHUNK)
    return _mf_kernel(users2d, items2d, embedding_user, embedding_item)

# --- scband reference (transcript-rebuilt; emitter-appended) ---
"""Pipeline reference for scband-pure-mf-6021544149546 (READ-ONLY COPY).

The authoritative reference and input builder live on the scoring server;
editing this copy changes nothing except your own understanding.
"""

import jax, jax.numpy as jnp
import numpy as np

NUM_USERS = 1000000
NUM_ITEMS = 1000000
LATENT_DIM = 128
BATCH = 16384


def setup_inputs(seed: int = 0) -> dict:
    key = jax.random.key(seed)
    k1, k2, k3, k4 = jax.random.split(key, 4)
    users = jax.random.randint(k1, (BATCH,), 0, NUM_USERS, dtype=jnp.int64 if jax.config.jax_enable_x64 else jnp.int32).astype(jnp.int32)
    items = jax.random.randint(k2, (BATCH,), 0, NUM_ITEMS, dtype=jnp.int32)
    # Learned parameters: N(0,1) init as in PureMF
    embedding_user = jax.random.normal(k3, (NUM_USERS, LATENT_DIM), dtype=jnp.float32)
    embedding_item = jax.random.normal(k4, (NUM_ITEMS, LATENT_DIM), dtype=jnp.float32)
    return {
        "users": users,
        "items": items,
        "embedding_user": embedding_user,
        "embedding_item": embedding_item,
    }


def reference(users, items, embedding_user, embedding_item):
    # users_emb = self.embedding_user(users)
    users_emb = jnp.take(embedding_user, users, axis=0)
    # items_emb = self.embedding_item(items)
    items_emb = jnp.take(embedding_item, items, axis=0)
    # scores = torch.sum(users_emb * items_emb, dim=1)
    scores = jnp.sum(users_emb * items_emb, axis=1)
    # self.f(scores) where f = Sigmoid
    return jax.nn.sigmoid(scores)

if __name__ == "__main__":
    import jax
    _d = setup_inputs()
    print(jax.jit(kernel)(*tuple(_d.values())))

</pallas_src>

<mosaic_0001>
#map = affine_map<(d0, d1) -> (0, 0)>
#map1 = affine_map<(d0, d1) -> (0)>
module attributes {stable_mosaic.version = 14 : i64} {
  func.func @_mf_kernel(%arg0: i32, %arg1: i32, %arg2: memref<256x64xi32, #tpu.memory_space<hbm>>, %arg3: memref<256x64xi32, #tpu.memory_space<hbm>>, %arg4: memref<1000000x128xf32, #tpu.memory_space<hbm>>, %arg5: memref<1000000x128xf32, #tpu.memory_space<hbm>>, %arg6: memref<16384xf32, #tpu.memory_space<hbm>>, %arg7: memref<8x64xi32, #tpu.memory_space<vmem>>, %arg8: memref<8x64xi32, #tpu.memory_space<vmem>>, %arg9: memref<128x128xf32, #tpu.memory_space<vmem>>, %arg10: memref<128x128xf32, #tpu.memory_space<vmem>>, %arg11: memref<1024xf32, #tpu.memory_space<vmem>>, %arg12: memref<512xf32, #tpu.memory_space<vmem>>, %arg13: memref<!tpu.dma_semaphore, #tpu.memory_space<semaphore_mem>>, %arg14: memref<!tpu.dma_semaphore, #tpu.memory_space<semaphore_mem>>, %arg15: memref<!tpu.dma_semaphore, #tpu.memory_space<semaphore_mem>>, %arg16: memref<!tpu.dma_semaphore, #tpu.memory_space<semaphore_mem>>, %arg17: memref<!tpu.dma_semaphore, #tpu.memory_space<semaphore_mem>>, %arg18: memref<!tpu.dma_semaphore, #tpu.memory_space<semaphore_mem>>) attributes {dimension_semantics = [#tpu.dimension_semantics<core_parallel>, #tpu.dimension_semantics<subcore_parallel>], iteration_bounds = array<i64: 2, 16>, scalar_prefetch = 0 : i64, scratch_operands = 12 : i64, tpu.core_type = #tpu.core_type<sc_vector_subcore>, window_params = [{transform_indices = #map}, {transform_indices = #map}, {transform_indices = #map}, {transform_indices = #map}, {transform_indices = #map1}]} {
    %mul3A = arith.constant 2 : i32
    %mul3A_0 = arith.muli %arg1, %mul3A : i32
    %add3A = arith.addi %mul3A_0, %arg0 : i32
    %iota3A = tpu.iota {dimensions = array<i32: 0>} : vector<16xi32>
    %mul3A_1 = arith.constant 16 : i32
    %mul3A_2 = vector.broadcast %mul3A_1 : i32 to vector<16xi32>
    %mul3A_3 = arith.muli %iota3A, %mul3A_2 : vector<16xi32>
    %mul3A_4 = arith.constant 8 : i32
    %mul3A_5 = arith.muli %add3A, %mul3A_4 : i32
    %dma_start3A = arith.constant 0 : i32
    %dma_start3A_6 = tpu.memref_slice %arg2[%mul3A_5, %dma_start3A] : memref<256x64xi32, #tpu.memory_space<hbm>> -> memref<8x64xi32, #tpu.memory_space<hbm>>
    %dma_start3A_7 = arith.constant 0 : i32
    %dma_start3A_8 = tpu.memref_slice %arg2[%mul3A_5, %dma_start3A_7] : memref<256x64xi32, #tpu.memory_space<hbm>> -> memref<8x64xi32, #tpu.memory_space<hbm>>
    tpu.enqueue_dma source(%dma_start3A_8 : memref<8x64xi32, #tpu.memory_space<hbm>>) target(%arg7 : memref<8x64xi32, #tpu.memory_space<vmem>>) target_semaphore(%arg17 : memref<!tpu.dma_semaphore, #tpu.memory_space<semaphore_mem>>)
    %mul3A_9 = arith.constant 8 : i32
    %mul3A_10 = arith.muli %add3A, %mul3A_9 : i32
    %dma_start3A_11 = arith.constant 0 : i32
    %dma_start3A_12 = tpu.memref_slice %arg3[%mul3A_10, %dma_start3A_11] : memref<256x64xi32, #tpu.memory_space<hbm>> -> memref<8x64xi32, #tpu.memory_space<hbm>>
    %dma_start3A_13 = arith.constant 0 : i32
    %dma_start3A_14 = tpu.memref_slice %arg3[%mul3A_10, %dma_start3A_13] : memref<256x64xi32, #tpu.memory_space<hbm>> -> memref<8x64xi32, #tpu.memory_space<hbm>>
    tpu.enqueue_dma source(%dma_start3A_14 : memref<8x64xi32, #tpu.memory_space<hbm>>) target(%arg8 : memref<8x64xi32, #tpu.memory_space<vmem>>) target_semaphore(%arg18 : memref<!tpu.dma_semaphore, #tpu.memory_space<semaphore_mem>>)
    %dma_wait3A = arith.constant 0 : i32
    %dma_wait3A_15 = tpu.memref_slice %arg2[%mul3A_5, %dma_wait3A] : memref<256x64xi32, #tpu.memory_space<hbm>> -> memref<8x64xi32, #tpu.memory_space<hbm>>
    %dma_wait3A_16 = arith.constant 0 : i32
    %dma_wait3A_17 = tpu.memref_slice %arg2[%mul3A_5, %dma_wait3A_16] : memref<256x64xi32, #tpu.memory_space<hbm>> -> memref<8x64xi32, #tpu.memory_space<hbm>>
    tpu.wait_dma2 semaphore(%arg17 : memref<!tpu.dma_semaphore, #tpu.memory_space<semaphore_mem>>) src(%dma_wait3A_17 : memref<8x64xi32, #tpu.memory_space<hbm>>) dst(%arg7 : memref<8x64xi32, #tpu.memory_space<vmem>>)
    %dma_wait3A_18 = arith.constant 0 : i32
    %dma_wait3A_19 = tpu.memref_slice %arg3[%mul3A_10, %dma_wait3A_18] : memref<256x64xi32, #tpu.memory_space<hbm>> -> memref<8x64xi32, #tpu.memory_space<hbm>>
    %dma_wait3A_20 = arith.constant 0 : i32
    %dma_wait3A_21 = tpu.memref_slice %arg3[%mul3A_10, %dma_wait3A_20] : memref<256x64xi32, #tpu.memory_space<hbm>> -> memref<8x64xi32, #tpu.memory_space<hbm>>
    tpu.wait_dma2 semaphore(%arg18 : memref<!tpu.dma_semaphore, #tpu.memory_space<semaphore_mem>>) src(%dma_wait3A_21 : memref<8x64xi32, #tpu.memory_space<hbm>>) dst(%arg8 : memref<8x64xi32, #tpu.memory_space<vmem>>)
    %dma_start3A_22 = arith.constant 0 : i32
    %dma_start3A_23 = arith.constant 0 : i32
    %dma_start3A_24 = arith.constant 0 : i32
    %dma_start3A_25 = tpu.memref_slice %arg9[%dma_start3A_23, %dma_start3A_24] : memref<128x128xf32, #tpu.memory_space<vmem>> -> memref<64x128xf32, #tpu.memory_space<vmem>>
    %dma_start3A_26 = arith.constant 0 : i32
    %dma_start3A_27 = tpu.memref_slice %arg7[%dma_start3A_22, %dma_start3A_26] : memref<8x64xi32, #tpu.memory_space<vmem>> -> memref<1x64xi32, #tpu.memory_space<vmem>>
    %dma_start3A_28 = tpu.memref_squeeze %dma_start3A_27 : memref<1x64xi32, #tpu.memory_space<vmem>> -> memref<64xi32, #tpu.memory_space<vmem>>
    %dma_start3A_29 = arith.constant 0 : i32
    %dma_start3A_30 = arith.constant 0 : i32
    %dma_start3A_31 = tpu.memref_slice %arg4[%dma_start3A_29, %dma_start3A_30] : memref<1000000x128xf32, #tpu.memory_space<hbm>> -> memref<1000000x128xf32, #tpu.memory_space<hbm>>
    tpu.enqueue_indirect_dma source(%dma_start3A_31 : memref<1000000x128xf32, #tpu.memory_space<hbm>>) target(%dma_start3A_25 : memref<64x128xf32, #tpu.memory_space<vmem>>) offsets(%dma_start3A_28 : memref<64xi32, #tpu.memory_space<vmem>>) semaphore(%arg13 : memref<!tpu.dma_semaphore, #tpu.memory_space<semaphore_mem>>)
    %dma_start3A_32 = arith.constant 0 : i32
    %dma_start3A_33 = arith.constant 0 : i32
    %dma_start3A_34 = arith.constant 0 : i32
    %dma_start3A_35 = tpu.memref_slice %arg10[%dma_start3A_33, %dma_start3A_34] : memref<128x128xf32, #tpu.memory_space<vmem>> -> memref<64x128xf32, #tpu.memory_space<vmem>>
    %dma_start3A_36 = arith.constant 0 : i32
    %dma_start3A_37 = tpu.memref_slice %arg8[%dma_start3A_32, %dma_start3A_36] : memref<8x64xi32, #tpu.memory_space<vmem>> -> memref<1x64xi32, #tpu.memory_space<vmem>>
    %dma_start3A_38 = tpu.memref_squeeze %dma_start3A_37 : memref<1x64xi32, #tpu.memory_space<vmem>> -> memref<64xi32, #tpu.memory_space<vmem>>
    %dma_start3A_39 = arith.constant 0 : i32
    %dma_start3A_40 = arith.constant 0 : i32
    %dma_start3A_41 = tpu.memref_slice %arg5[%dma_start3A_39, %dma_start3A_40] : memref<1000000x128xf32, #tpu.memory_space<hbm>> -> memref<1000000x128xf32, #tpu.memory_space<hbm>>
    tpu.enqueue_indirect_dma source(%dma_start3A_41 : memref<1000000x128xf32, #tpu.memory_space<hbm>>) target(%dma_start3A_35 : memref<64x128xf32, #tpu.memory_space<vmem>>) offsets(%dma_start3A_38 : memref<64xi32, #tpu.memory_space<vmem>>) semaphore(%arg14 : memref<!tpu.dma_semaphore, #tpu.memory_space<semaphore_mem>>)
    %scan3A = arith.constant 0 : i32
    %scan3A_42 = arith.constant 0 : i32
    %scan3A_43 = arith.constant 8 : i32
    %scan3A_44 = arith.addi %scan3A_42, %scan3A_43 : i32
    %scan3A_45 = arith.constant 1 : i32
    %scan3A_46 = scf.for %scan3A_50 = %scan3A_42 to %scan3A_44 step %scan3A_45 iter_args(%scan3A_51 = %scan3A) -> (i32)  : i32 {
      %rem3A = arith.constant 2 : i32
      %rem3A_52 = arith.remsi %scan3A_50, %rem3A : i32
      %eq3A = arith.constant 0 : i32
      %eq3A_53 = arith.cmpi eq, %rem3A_52, %eq3A : i32
      %add3A_54 = arith.constant 1 : i32
      %add3A_55 = arith.addi %scan3A_50, %add3A_54 : i32
      %lt3A = arith.constant 8 : i32
      %lt3A_56 = arith.cmpi slt, %add3A_55, %lt3A : i32
      %and3A = arith.andi %eq3A_53, %lt3A_56 : i1
      %convert_element_type3A = arith.extui %and3A : i1 to i32
      %cond3A = arith.constant 0 : i32
      %cond3A_57 = arith.cmpi ne, %convert_element_type3A, %cond3A : i32
      scf.if %cond3A_57 {
        %add3A_83 = arith.constant 1 : i32
        %add3A_84 = arith.addi %scan3A_50, %add3A_83 : i32
        %dma_start3A_85 = arith.constant 64 : i32
        %dma_start3A_86 = arith.constant 0 : i32
        %dma_start3A_87 = tpu.memref_slice %arg9[%dma_start3A_85, %dma_start3A_86] : memref<128x128xf32, #tpu.memory_space<vmem>> -> memref<64x128xf32, #tpu.memory_space<vmem>>
        %dma_start3A_88 = arith.constant 0 : i32
        %dma_start3A_89 = tpu.memref_slice %arg7[%add3A_84, %dma_start3A_88] : memref<8x64xi32, #tpu.memory_space<vmem>> -> memref<1x64xi32, #tpu.memory_space<vmem>>
        %dma_start3A_90 = tpu.memref_squeeze %dma_start3A_89 : memref<1x64xi32, #tpu.memory_space<vmem>> -> memref<64xi32, #tpu.memory_space<vmem>>
        %dma_start3A_91 = arith.constant 0 : i32
        %dma_start3A_92 = arith.constant 0 : i32
        %dma_start3A_93 = tpu.memref_slice %arg4[%dma_start3A_91, %dma_start3A_92] : memref<1000000x128xf32, #tpu.memory_space<hbm>> -> memref<1000000x128xf32, #tpu.memory_space<hbm>>
        tpu.enqueue_indirect_dma source(%dma_start3A_93 : memref<1000000x128xf32, #tpu.memory_space<hbm>>) target(%dma_start3A_87 : memref<64x128xf32, #tpu.memory_space<vmem>>) offsets(%dma_start3A_90 : memref<64xi32, #tpu.memory_space<vmem>>) semaphore(%arg15 : memref<!tpu.dma_semaphore, #tpu.memory_space<semaphore_mem>>)
        %dma_start3A_94 = arith.constant 64 : i32
        %dma_start3A_95 = arith.constant 0 : i32
        %dma_start3A_96 = tpu.memref_slice %arg10[%dma_start3A_94, %dma_start3A_95] : memref<128x128xf32, #tpu.memory_space<vmem>> -> memref<64x128xf32, #tpu.memory_space<vmem>>
        %dma_start3A_97 = arith.constant 0 : i32
        %dma_start3A_98 = tpu.memref_slice %arg8[%add3A_84, %dma_start3A_97] : memref<8x64xi32, #tpu.memory_space<vmem>> -> memref<1x64xi32, #tpu.memory_space<vmem>>
        %dma_start3A_99 = tpu.memref_squeeze %dma_start3A_98 : memref<1x64xi32, #tpu.memory_space<vmem>> -> memref<64xi32, #tpu.memory_space<vmem>>
        %dma_start3A_100 = arith.constant 0 : i32
        %dma_start3A_101 = arith.constant 0 : i32
        %dma_start3A_102 = tpu.memref_slice %arg5[%dma_start3A_100, %dma_start3A_101] : memref<1000000x128xf32, #tpu.memory_space<hbm>> -> memref<1000000x128xf32, #tpu.memory_space<hbm>>
        tpu.enqueue_indirect_dma source(%dma_start3A_102 : memref<1000000x128xf32, #tpu.memory_space<hbm>>) target(%dma_start3A_96 : memref<64x128xf32, #tpu.memory_space<vmem>>) offsets(%dma_start3A_99 : memref<64xi32, #tpu.memory_space<vmem>>) semaphore(%arg16 : memref<!tpu.dma_semaphore, #tpu.memory_space<semaphore_mem>>)
      } else {
      }
      %eq3A_58 = arith.constant 1 : i32
      %eq3A_59 = arith.cmpi eq, %rem3A_52, %eq3A_58 : i32
      %add3A_60 = arith.constant 1 : i32
      %add3A_61 = arith.addi %scan3A_50, %add3A_60 : i32
      %lt3A_62 = arith.constant 8 : i32
      %lt3A_63 = arith.cmpi slt, %add3A_61, %lt3A_62 : i32
      %and3A_64 = arith.andi %eq3A_59, %lt3A_63 : i1
      %convert_element_type3A_65 = arith.extui %and3A_64 : i1 to i32
      %cond3A_66 = arith.constant 0 : i32
      %cond3A_67 = arith.cmpi ne, %convert_element_type3A_65, %cond3A_66 : i32
      scf.if %cond3A_67 {
        %add3A_83 = arith.constant 1 : i32
        %add3A_84 = arith.addi %scan3A_50, %add3A_83 : i32
        %dma_start3A_85 = arith.constant 0 : i32
        %dma_start3A_86 = arith.constant 0 : i32
        %dma_start3A_87 = tpu.memref_slice %arg9[%dma_start3A_85, %dma_start3A_86] : memref<128x128xf32, #tpu.memory_space<vmem>> -> memref<64x128xf32, #tpu.memory_space<vmem>>
        %dma_start3A_88 = arith.constant 0 : i32
        %dma_start3A_89 = tpu.memref_slice %arg7[%add3A_84, %dma_start3A_88] : memref<8x64xi32, #tpu.memory_space<vmem>> -> memref<1x64xi32, #tpu.memory_space<vmem>>
        %dma_start3A_90 = tpu.memref_squeeze %dma_start3A_89 : memref<1x64xi32, #tpu.memory_space<vmem>> -> memref<64xi32, #tpu.memory_space<vmem>>
        %dma_start3A_91 = arith.constant 0 : i32
        %dma_start3A_92 = arith.constant 0 : i32
        %dma_start3A_93 = tpu.memref_slice %arg4[%dma_start3A_91, %dma_start3A_92] : memref<1000000x128xf32, #tpu.memory_space<hbm>> -> memref<1000000x128xf32, #tpu.memory_space<hbm>>
        tpu.enqueue_indirect_dma source(%dma_start3A_93 : memref<1000000x128xf32, #tpu.memory_space<hbm>>) target(%dma_start3A_87 : memref<64x128xf32, #tpu.memory_space<vmem>>) offsets(%dma_start3A_90 : memref<64xi32, #tpu.memory_space<vmem>>) semaphore(%arg13 : memref<!tpu.dma_semaphore, #tpu.memory_space<semaphore_mem>>)
        %dma_start3A_94 = arith.constant 0 : i32
        %dma_start3A_95 = arith.constant 0 : i32
        %dma_start3A_96 = tpu.memref_slice %arg10[%dma_start3A_94, %dma_start3A_95] : memref<128x128xf32, #tpu.memory_space<vmem>> -> memref<64x128xf32, #tpu.memory_space<vmem>>
        %dma_start3A_97 = arith.constant 0 : i32
        %dma_start3A_98 = tpu.memref_slice %arg8[%add3A_84, %dma_start3A_97] : memref<8x64xi32, #tpu.memory_space<vmem>> -> memref<1x64xi32, #tpu.memory_space<vmem>>
        %dma_start3A_99 = tpu.memref_squeeze %dma_start3A_98 : memref<1x64xi32, #tpu.memory_space<vmem>> -> memref<64xi32, #tpu.memory_space<vmem>>
        %dma_start3A_100 = arith.constant 0 : i32
        %dma_start3A_101 = arith.constant 0 : i32
        %dma_start3A_102 = tpu.memref_slice %arg5[%dma_start3A_100, %dma_start3A_101] : memref<1000000x128xf32, #tpu.memory_space<hbm>> -> memref<1000000x128xf32, #tpu.memory_space<hbm>>
        tpu.enqueue_indirect_dma source(%dma_start3A_102 : memref<1000000x128xf32, #tpu.memory_space<hbm>>) target(%dma_start3A_96 : memref<64x128xf32, #tpu.memory_space<vmem>>) offsets(%dma_start3A_99 : memref<64xi32, #tpu.memory_space<vmem>>) semaphore(%arg14 : memref<!tpu.dma_semaphore, #tpu.memory_space<semaphore_mem>>)
      } else {
      }
      %eq3A_68 = arith.constant 0 : i32
      %eq3A_69 = arith.cmpi eq, %rem3A_52, %eq3A_68 : i32
      %convert_element_type3A_70 = arith.extui %eq3A_69 : i1 to i32
      %cond3A_71 = arith.constant 0 : i32
      %cond3A_72 = arith.cmpi ne, %convert_element_type3A_70, %cond3A_71 : i32
      scf.if %cond3A_72 {
        %dma_wait3A_83 = arith.constant 0 : i32
        %dma_wait3A_84 = arith.constant 0 : i32
        %dma_wait3A_85 = arith.constant 0 : i32
        %dma_wait3A_86 = tpu.memref_slice %arg9[%dma_wait3A_84, %dma_wait3A_85] : memref<128x128xf32, #tpu.memory_space<vmem>> -> memref<64x128xf32, #tpu.memory_space<vmem>>
        %dma_wait3A_87 = arith.constant 0 : i32
        %dma_wait3A_88 = tpu.memref_slice %arg7[%dma_wait3A_83, %dma_wait3A_87] : memref<8x64xi32, #tpu.memory_space<vmem>> -> memref<1x64xi32, #tpu.memory_space<vmem>>
        %dma_wait3A_89 = tpu.memref_squeeze %dma_wait3A_88 : memref<1x64xi32, #tpu.memory_space<vmem>> -> memref<64xi32, #tpu.memory_space<vmem>>
        %dma_wait3A_90 = arith.constant 0 : i32
        %dma_wait3A_91 = arith.constant 0 : i32
        %dma_wait3A_92 = tpu.memref_slice %arg4[%dma_wait3A_90, %dma_wait3A_91] : memref<1000000x128xf32, #tpu.memory_space<hbm>> -> memref<1000000x128xf32, #tpu.memory_space<hbm>>
        tpu.wait_indirect_dma semaphore(%arg13 : memref<!tpu.dma_semaphore, #tpu.memory_space<semaphore_mem>>) src(%dma_wait3A_92 : memref<1000000x128xf32, #tpu.memory_space<hbm>>) dst(%dma_wait3A_86 : memref<64x128xf32, #tpu.memory_space<vmem>>)
        %dma_wait3A_93 = arith.constant 0 : i32
        %dma_wait3A_94 = arith.constant 0 : i32
        %dma_wait3A_95 = arith.constant 0 : i32
        %dma_wait3A_96 = tpu.memref_slice %arg10[%dma_wait3A_94, %dma_wait3A_95] : memref<128x128xf32, #tpu.memory_space<vmem>> -> memref<64x128xf32, #tpu.memory_space<vmem>>
        %dma_wait3A_97 = arith.constant 0 : i32
        %dma_wait3A_98 = tpu.memref_slice %arg8[%dma_wait3A_93, %dma_wait3A_97] : memref<8x64xi32, #tpu.memory_space<vmem>> -> memref<1x64xi32, #tpu.memory_space<vmem>>
        %dma_wait3A_99 = tpu.memref_squeeze %dma_wait3A_98 : memref<1x64xi32, #tpu.memory_space<vmem>> -> memref<64xi32, #tpu.memory_space<vmem>>
        %dma_wait3A_100 = arith.constant 0 : i32
        %dma_wait3A_101 = arith.constant 0 : i32
        %dma_wait3A_102 = tpu.memref_slice %arg5[%dma_wait3A_100, %dma_wait3A_101] : memref<1000000x128xf32, #tpu.memory_space<hbm>> -> memref<1000000x128xf32, #tpu.memory_space<hbm>>
        tpu.wait_indirect_dma semaphore(%arg14 : memref<!tpu.dma_semaphore, #tpu.memory_space<semaphore_mem>>) src(%dma_wait3A_102 : memref<1000000x128xf32, #tpu.memory_space<hbm>>) dst(%dma_wait3A_96 : memref<64x128xf32, #tpu.memory_space<vmem>>)
      } else {
      }
      %eq3A_73 = arith.constant 1 : i32
      %eq3A_74 = arith.cmpi eq, %rem3A_52, %eq3A_73 : i32
      %convert_element_type3A_75 = arith.extui %eq3A_74 : i1 to i32
      %cond3A_76 = arith.constant 0 : i32
      %cond3A_77 = arith.cmpi ne, %convert_element_type3A_75, %cond3A_76 : i32
      scf.if %cond3A_77 {
        %dma_wait3A_83 = arith.constant 0 : i32
        %dma_wait3A_84 = arith.constant 64 : i32
        %dma_wait3A_85 = arith.constant 0 : i32
        %dma_wait3A_86 = tpu.memref_slice %arg9[%dma_wait3A_84, %dma_wait3A_85] : memref<128x128xf32, #tpu.memory_space<vmem>> -> memref<64x128xf32, #tpu.memory_space<vmem>>
        %dma_wait3A_87 = arith.constant 0 : i32
        %dma_wait3A_88 = tpu.memref_slice %arg7[%dma_wait3A_83, %dma_wait3A_87] : memref<8x64xi32, #tpu.memory_space<vmem>> -> memref<1x64xi32, #tpu.memory_space<vmem>>
        %dma_wait3A_89 = tpu.memref_squeeze %dma_wait3A_88 : memref<1x64xi32, #tpu.memory_space<vmem>> -> memref<64xi32, #tpu.memory_space<vmem>>
        %dma_wait3A_90 = arith.constant 0 : i32
        %dma_wait3A_91 = arith.constant 0 : i32
        %dma_wait3A_92 = tpu.memref_slice %arg4[%dma_wait3A_90, %dma_wait3A_91] : memref<1000000x128xf32, #tpu.memory_space<hbm>> -> memref<1000000x128xf32, #tpu.memory_space<hbm>>
        tpu.wait_indirect_dma semaphore(%arg15 : memref<!tpu.dma_semaphore, #tpu.memory_space<semaphore_mem>>) src(%dma_wait3A_92 : memref<1000000x128xf32, #tpu.memory_space<hbm>>) dst(%dma_wait3A_86 : memref<64x128xf32, #tpu.memory_space<vmem>>)
        %dma_wait3A_93 = arith.constant 0 : i32
        %dma_wait3A_94 = arith.constant 64 : i32
        %dma_wait3A_95 = arith.constant 0 : i32
        %dma_wait3A_96 = tpu.memref_slice %arg10[%dma_wait3A_94, %dma_wait3A_95] : memref<128x128xf32, #tpu.memory_space<vmem>> -> memref<64x128xf32, #tpu.memory_space<vmem>>
        %dma_wait3A_97 = arith.constant 0 : i32
        %dma_wait3A_98 = tpu.memref_slice %arg8[%dma_wait3A_93, %dma_wait3A_97] : memref<8x64xi32, #tpu.memory_space<vmem>> -> memref<1x64xi32, #tpu.memory_space<vmem>>
        %dma_wait3A_99 = tpu.memref_squeeze %dma_wait3A_98 : memref<1x64xi32, #tpu.memory_space<vmem>> -> memref<64xi32, #tpu.memory_space<vmem>>
        %dma_wait3A_100 = arith.constant 0 : i32
        %dma_wait3A_101 = arith.constant 0 : i32
        %dma_wait3A_102 = tpu.memref_slice %arg5[%dma_wait3A_100, %dma_wait3A_101] : memref<1000000x128xf32, #tpu.memory_space<hbm>> -> memref<1000000x128xf32, #tpu.memory_space<hbm>>
        tpu.wait_indirect_dma semaphore(%arg16 : memref<!tpu.dma_semaphore, #tpu.memory_space<semaphore_mem>>) src(%dma_wait3A_102 : memref<1000000x128xf32, #tpu.memory_space<hbm>>) dst(%dma_wait3A_96 : memref<64x128xf32, #tpu.memory_space<vmem>>)
      } else {
      }
      %mul3A_78 = arith.constant 64 : i32
      %mul3A_79 = arith.muli %rem3A_52, %mul3A_78 : i32
      %parallel_loop3A = arith.constant 0 : i32
      %parallel_loop3A_80 = arith.constant 4 : i32
      %parallel_loop3A_81 = arith.constant 1 : i32
      scf.for %parallel_loop3A_83 = %parallel_loop3A to %parallel_loop3A_80 step %parallel_loop3A_81  : i32 {
        %parallel_loop3A_84 = arith.constant 16 : i32
        %parallel_loop3A_85 = arith.muli %parallel_loop3A_83, %parallel_loop3A_84 : i32
        %parallel_loop3A_86 = arith.constant 256 : i32
        %parallel_loop3A_87 = arith.muli %parallel_loop3A_83, %parallel_loop3A_86 : i32
        %parallel_loop3A_88 = arith.addi %mul3A_79, %parallel_loop3A_85 : i32
        %parallel_loop3A_89 = arith.constant 0 : i32
        %parallel_loop3A_90 = arith.addi %parallel_loop3A_88, %parallel_loop3A_89 : i32
        %parallel_loop3A_91 = arith.index_cast %parallel_loop3A_90 : i32 to index
        %parallel_loop3A_92 = arith.constant 0 : index
        %parallel_loop3A_93 = tpu.vector_load %arg9[%parallel_loop3A_91, %parallel_loop3A_92] {strides = array<i32>} : memref<128x128xf32, #tpu.memory_space<vmem>>, vector<16xf32>,
        %parallel_loop3A_94 = arith.index_cast %parallel_loop3A_90 : i32 to index
        %parallel_loop3A_95 = arith.constant 0 : index
        %parallel_loop3A_96 = tpu.vector_load %arg10[%parallel_loop3A_94, %parallel_loop3A_95] {strides = array<i32>} : memref<128x128xf32, #tpu.memory_space<vmem>>, vector<16xf32>,
        %parallel_loop3A_97 = arith.mulf %parallel_loop3A_93, %parallel_loop3A_96 : vector<16xf32>
        %parallel_loop3A_98 = arith.index_cast %parallel_loop3A_90 : i32 to index
        %parallel_loop3A_99 = arith.constant 16 : index
        %parallel_loop3A_100 = tpu.vector_load %arg9[%parallel_loop3A_98, %parallel_loop3A_99] {strides = array<i32>} : memref<128x128xf32, #tpu.memory_space<vmem>>, vector<16xf32>,
        %parallel_loop3A_101 = arith.index_cast %parallel_loop3A_90 : i32 to index
        %parallel_loop3A_102 = arith.constant 16 : index
        %parallel_loop3A_103 = tpu.vector_load %arg10[%parallel_loop3A_101, %parallel_loop3A_102] {strides = array<i32>} : memref<128x128xf32, #tpu.memory_space<vmem>>, vector<16xf32>,
        %parallel_loop3A_104 = arith.mulf %parallel_loop3A_100, %parallel_loop3A_103 : vector<16xf32>
        %parallel_loop3A_105 = arith.index_cast %parallel_loop3A_90 : i32 to index
        %parallel_loop3A_106 = arith.constant 32 : index
        %parallel_loop3A_107 = tpu.vector_load %arg9[%parallel_loop3A_105, %parallel_loop3A_106] {strides = array<i32>} : memref<128x128xf32, #tpu.memory_space<vmem>>, vector<16xf32>,
        %parallel_loop3A_108 = arith.index_cast %parallel_loop3A_90 : i32 to index
        %parallel_loop3A_109 = arith.constant 32 : index
        %parallel_loop3A_110 = tpu.vector_load %arg10[%parallel_loop3A_108, %parallel_loop3A_109] {strides = array<i32>} : memref<128x128xf32, #tpu.memory_space<vmem>>, vector<16xf32>,
        %parallel_loop3A_111 = arith.mulf %parallel_loop3A_107, %parallel_loop3A_110 : vector<16xf32>
        %parallel_loop3A_112 = arith.index_cast %parallel_loop3A_90 : i32 to index
        %parallel_loop3A_113 = arith.constant 48 : index
        %parallel_loop3A_114 = tpu.vector_load %arg9[%parallel_loop3A_112, %parallel_loop3A_113] {strides = array<i32>} : memref<128x128xf32, #tpu.memory_space<vmem>>, vector<16xf32>,
        %parallel_loop3A_115 = arith.index_cast %parallel_loop3A_90 : i32 to index
        %parallel_loop3A_116 = arith.constant 48 : index
        %parallel_loop3A_117 = tpu.vector_load %arg10[%parallel_loop3A_115, %parallel_loop3A_116] {strides = array<i32>} : memref<128x128xf32, #tpu.memory_space<vmem>>, vector<16xf32>,
        %parallel_loop3A_118 = arith.mulf %parallel_loop3A_114, %parallel_loop3A_117 : vector<16xf32>
        %parallel_loop3A_119 = arith.index_cast %parallel_loop3A_90 : i32 to index
        %parallel_loop3A_120 = arith.constant 64 : index
        %parallel_loop3A_121 = tpu.vector_load %arg9[%parallel_loop3A_119, %parallel_loop3A_120] {strides = array<i32>} : memref<128x128xf32, #tpu.memory_space<vmem>>, vector<16xf32>,
        %parallel_loop3A_122 = arith.index_cast %parallel_loop3A_90 : i32 to index
        %parallel_loop3A_123 = arith.constant 64 : index
        %parallel_loop3A_124 = tpu.vector_load %arg10[%parallel_loop3A_122, %parallel_loop3A_123] {strides = array<i32>} : memref<128x128xf32, #tpu.memory_space<vmem>>, vector<16xf32>,
        %parallel_loop3A_125 = arith.mulf %parallel_loop3A_121, %parallel_loop3A_124 : vector<16xf32>
        %parallel_loop3A_126 = arith.index_cast %parallel_loop3A_90 : i32 to index
        %parallel_loop3A_127 = arith.constant 80 : index
        %parallel_loop3A_128 = tpu.vector_load %arg9[%parallel_loop3A_126, %parallel_loop3A_127] {strides = array<i32>} : memref<128x128xf32, #tpu.memory_space<vmem>>, vector<16xf32>,
        %parallel_loop3A_129 = arith.index_cast %parallel_loop3A_90 : i32 to index
        %parallel_loop3A_130 = arith.constant 80 : index
        %parallel_loop3A_131 = tpu.vector_load %arg10[%parallel_loop3A_129, %parallel_loop3A_130] {strides = array<i32>} : memref<128x128xf32, #tpu.memory_space<vmem>>, vector<16xf32>,
        %parallel_loop3A_132 = arith.mulf %parallel_loop3A_128, %parallel_loop3A_131 : vector<16xf32>
        %parallel_loop3A_133 = arith.index_cast %parallel_loop3A_90 : i32 to index
        %parallel_loop3A_134 = arith.constant 96 : index
        %parallel_loop3A_135 = tpu.vector_load %arg9[%parallel_loop3A_133, %parallel_loop3A_134] {strides = array<i32>} : memref<128x128xf32, #tpu.memory_space<vmem>>, vector<16xf32>,
        %parallel_loop3A_136 = arith.index_cast %parallel_loop3A_90 : i32 to index
        %parallel_loop3A_137 = arith.constant 96 : index
        %parallel_loop3A_138 = tpu.vector_load %arg10[%parallel_loop3A_136, %parallel_loop3A_137] {strides = array<i32>} : memref<128x128xf32, #tpu.memory_space<vmem>>, vector<16xf32>,
        %parallel_loop3A_139 = arith.mulf %parallel_loop3A_135, %parallel_loop3A_138 : vector<16xf32>
        %parallel_loop3A_140 = arith.index_cast %parallel_loop3A_90 : i32 to index
        %parallel_loop3A_141 = arith.constant 112 : index
        %parallel_loop3A_142 = tpu.vector_load %arg9[%parallel_loop3A_140, %parallel_loop3A_141] {strides = array<i32>} : memref<128x128xf32, #tpu.memory_space<vmem>>, vector<16xf32>,
        %parallel_loop3A_143 = arith.index_cast %parallel_loop3A_90 : i32 to index
        %parallel_loop3A_144 = arith.constant 112 : index
        %parallel_loop3A_145 = tpu.vector_load %arg10[%parallel_loop3A_143, %parallel_loop3A_144] {strides = array<i32>} : memref<128x128xf32, #tpu.memory_space<vmem>>, vector<16xf32>,
        %parallel_loop3A_146 = arith.mulf %parallel_loop3A_142, %parallel_loop3A_145 : vector<16xf32>
        %parallel_loop3A_147 = arith.addf %parallel_loop3A_97, %parallel_loop3A_104 : vector<16xf32>
        %parallel_loop3A_148 = arith.addf %parallel_loop3A_111, %parallel_loop3A_118 : vector<16xf32>
        %parallel_loop3A_149 = arith.addf %parallel_loop3A_125, %parallel_loop3A_132 : vector<16xf32>
        %parallel_loop3A_150 = arith.addf %parallel_loop3A_139, %parallel_loop3A_146 : vector<16xf32>
        %parallel_loop3A_151 = arith.addf %parallel_loop3A_147, %parallel_loop3A_148 : vector<16xf32>
        %parallel_loop3A_152 = arith.addf %parallel_loop3A_149, %parallel_loop3A_150 : vector<16xf32>
        %parallel_loop3A_153 = arith.addf %parallel_loop3A_151, %parallel_loop3A_152 : vector<16xf32>
        %parallel_loop3A_154 = arith.constant 0 : i32
        %parallel_loop3A_155 = arith.addi %parallel_loop3A_87, %parallel_loop3A_154 : i32
        %parallel_loop3A_156 = arith.index_cast %parallel_loop3A_155 : i32 to index
        %parallel_loop3A_157 = tpu.vector_load %arg11[%parallel_loop3A_156] {strides = array<i32>} : memref<1024xf32, #tpu.memory_space<vmem>>, vector<16xf32>,
        tpu.vector_store %arg11[%parallel_loop3A_156], %parallel_loop3A_153 {strides = array<i32>} : memref<1024xf32, #tpu.memory_space<vmem>>, vector<16xf32>,
        %parallel_loop3A_158 = arith.addi %mul3A_79, %parallel_loop3A_85 : i32
        %parallel_loop3A_159 = arith.constant 1 : i32
        %parallel_loop3A_160 = arith.addi %parallel_loop3A_158, %parallel_loop3A_159 : i32
        %parallel_loop3A_161 = arith.index_cast %parallel_loop3A_160 : i32 to index
        %parallel_loop3A_162 = arith.constant 0 : index
        %parallel_loop3A_163 = tpu.vector_load %arg9[%parallel_loop3A_161, %parallel_loop3A_162] {strides = array<i32>} : memref<128x128xf32, #tpu.memory_space<vmem>>, vector<16xf32>,
        %parallel_loop3A_164 = arith.index_cast %parallel_loop3A_160 : i32 to index
        %parallel_loop3A_165 = arith.constant 0 : index
        %parallel_loop3A_166 = tpu.vector_load %arg10[%parallel_loop3A_164, %parallel_loop3A_165] {strides = array<i32>} : memref<128x128xf32, #tpu.memory_space<vmem>>, vector<16xf32>,
        %parallel_loop3A_167 = arith.mulf %parallel_loop3A_163, %parallel_loop3A_166 : vector<16xf32>
        %parallel_loop3A_168 = arith.index_cast %parallel_loop3A_160 : i32 to index
        %parallel_loop3A_169 = arith.constant 16 : index
        %parallel_loop3A_170 = tpu.vector_load %arg9[%parallel_loop3A_168, %parallel_loop3A_169] {strides = array<i32>} : memref<128x128xf32, #tpu.memory_space<vmem>>, vector<16xf32>,
        %parallel_loop3A_171 = arith.index_cast %parallel_loop3A_160 : i32 to index
        %parallel_loop3A_172 = arith.constant 16 : index
        %parallel_loop3A_173 = tpu.vector_load %arg10[%parallel_loop3A_171, %parallel_loop3A_172] {strides = array<i32>} : memref<128x128xf32, #tpu.memory_space<vmem>>, vector<16xf32>,
        %parallel_loop3A_174 = arith.mulf %parallel_loop3A_170, %parallel_loop3A_173 : vector<16xf32>
        %parallel_loop3A_175 = arith.index_cast %parallel_loop3A_160 : i32 to index
        %parallel_loop3A_176 = arith.constant 32 : index
        %parallel_loop3A_177 = tpu.vector_load %arg9[%parallel_loop3A_175, %parallel_loop3A_176] {strides = array<i32>} : memref<128x128xf32, #tpu.memory_space<vmem>>, vector<16xf32>,
        %parallel_loop3A_178 = arith.index_cast %parallel_loop3A_160 : i32 to index
        %parallel_loop3A_179 = arith.constant 32 : index
        %parallel_loop3A_180 = tpu.vector_load %arg10[%parallel_loop3A_178, %parallel_loop3A_179] {strides = array<i32>} : memref<128x128xf32, #tpu.memory_space<vmem>>, vector<16xf32>,
        %parallel_loop3A_181 = arith.mulf %parallel_loop3A_177, %parallel_loop3A_180 : vector<16xf32>
        %parallel_loop3A_182 = arith.index_cast %parallel_loop3A_160 : i32 to index
        %parallel_loop3A_183 = arith.constant 48 : index
        %parallel_loop3A_184 = tpu.vector_load %arg9[%parallel_loop3A_182, %parallel_loop3A_183] {strides = array<i32>} : memref<128x128xf32, #tpu.memory_space<vmem>>, vector<16xf32>,
        %parallel_loop3A_185 = arith.index_cast %parallel_loop3A_160 : i32 to index
        %parallel_loop3A_186 = arith.constant 48 : index
        %parallel_loop3A_187 = tpu.vector_load %arg10[%parallel_loop3A_185, %parallel_loop3A_186] {strides = array<i32>} : memref<128x128xf32, #tpu.memory_space<vmem>>, vector<16xf32>,
        %parallel_loop3A_188 = arith.mulf %parallel_loop3A_184, %parallel_loop3A_187 : vector<16xf32>
        %parallel_loop3A_189 = arith.index_cast %parallel_loop3A_160 : i32 to index
        %parallel_loop3A_190 = arith.constant 64 : index
        %parallel_loop3A_191 = tpu.vector_load %arg9[%parallel_loop3A_189, %parallel_loop3A_190] {strides = array<i32>} : memref<128x128xf32, #tpu.memory_space<vmem>>, vector<16xf32>,
        %parallel_loop3A_192 = arith.index_cast %parallel_loop3A_160 : i32 to index
        %parallel_loop3A_193 = arith.constant 64 : index
        %parallel_loop3A_194 = tpu.vector_load %arg10[%parallel_loop3A_192, %parallel_loop3A_193] {strides = array<i32>} : memref<128x128xf32, #tpu.memory_space<vmem>>, vector<16xf32>,
        %parallel_loop3A_195 = arith.mulf %parallel_loop3A_191, %parallel_loop3A_194 : vector<16xf32>
        %parallel_loop3A_196 = arith.index_cast %parallel_loop3A_160 : i32 to index
        %parallel_loop3A_197 = arith.constant 80 : index
        %parallel_loop3A_198 = tpu.vector_load %arg9[%parallel_loop3A_196, %parallel_loop3A_197] {strides = array<i32>} : memref<128x128xf32, #tpu.memory_space<vmem>>, vector<16xf32>,
        %parallel_loop3A_199 = arith.index_cast %parallel_loop3A_160 : i32 to index
        %parallel_loop3A_200 = arith.constant 80 : index
        %parallel_loop3A_201 = tpu.vector_load %arg10[%parallel_loop3A_199, %parallel_loop3A_200] {strides = array<i32>} : memref<128x128xf32, #tpu.memory_space<vmem>>, vector<16xf32>,
        %parallel_loop3A_202 = arith.mulf %parallel_loop3A_198, %parallel_loop3A_201 : vector<16xf32>
        %parallel_loop3A_203 = arith.index_cast %parallel_loop3A_160 : i32 to index
        %parallel_loop3A_204 = arith.constant 96 : index
        %parallel_loop3A_205 = tpu.vector_load %arg9[%parallel_loop3A_203, %parallel_loop3A_204] {strides = array<i32>} : memref<128x128xf32, #tpu.memory_space<vmem>>, vector<16xf32>,
        %parallel_loop3A_206 = arith.index_cast %parallel_loop3A_160 : i32 to index
        %parallel_loop3A_207 = arith.constant 96 : index
        %parallel_loop3A_208 = tpu.vector_load %arg10[%parallel_loop3A_206, %parallel_loop3A_207] {strides = array<i32>} : memref<128x128xf32, #tpu.memory_space<vmem>>, vector<16xf32>,
        %parallel_loop3A_209 = arith.mulf %parallel_loop3A_205, %parallel_loop3A_208 : vector<16xf32>
        %parallel_loop3A_210 = arith.index_cast %parallel_loop3A_160 : i32 to index
        %parallel_loop3A_211 = arith.constant 112 : index
        %parallel_loop3A_212 = tpu.vector_load %arg9[%parallel_loop3A_210, %parallel_loop3A_211] {strides = array<i32>} : memref<128x128xf32, #tpu.memory_space<vmem>>, vector<16xf32>,
        %parallel_loop3A_213 = arith.index_cast %parallel_loop3A_160 : i32 to index
        %parallel_loop3A_214 = arith.constant 112 : index
        %parallel_loop3A_215 = tpu.vector_load %arg10[%parallel_loop3A_213, %parallel_loop3A_214] {strides = array<i32>} : memref<128x128xf32, #tpu.memory_space<vmem>>, vector<16xf32>,
        %parallel_loop3A_216 = arith.mulf %parallel_loop3A_212, %parallel_loop3A_215 : vector<16xf32>
        %parallel_loop3A_217 = arith.addf %parallel_loop3A_167, %parallel_loop3A_174 : vector<16xf32>
        %parallel_loop3A_218 = arith.addf %parallel_loop3A_181, %parallel_loop3A_188 : vector<16xf32>
        %parallel_loop3A_219 = arith.addf %parallel_loop3A_195, %parallel_loop3A_202 : vector<16xf32>
        %parallel_loop3A_220 = arith.addf %parallel_loop3A_209, %parallel_loop3A_216 : vector<16xf32>
        %parallel_loop3A_221 = arith.addf %parallel_loop3A_217, %parallel_loop3A_218 : vector<16xf32>
        %parallel_loop3A_222 = arith.addf %parallel_loop3A_219, %parallel_loop3A_220 : vector<16xf32>
        %parallel_loop3A_223 = arith.addf %parallel_loop3A_221, %parallel_loop3A_222 : vector<16xf32>
        %parallel_loop3A_224 = arith.constant 16 : i32
        %parallel_loop3A_225 = arith.addi %parallel_loop3A_87, %parallel_loop3A_224 : i32
        %parallel_loop3A_226 = arith.index_cast %parallel_loop3A_225 : i32 to index
        %parallel_loop3A_227 = tpu.vector_load %arg11[%parallel_loop3A_226] {strides = array<i32>} : memref<1024xf32, #tpu.memory_space<vmem>>, vector<16xf32>,
        tpu.vector_store %arg11[%parallel_loop3A_226], %parallel_loop3A_223 {strides = array<i32>} : memref<1024xf32, #tpu.memory_space<vmem>>, vector<16xf32>,
        %parallel_loop3A_228 = arith.addi %mul3A_79, %parallel_loop3A_85 : i32
        %parallel_loop3A_229 = arith.constant 2 : i32
        %parallel_loop3A_230 = arith.addi %parallel_loop3A_228, %parallel_loop3A_229 : i32
        %parallel_loop3A_231 = arith.index_cast %parallel_loop3A_230 : i32 to index
        %parallel_loop3A_232 = arith.constant 0 : index
        %parallel_loop3A_233 = tpu.vector_load %arg9[%parallel_loop3A_231, %parallel_loop3A_232] {strides = array<i32>} : memref<128x128xf32, #tpu.memory_space<vmem>>, vector<16xf32>,
        %parallel_loop3A_234 = arith.index_cast %parallel_loop3A_230 : i32 to index
        %parallel_loop3A_235 = arith.constant 0 : index
        %parallel_loop3A_236 = tpu.vector_load %arg10[%parallel_loop3A_234, %parallel_loop3A_235] {strides = array<i32>} : memref<128x128xf32, #tpu.memory_space<vmem>>, vector<16xf32>,
        %parallel_loop3A_237 = arith.mulf %parallel_loop3A_233, %parallel_loop3A_236 : vector<16xf32>
        %parallel_loop3A_238 = arith.index_cast %parallel_loop3A_230 : i32 to index
        %parallel_loop3A_239 = arith.constant 16 : index
        %parallel_loop3A_240 = tpu.vector_load %arg9[%parallel_loop3A_238, %parallel_loop3A_239] {strides = array<i32>} : memref<128x128xf32, #tpu.memory_space<vmem>>, vector<16xf32>,
        %parallel_loop3A_241 = arith.index_cast %parallel_loop3A_230 : i32 to index
        %parallel_loop3A_242 = arith.constant 16 : index
        %parallel_loop3A_243 = tpu.vector_load %arg10[%parallel_loop3A_241, %parallel_loop3A_242] {strides = array<i32>} : memref<128x128xf32, #tpu.memory_space<vmem>>, vector<16xf32>,
        %parallel_loop3A_244 = arith.mulf %parallel_loop3A_240, %parallel_loop3A_243 : vector<16xf32>
        %parallel_loop3A_245 = arith.index_cast %parallel_loop3A_230 : i32 to index
        %parallel_loop3A_246 = arith.constant 32 : index
        %parallel_loop3A_247 = tpu.vector_load %arg9[%parallel_loop3A_245, %parallel_loop3A_246] {strides = array<i32>} : memref<128x128xf32, #tpu.memory_space<vmem>>, vector<16xf32>,
        %parallel_loop3A_248 = arith.index_cast %parallel_loop3A_230 : i32 to index
        %parallel_loop3A_249 = arith.constant 32 : index
        %parallel_loop3A_250 = tpu.vector_load %arg10[%parallel_loop3A_248, %parallel_loop3A_249] {strides = array<i32>} : memref<128x128xf32, #tpu.memory_space<vmem>>, vector<16xf32>,
        %parallel_loop3A_251 = arith.mulf %parallel_loop3A_247, %parallel_loop3A_250 : vector<16xf32>
        %parallel_loop3A_252 = arith.index_cast %parallel_loop3A_230 : i32 to index
        %parallel_loop3A_253 = arith.constant 48 : index
        %parallel_loop3A_254 = tpu.vector_load %arg9[%parallel_loop3A_252, %parallel_loop3A_253] {strides = array<i32>} : memref<128x128xf32, #tpu.memory_space<vmem>>, vector<16xf32>,
        %parallel_loop3A_255 = arith.index_cast %parallel_loop3A_230 : i32 to index
        %parallel_loop3A_256 = arith.constant 48 : index
        %parallel_loop3A_257 = tpu.vector_load %arg10[%parallel_loop3A_255, %parallel_loop3A_256] {strides = array<i32>} : memref<128x128xf32, #tpu.memory_space<vmem>>, vector<16xf32>,
        %parallel_loop3A_258 = arith.mulf %parallel_loop3A_254, %parallel_loop3A_257 : vector<16xf32>
        %parallel_loop3A_259 = arith.index_cast %parallel_loop3A_230 : i32 to index
        %parallel_loop3A_260 = arith.constant 64 : index
        %parallel_loop3A_261 = tpu.vector_load %arg9[%parallel_loop3A_259, %parallel_loop3A_260] {strides = array<i32>} : memref<128x128xf32, #tpu.memory_space<vmem>>, vector<16xf32>,
        %parallel_loop3A_262 = arith.index_cast %parallel_loop3A_230 : i32 to index
        %parallel_loop3A_263 = arith.constant 64 : index
        %parallel_loop3A_264 = tpu.vector_load %arg10[%parallel_loop3A_262, %parallel_loop3A_263] {strides = array<i32>} : memref<128x128xf32, #tpu.memory_space<vmem>>, vector<16xf32>,
        %parallel_loop3A_265 = arith.mulf %parallel_loop3A_261, %parallel_loop3A_264 : vector<16xf32>
        %parallel_loop3A_266 = arith.index_cast %parallel_loop3A_230 : i32 to index
        %parallel_loop3A_267 = arith.constant 80 : index
        %parallel_loop3A_268 = tpu.vector_load %arg9[%parallel_loop3A_266, %parallel_loop3A_267] {strides = array<i32>} : memref<128x128xf32, #tpu.memory_space<vmem>>, vector<16xf32>,
        %parallel_loop3A_269 = arith.index_cast %parallel_loop3A_230 : i32 to index
        %parallel_loop3A_270 = arith.constant 80 : index
        %parallel_loop3A_271 = tpu.vector_load %arg10[%parallel_loop3A_269, %parallel_loop3A_270] {strides = array<i32>} : memref<128x128xf32, #tpu.memory_space<vmem>>, vector<16xf32>,
        %parallel_loop3A_272 = arith.mulf %parallel_loop3A_268, %parallel_loop3A_271 : vector<16xf32>
        %parallel_loop3A_273 = arith.index_cast %parallel_loop3A_230 : i32 to index
        %parallel_loop3A_274 = arith.constant 96 : index
        %parallel_loop3A_275 = tpu.vector_load %arg9[%parallel_loop3A_273, %parallel_loop3A_274] {strides = array<i32>} : memref<128x128xf32, #tpu.memory_space<vmem>>, vector<16xf32>,
        %parallel_loop3A_276 = arith.index_cast %parallel_loop3A_230 : i32 to index
        %parallel_loop3A_277 = arith.constant 96 : index
        %parallel_loop3A_278 = tpu.vector_load %arg10[%parallel_loop3A_276, %parallel_loop3A_277] {strides = array<i32>} : memref<128x128xf32, #tpu.memory_space<vmem>>, vector<16xf32>,
        %parallel_loop3A_279 = arith.mulf %parallel_loop3A_275, %parallel_loop3A_278 : vector<16xf32>
        %parallel_loop3A_280 = arith.index_cast %parallel_loop3A_230 : i32 to index
        %parallel_loop3A_281 = arith.constant 112 : index
        %parallel_loop3A_282 = tpu.vector_load %arg9[%parallel_loop3A_280, %parallel_loop3A_281] {strides = array<i32>} : memref<128x128xf32, #tpu.memory_space<vmem>>, vector<16xf32>,
        %parallel_loop3A_283 = arith.index_cast %parallel_loop3A_230 : i32 to index
        %parallel_loop3A_284 = arith.constant 112 : index
        %parallel_loop3A_285 = tpu.vector_load %arg10[%parallel_loop3A_283, %parallel_loop3A_284] {strides = array<i32>} : memref<128x128xf32, #tpu.memory_space<vmem>>, vector<16xf32>,
        %parallel_loop3A_286 = arith.mulf %parallel_loop3A_282, %parallel_loop3A_285 : vector<16xf32>
        %parallel_loop3A_287 = arith.addf %parallel_loop3A_237, %parallel_loop3A_244 : vector<16xf32>
        %parallel_loop3A_288 = arith.addf %parallel_loop3A_251, %parallel_loop3A_258 : vector<16xf32>
        %parallel_loop3A_289 = arith.addf %parallel_loop3A_265, %parallel_loop3A_272 : vector<16xf32>
        %parallel_loop3A_290 = arith.addf %parallel_loop3A_279, %parallel_loop3A_286 : vector<16xf32>
        %parallel_loop3A_291 = arith.addf %parallel_loop3A_287, %parallel_loop3A_288 : vector<16xf32>
        %parallel_loop3A_292 = arith.addf %parallel_loop3A_289, %parallel_loop3A_290 : vector<16xf32>
        %parallel_loop3A_293 = arith.addf %parallel_loop3A_291, %parallel_loop3A_292 : vector<16xf32>
        %parallel_loop3A_294 = arith.constant 32 : i32
        %parallel_loop3A_295 = arith.addi %parallel_loop3A_87, %parallel_loop3A_294 : i32
        %parallel_loop3A_296 = arith.index_cast %parallel_loop3A_295 : i32 to index
        %parallel_loop3A_297 = tpu.vector_load %arg11[%parallel_loop3A_296] {strides = array<i32>} : memref<1024xf32, #tpu.memory_space<vmem>>, vector<16xf32>,
        tpu.vector_store %arg11[%parallel_loop3A_296], %parallel_loop3A_293 {strides = array<i32>} : memref<1024xf32, #tpu.memory_space<vmem>>, vector<16xf32>,
        %parallel_loop3A_298 = arith.addi %mul3A_79, %parallel_loop3A_85 : i32
        %parallel_loop3A_299 = arith.constant 3 : i32
        %parallel_loop3A_300 = arith.addi %parallel_loop3A_298, %parallel_loop3A_299 : i32
        %parallel_loop3A_301 = arith.index_cast %parallel_loop3A_300 : i32 to index
        %parallel_loop3A_302 = arith.constant 0 : index
        %parallel_loop3A_303 = tpu.vector_load %arg9[%parallel_loop3A_301, %parallel_loop3A_302] {strides = array<i32>} : memref<128x128xf32, #tpu.memory_space<vmem>>, vector<16xf32>,
        %parallel_loop3A_304 = arith.index_cast %parallel_loop3A_300 : i32 to index
        %parallel_loop3A_305 = arith.constant 0 : index
        %parallel_loop3A_306 = tpu.vector_load %arg10[%parallel_loop3A_304, %parallel_loop3A_305] {strides = array<i32>} : memref<128x128xf32, #tpu.memory_space<vmem>>, vector<16xf32>,
        %parallel_loop3A_307 = arith.mulf %parallel_loop3A_303, %parallel_loop3A_306 : vector<16xf32>
        %parallel_loop3A_308 = arith.index_cast %parallel_loop3A_300 : i32 to index
        %parallel_loop3A_309 = arith.constant 16 : index
        %parallel_loop3A_310 = tpu.vector_load %arg9[%parallel_loop3A_308, %parallel_loop3A_309] {strides = array<i32>} : memref<128x128xf32, #tpu.memory_space<vmem>>, vector<16xf32>,
        %parallel_loop3A_311 = arith.index_cast %parallel_loop3A_300 : i32 to index
        %parallel_loop3A_312 = arith.constant 16 : index
        %parallel_loop3A_313 = tpu.vector_load %arg10[%parallel_loop3A_311, %parallel_loop3A_312] {strides = array<i32>} : memref<128x128xf32, #tpu.memory_space<vmem>>, vector<16xf32>,
        %parallel_loop3A_314 = arith.mulf %parallel_loop3A_310, %parallel_loop3A_313 : vector<16xf32>
        %parallel_loop3A_315 = arith.index_cast %parallel_loop3A_300 : i32 to index
        %parallel_loop3A_316 = arith.constant 32 : index
        %parallel_loop3A_317 = tpu.vector_load %arg9[%parallel_loop3A_315, %parallel_loop3A_316] {strides = array<i32>} : memref<128x128xf32, #tpu.memory_space<vmem>>, vector<16xf32>,
        %parallel_loop3A_318 = arith.index_cast %parallel_loop3A_300 : i32 to index
        %parallel_loop3A_319 = arith.constant 32 : index
        %parallel_loop3A_320 = tpu.vector_load %arg10[%parallel_loop3A_318, %parallel_loop3A_319] {strides = array<i32>} : memref<128x128xf32, #tpu.memory_space<vmem>>, vector<16xf32>,
        %parallel_loop3A_321 = arith.mulf %parallel_loop3A_317, %parallel_loop3A_320 : vector<16xf32>
        %parallel_loop3A_322 = arith.index_cast %parallel_loop3A_300 : i32 to index
        %parallel_loop3A_323 = arith.constant 48 : index
        %parallel_loop3A_324 = tpu.vector_load %arg9[%parallel_loop3A_322, %parallel_loop3A_323] {strides = array<i32>} : memref<128x128xf32, #tpu.memory_space<vmem>>, vector<16xf32>,
        %parallel_loop3A_325 = arith.index_cast %parallel_loop3A_300 : i32 to index
        %parallel_loop3A_326 = arith.constant 48 : index
        %parallel_loop3A_327 = tpu.vector_load %arg10[%parallel_loop3A_325, %parallel_loop3A_326] {strides = array<i32>} : memref<128x128xf32, #tpu.memory_space<vmem>>, vector<16xf32>,
        %parallel_loop3A_328 = arith.mulf %parallel_loop3A_324, %parallel_loop3A_327 : vector<16xf32>
        %parallel_loop3A_329 = arith.index_cast %parallel_loop3A_300 : i32 to index
        %parallel_loop3A_330 = arith.constant 64 : index
        %parallel_loop3A_331 = tpu.vector_load %arg9[%parallel_loop3A_329, %parallel_loop3A_330] {strides = array<i32>} : memref<128x128xf32, #tpu.memory_space<vmem>>, vector<16xf32>,
        %parallel_loop3A_332 = arith.index_cast %parallel_loop3A_300 : i32 to index
        %parallel_loop3A_333 = arith.constant 64 : index
        %parallel_loop3A_334 = tpu.vector_load %arg10[%parallel_loop3A_332, %parallel_loop3A_333] {strides = array<i32>} : memref<128x128xf32, #tpu.memory_space<vmem>>, vector<16xf32>,
        %parallel_loop3A_335 = arith.mulf %parallel_loop3A_331, %parallel_loop3A_334 : vector<16xf32>
        %parallel_loop3A_336 = arith.index_cast %parallel_loop3A_300 : i32 to index
        %parallel_loop3A_337 = arith.constant 80 : index
        %parallel_loop3A_338 = tpu.vector_load %arg9[%parallel_loop3A_336, %parallel_loop3A_337] {strides = array<i32>} : memref<128x128xf32, #tpu.memory_space<vmem>>, vector<16xf32>,
        %parallel_loop3A_339 = arith.index_cast %parallel_loop3A_300 : i32 to index
        %parallel_loop3A_340 = arith.constant 80 : index
        %parallel_loop3A_341 = tpu.vector_load %arg10[%parallel_loop3A_339, %parallel_loop3A_340] {strides = array<i32>} : memref<128x128xf32, #tpu.memory_space<vmem>>, vector<16xf32>,
        %parallel_loop3A_342 = arith.mulf %parallel_loop3A_338, %parallel_loop3A_341 : vector<16xf32>
        %parallel_loop3A_343 = arith.index_cast %parallel_loop3A_300 : i32 to index
        %parallel_loop3A_344 = arith.constant 96 : index
        %parallel_loop3A_345 = tpu.vector_load %arg9[%parallel_loop3A_343, %parallel_loop3A_344] {strides = array<i32>} : memref<128x128xf32, #tpu.memory_space<vmem>>, vector<16xf32>,
        %parallel_loop3A_346 = arith.index_cast %parallel_loop3A_300 : i32 to index
        %parallel_loop3A_347 = arith.constant 96 : index
        %parallel_loop3A_348 = tpu.vector_load %arg10[%parallel_loop3A_346, %parallel_loop3A_347] {strides = array<i32>} : memref<128x128xf32, #tpu.memory_space<vmem>>, vector<16xf32>,
        %parallel_loop3A_349 = arith.mulf %parallel_loop3A_345, %parallel_loop3A_348 : vector<16xf32>
        %parallel_loop3A_350 = arith.index_cast %parallel_loop3A_300 : i32 to index
        %parallel_loop3A_351 = arith.constant 112 : index
        %parallel_loop3A_352 = tpu.vector_load %arg9[%parallel_loop3A_350, %parallel_loop3A_351] {strides = array<i32>} : memref<128x128xf32, #tpu.memory_space<vmem>>, vector<16xf32>,
        %parallel_loop3A_353 = arith.index_cast %parallel_loop3A_300 : i32 to index
        %parallel_loop3A_354 = arith.constant 112 : index
        %parallel_loop3A_355 = tpu.vector_load %arg10[%parallel_loop3A_353, %parallel_loop3A_354] {strides = array<i32>} : memref<128x128xf32, #tpu.memory_space<vmem>>, vector<16xf32>,
        %parallel_loop3A_356 = arith.mulf %parallel_loop3A_352, %parallel_loop3A_355 : vector<16xf32>
        %parallel_loop3A_357 = arith.addf %parallel_loop3A_307, %parallel_loop3A_314 : vector<16xf32>
        %parallel_loop3A_358 = arith.addf %parallel_loop3A_321, %parallel_loop3A_328 : vector<16xf32>
        %parallel_loop3A_359 = arith.addf %parallel_loop3A_335, %parallel_loop3A_342 : vector<16xf32>
        %parallel_loop3A_360 = arith.addf %parallel_loop3A_349, %parallel_loop3A_356 : vector<16xf32>
        %parallel_loop3A_361 = arith.addf %parallel_loop3A_357, %parallel_loop3A_358 : vector<16xf32>
        %parallel_loop3A_362 = arith.addf %parallel_loop3A_359, %parallel_loop3A_360 : vector<16xf32>
        %parallel_loop3A_363 = arith.addf %parallel_loop3A_361, %parallel_loop3A_362 : vector<16xf32>
        %parallel_loop3A_364 = arith.constant 48 : i32
        %parallel_loop3A_365 = arith.addi %parallel_loop3A_87, %parallel_loop3A_364 : i32
        %parallel_loop3A_366 = arith.index_cast %parallel_loop3A_365 : i32 to index
        %parallel_loop3A_367 = tpu.vector_load %arg11[%parallel_loop3A_366] {strides = array<i32>} : memref<1024xf32, #tpu.memory_space<vmem>>, vector<16xf32>,
        tpu.vector_store %arg11[%parallel_loop3A_366], %parallel_loop3A_363 {strides = array<i32>} : memref<1024xf32, #tpu.memory_space<vmem>>, vector<16xf32>,
        %parallel_loop3A_368 = arith.addi %mul3A_79, %parallel_loop3A_85 : i32
        %parallel_loop3A_369 = arith.constant 4 : i32
        %parallel_loop3A_370 = arith.addi %parallel_loop3A_368, %parallel_loop3A_369 : i32
        %parallel_loop3A_371 = arith.index_cast %parallel_loop3A_370 : i32 to index
        %parallel_loop3A_372 = arith.constant 0 : index
        %parallel_loop3A_373 = tpu.vector_load %arg9[%parallel_loop3A_371, %parallel_loop3A_372] {strides = array<i32>} : memref<128x128xf32, #tpu.memory_space<vmem>>, vector<16xf32>,
        %parallel_loop3A_374 = arith.index_cast %parallel_loop3A_370 : i32 to index
        %parallel_loop3A_375 = arith.constant 0 : index
        %parallel_loop3A_376 = tpu.vector_load %arg10[%parallel_loop3A_374, %parallel_loop3A_375] {strides = array<i32>} : memref<128x128xf32, #tpu.memory_space<vmem>>, vector<16xf32>,
        %parallel_loop3A_377 = arith.mulf %parallel_loop3A_373, %parallel_loop3A_376 : vector<16xf32>
        %parallel_loop3A_378 = arith.index_cast %parallel_loop3A_370 : i32 to index
        %parallel_loop3A_379 = arith.constant 16 : index
        %parallel_loop3A_380 = tpu.vector_load %arg9[%parallel_loop3A_378, %parallel_loop3A_379] {strides = array<i32>} : memref<128x128xf32, #tpu.memory_space<vmem>>, vector<16xf32>,
        %parallel_loop3A_381 = arith.index_cast %parallel_loop3A_370 : i32 to index
        %parallel_loop3A_382 = arith.constant 16 : index
        %parallel_loop3A_383 = tpu.vector_load %arg10[%parallel_loop3A_381, %parallel_loop3A_382] {strides = array<i32>} : memref<128x128xf32, #tpu.memory_space<vmem>>, vector<16xf32>,
        %parallel_loop3A_384 = arith.mulf %parallel_loop3A_380, %parallel_loop3A_383 : vector<16xf32>
        %parallel_loop3A_385 = arith.index_cast %parallel_loop3A_370 : i32 to index
        %parallel_loop3A_386 = arith.constant 32 : index
        %parallel_loop3A_387 = tpu.vector_load %arg9[%parallel_loop3A_385, %parallel_loop3A_386] {strides = array<i32>} : memref<128x128xf32, #tpu.memory_space<vmem>>, vector<16xf32>,
        %parallel_loop3A_388 = arith.index_cast %parallel_loop3A_370 : i32 to index
        %parallel_loop3A_389 = arith.constant 32 : index
        %parallel_loop3A_390 = tpu.vector_load %arg10[%parallel_loop3A_388, %parallel_loop3A_389] {strides = array<i32>} : memref<128x128xf32, #tpu.memory_space<vmem>>, vector<16xf32>,
        %parallel_loop3A_391 = arith.mulf %parallel_loop3A_387, %parallel_loop3A_390 : vector<16xf32>
        %parallel_loop3A_392 = arith.index_cast %parallel_loop3A_370 : i32 to index
        %parallel_loop3A_393 = arith.constant 48 : index
        %parallel_loop3A_394 = tpu.vector_load %arg9[%parallel_loop3A_392, %parallel_loop3A_393] {strides = array<i32>} : memref<128x128xf32, #tpu.memory_space<vmem>>, vector<16xf32>,
        %parallel_loop3A_395 = arith.index_cast %parallel_loop3A_370 : i32 to index
        %parallel_loop3A_396 = arith.constant 48 : index
        %parallel_loop3A_397 = tpu.vector_load %arg10[%parallel_loop3A_395, %parallel_loop3A_396] {strides = array<i32>} : memref<128x128xf32, #tpu.memory_space<vmem>>, vector<16xf32>,
        %parallel_loop3A_398 = arith.mulf %parallel_loop3A_394, %parallel_loop3A_397 : vector<16xf32>
        %parallel_loop3A_399 = arith.index_cast %parallel_loop3A_370 : i32 to index
        %parallel_loop3A_400 = arith.constant 64 : index
        %parallel_loop3A_401 = tpu.vector_load %arg9[%parallel_loop3A_399, %parallel_loop3A_400] {strides = array<i32>} : memref<128x128xf32, #tpu.memory_space<vmem>>, vector<16xf32>,
        %parallel_loop3A_402 = arith.index_cast %parallel_loop3A_370 : i32 to index
        %parallel_loop3A_403 = arith.constant 64 : index
        %parallel_loop3A_404 = tpu.vector_load %arg10[%parallel_loop3A_402, %parallel_loop3A_403] {strides = array<i32>} : memref<128x128xf32, #tpu.memory_space<vmem>>, vector<16xf32>,
        %parallel_loop3A_405 = arith.mulf %parallel_loop3A_401, %parallel_loop3A_404 : vector<16xf32>
        %parallel_loop3A_406 = arith.index_cast %parallel_loop3A_370 : i32 to index
        %parallel_loop3A_407 = arith.constant 80 : index
        %parallel_loop3A_408 = tpu.vector_load %arg9[%parallel_loop3A_406, %parallel_loop3A_407] {strides = array<i32>} : memref<128x128xf32, #tpu.memory_space<vmem>>, vector<16xf32>,
        %parallel_loop3A_409 = arith.index_cast %parallel_loop3A_370 : i32 to index
        %parallel_loop3A_410 = arith.constant 80 : index
        %parallel_loop3A_411 = tpu.vector_load %arg10[%parallel_loop3A_409, %parallel_loop3A_410] {strides = array<i32>} : memref<128x128xf32, #tpu.memory_space<vmem>>, vector<16xf32>,
        %parallel_loop3A_412 = arith.mulf %parallel_loop3A_408, %parallel_loop3A_411 : vector<16xf32>
        %parallel_loop3A_413 = arith.index_cast %parallel_loop3A_370 : i32 to index
        %parallel_loop3A_414 = arith.constant 96 : index
        %parallel_loop3A_415 = tpu.vector_load %arg9[%parallel_loop3A_413, %parallel_loop3A_414] {strides = array<i32>} : memref<128x128xf32, #tpu.memory_space<vmem>>, vector<16xf32>,
        %parallel_loop3A_416 = arith.index_cast %parallel_loop3A_370 : i32 to index
        %parallel_loop3A_417 = arith.constant 96 : index
        %parallel_loop3A_418 = tpu.vector_load %arg10[%parallel_loop3A_416, %parallel_loop3A_417] {strides = array<i32>} : memref<128x128xf32, #tpu.memory_space<vmem>>, vector<16xf32>,
        %parallel_loop3A_419 = arith.mulf %parallel_loop3A_415, %parallel_loop3A_418 : vector<16xf32>
        %parallel_loop3A_420 = arith.index_cast %parallel_loop3A_370 : i32 to index
        %parallel_loop3A_421 = arith.constant 112 : index
        %parallel_loop3A_422 = tpu.vector_load %arg9[%parallel_loop3A_420, %parallel_loop3A_421] {strides = array<i32>} : memref<128x128xf32, #tpu.memory_space<vmem>>, vector<16xf32>,
        %parallel_loop3A_423 = arith.index_cast %parallel_loop3A_370 : i32 to index
        %parallel_loop3A_424 = arith.constant 112 : index
        %parallel_loop3A_425 = tpu.vector_load %arg10[%parallel_loop3A_423, %parallel_loop3A_424] {strides = array<i32>} : memref<128x128xf32, #tpu.memory_space<vmem>>, vector<16xf32>,
        %parallel_loop3A_426 = arith.mulf %parallel_loop3A_422, %parallel_loop3A_425 : vector<16xf32>
        %parallel_loop3A_427 = arith.addf %parallel_loop3A_377, %parallel_loop3A_384 : vector<16xf32>
        %parallel_loop3A_428 = arith.addf %parallel_loop3A_391, %parallel_loop3A_398 : vector<16xf32>
        %parallel_loop3A_429 = arith.addf %parallel_loop3A_405, %parallel_loop3A_412 : vector<16xf32>
        %parallel_loop3A_430 = arith.addf %parallel_loop3A_419, %parallel_loop3A_426 : vector<16xf32>
        %parallel_loop3A_431 = arith.addf %parallel_loop3A_427, %parallel_loop3A_428 : vector<16xf32>
        %parallel_loop3A_432 = arith.addf %parallel_loop3A_429, %parallel_loop3A_430 : vector<16xf32>
        %parallel_loop3A_433 = arith.addf %parallel_loop3A_431, %parallel_loop3A_432 : vector<16xf32>
        %parallel_loop3A_434 = arith.constant 64 : i32
        %parallel_loop3A_435 = arith.addi %parallel_loop3A_87, %parallel_loop3A_434 : i32
        %parallel_loop3A_436 = arith.index_cast %parallel_loop3A_435 : i32 to index
        %parallel_loop3A_437 = tpu.vector_load %arg11[%parallel_loop3A_436] {strides = array<i32>} : memref<1024xf32, #tpu.memory_space<vmem>>, vector<16xf32>,
        tpu.vector_store %arg11[%parallel_loop3A_436], %parallel_loop3A_433 {strides = array<i32>} : memref<1024xf32, #tpu.memory_space<vmem>>, vector<16xf32>,
        %parallel_loop3A_438 = arith.addi %mul3A_79, %parallel_loop3A_85 : i32
        %parallel_loop3A_439 = arith.constant 5 : i32
        %parallel_loop3A_440 = arith.addi %parallel_loop3A_438, %parallel_loop3A_439 : i32
        %parallel_loop3A_441 = arith.index_cast %parallel_loop3A_440 : i32 to index
        %parallel_loop3A_442 = arith.constant 0 : index
        %parallel_loop3A_443 = tpu.vector_load %arg9[%parallel_loop3A_441, %parallel_loop3A_442] {strides = array<i32>} : memref<128x128xf32, #tpu.memory_space<vmem>>, vector<16xf32>,
        %parallel_loop3A_444 = arith.index_cast %parallel_loop3A_440 : i32 to index
        %parallel_loop3A_445 = arith.constant 0 : index
        %parallel_loop3A_446 = tpu.vector_load %arg10[%parallel_loop3A_444, %parallel_loop3A_445] {strides = array<i32>} : memref<128x128xf32, #tpu.memory_space<vmem>>, vector<16xf32>,
        %parallel_loop3A_447 = arith.mulf %parallel_loop3A_443, %parallel_loop3A_446 : vector<16xf32>
        %parallel_loop3A_448 = arith.index_cast %parallel_loop3A_440 : i32 to index
        %parallel_loop3A_449 = arith.constant 16 : index
        %parallel_loop3A_450 = tpu.vector_load %arg9[%parallel_loop3A_448, %parallel_loop3A_449] {strides = array<i32>} : memref<128x128xf32, #tpu.memory_space<vmem>>, vector<16xf32>,
        %parallel_loop3A_451 = arith.index_cast %parallel_loop3A_440 : i32 to index
        %parallel_loop3A_452 = arith.constant 16 : index
        %parallel_loop3A_453 = tpu.vector_load %arg10[%parallel_loop3A_451, %parallel_loop3A_452] {strides = array<i32>} : memref<128x128xf32, #tpu.memory_space<vmem>>, vector<16xf32>,
        %parallel_loop3A_454 = arith.mulf %parallel_loop3A_450, %parallel_loop3A_453 : vector<16xf32>
        %parallel_loop3A_455 = arith.index_cast %parallel_loop3A_440 : i32 to index
        %parallel_loop3A_456 = arith.constant 32 : index
        %parallel_loop3A_457 = tpu.vector_load %arg9[%parallel_loop3A_455, %parallel_loop3A_456] {strides = array<i32>} : memref<128x128xf32, #tpu.memory_space<vmem>>, vector<16xf32>,
        %parallel_loop3A_458 = arith.index_cast %parallel_loop3A_440 : i32 to index
        %parallel_loop3A_459 = arith.constant 32 : index
        %parallel_loop3A_460 = tpu.vector_load %arg10[%parallel_loop3A_458, %parallel_loop3A_459] {strides = array<i32>} : memref<128x128xf32, #tpu.memory_space<vmem>>, vector<16xf32>,
        %parallel_loop3A_461 = arith.mulf %parallel_loop3A_457, %parallel_loop3A_460 : vector<16xf32>
        %parallel_loop3A_462 = arith.index_cast %parallel_loop3A_440 : i32 to index
        %parallel_loop3A_463 = arith.constant 48 : index
        %parallel_loop3A_464 = tpu.vector_load %arg9[%parallel_loop3A_462, %parallel_loop3A_463] {strides = array<i32>} : memref<128x128xf32, #tpu.memory_space<vmem>>, vector<16xf32>,
        %parallel_loop3A_465 = arith.index_cast %parallel_loop3A_440 : i32 to index
        %parallel_loop3A_466 = arith.constant 48 : index
        %parallel_loop3A_467 = tpu.vector_load %arg10[%parallel_loop3A_465, %parallel_loop3A_466] {strides = array<i32>} : memref<128x128xf32, #tpu.memory_space<vmem>>, vector<16xf32>,
        %parallel_loop3A_468 = arith.mulf %parallel_loop3A_464, %parallel_loop3A_467 : vector<16xf32>
        %parallel_loop3A_469 = arith.index_cast %parallel_loop3A_440 : i32 to index
        %parallel_loop3A_470 = arith.constant 64 : index
        %parallel_loop3A_471 = tpu.vector_load %arg9[%parallel_loop3A_469, %parallel_loop3A_470] {strides = array<i32>} : memref<128x128xf32, #tpu.memory_space<vmem>>, vector<16xf32>,
        %parallel_loop3A_472 = arith.index_cast %parallel_loop3A_440 : i32 to index
        %parallel_loop3A_473 = arith.constant 64 : index
        %parallel_loop3A_474 = tpu.vector_load %arg10[%parallel_loop3A_472, %parallel_loop3A_473] {strides = array<i32>} : memref<128x128xf32, #tpu.memory_space<vmem>>, vector<16xf32>,
        %parallel_loop3A_475 = arith.mulf %parallel_loop3A_471, %parallel_loop3A_474 : vector<16xf32>
        %parallel_loop3A_476 = arith.index_cast %parallel_loop3A_440 : i32 to index
        %parallel_loop3A_477 = arith.constant 80 : index
        %parallel_loop3A_478 = tpu.vector_load %arg9[%parallel_loop3A_476, %parallel_loop3A_477] {strides = array<i32>} : memref<128x128xf32, #tpu.memory_space<vmem>>, vector<16xf32>,
        %parallel_loop3A_479 = arith.index_cast %parallel_loop3A_440 : i32 to index
        %parallel_loop3A_480 = arith.constant 80 : index
        %parallel_loop3A_481 = tpu.vector_load %arg10[%parallel_loop3A_479, %parallel_loop3A_480] {strides = array<i32>} : memref<128x128xf32, #tpu.memory_space<vmem>>, vector<16xf32>,
        %parallel_loop3A_482 = arith.mulf %parallel_loop3A_478, %parallel_loop3A_481 : vector<16xf32>
        %parallel_loop3A_483 = arith.index_cast %parallel_loop3A_440 : i32 to index
        %parallel_loop3A_484 = arith.constant 96 : index
        %parallel_loop3A_485 = tpu.vector_load %arg9[%parallel_loop3A_483, %parallel_loop3A_484] {strides = array<i32>} : memref<128x128xf32, #tpu.memory_space<vmem>>, vector<16xf32>,
        %parallel_loop3A_486 = arith.index_cast %parallel_loop3A_440 : i32 to index
        %parallel_loop3A_487 = arith.constant 96 : index
        %parallel_loop3A_488 = tpu.vector_load %arg10[%parallel_loop3A_486, %parallel_loop3A_487] {strides = array<i32>} : memref<128x128xf32, #tpu.memory_space<vmem>>, vector<16xf32>,
        %parallel_loop3A_489 = arith.mulf %parallel_loop3A_485, %parallel_loop3A_488 : vector<16xf32>
        %parallel_loop3A_490 = arith.index_cast %parallel_loop3A_440 : i32 to index
        %parallel_loop3A_491 = arith.constant 112 : index
        %parallel_loop3A_492 = tpu.vector_load %arg9[%parallel_loop3A_490, %parallel_loop3A_491] {strides = array<i32>} : memref<128x128xf32, #tpu.memory_space<vmem>>, vector<16xf32>,
        %parallel_loop3A_493 = arith.index_cast %parallel_loop3A_440 : i32 to index
        %parallel_loop3A_494 = arith.constant 112 : index
        %parallel_loop3A_495 = tpu.vector_load %arg10[%parallel_loop3A_493, %parallel_loop3A_494] {strides = array<i32>} : memref<128x128xf32, #tpu.memory_space<vmem>>, vector<16xf32>,
        %parallel_loop3A_496 = arith.mulf %parallel_loop3A_492, %parallel_loop3A_495 : vector<16xf32>
        %parallel_loop3A_497 = arith.addf %parallel_loop3A_447, %parallel_loop3A_454 : vector<16xf32>
        %parallel_loop3A_498 = arith.addf %parallel_loop3A_461, %parallel_loop3A_468 : vector<16xf32>
        %parallel_loop3A_499 = arith.addf %parallel_loop3A_475, %parallel_loop3A_482 : vector<16xf32>
        %parallel_loop3A_500 = arith.addf %parallel_loop3A_489, %parallel_loop3A_496 : vector<16xf32>
        %parallel_loop3A_501 = arith.addf %parallel_loop3A_497, %parallel_loop3A_498 : vector<16xf32>
        %parallel_loop3A_502 = arith.addf %parallel_loop3A_499, %parallel_loop3A_500 : vector<16xf32>
        %parallel_loop3A_503 = arith.addf %parallel_loop3A_501, %parallel_loop3A_502 : vector<16xf32>
        %parallel_loop3A_504 = arith.constant 80 : i32
        %parallel_loop3A_505 = arith.addi %parallel_loop3A_87, %parallel_loop3A_504 : i32
        %parallel_loop3A_506 = arith.index_cast %parallel_loop3A_505 : i32 to index
        %parallel_loop3A_507 = tpu.vector_load %arg11[%parallel_loop3A_506] {strides = array<i32>} : memref<1024xf32, #tpu.memory_space<vmem>>, vector<16xf32>,
        tpu.vector_store %arg11[%parallel_loop3A_506], %parallel_loop3A_503 {strides = array<i32>} : memref<1024xf32, #tpu.memory_space<vmem>>, vector<16xf32>,
        %parallel_loop3A_508 = arith.addi %mul3A_79, %parallel_loop3A_85 : i32
        %parallel_loop3A_509 = arith.constant 6 : i32
        %parallel_loop3A_510 = arith.addi %parallel_loop3A_508, %parallel_loop3A_509 : i32
        %parallel_loop3A_511 = arith.index_cast %parallel_loop3A_510 : i32 to index
        %parallel_loop3A_512 = arith.constant 0 : index
        %parallel_loop3A_513 = tpu.vector_load %arg9[%parallel_loop3A_511, %parallel_loop3A_512] {strides = array<i32>} : memref<128x128xf32, #tpu.memory_space<vmem>>, vector<16xf32>,
        %parallel_loop3A_514 = arith.index_cast %parallel_loop3A_510 : i32 to index
        %parallel_loop3A_515 = arith.constant 0 : index
        %parallel_loop3A_516 = tpu.vector_load %arg10[%parallel_loop3A_514, %parallel_loop3A_515] {strides = array<i32>} : memref<128x128xf32, #tpu.memory_space<vmem>>, vector<16xf32>,
        %parallel_loop3A_517 = arith.mulf %parallel_loop3A_513, %parallel_loop3A_516 : vector<16xf32>
        %parallel_loop3A_518 = arith.index_cast %parallel_loop3A_510 : i32 to index
        %parallel_loop3A_519 = arith.constant 16 : index
        %parallel_loop3A_520 = tpu.vector_load %arg9[%parallel_loop3A_518, %parallel_loop3A_519] {strides = array<i32>} : memref<128x128xf32, #tpu.memory_space<vmem>>, vector<16xf32>,
        %parallel_loop3A_521 = arith.index_cast %parallel_loop3A_510 : i32 to index
        %parallel_loop3A_522 = arith.constant 16 : index
        %parallel_loop3A_523 = tpu.vector_load %arg10[%parallel_loop3A_521, %parallel_loop3A_522] {strides = array<i32>} : memref<128x128xf32, #tpu.memory_space<vmem>>, vector<16xf32>,
        %parallel_loop3A_524 = arith.mulf %parallel_loop3A_520, %parallel_loop3A_523 : vector<16xf32>
        %parallel_loop3A_525 = arith.index_cast %parallel_loop3A_510 : i32 to index
        %parallel_loop3A_526 = arith.constant 32 : index
        %parallel_loop3A_527 = tpu.vector_load %arg9[%parallel_loop3A_525, %parallel_loop3A_526] {strides = array<i32>} : memref<128x128xf32, #tpu.memory_space<vmem>>, vector<16xf32>,
        %parallel_loop3A_528 = arith.index_cast %parallel_loop3A_510 : i32 to index
        %parallel_loop3A_529 = arith.constant 32 : index
        %parallel_loop3A_530 = tpu.vector_load %arg10[%parallel_loop3A_528, %parallel_loop3A_529] {strides = array<i32>} : memref<128x128xf32, #tpu.memory_space<vmem>>, vector<16xf32>,
        %parallel_loop3A_531 = arith.mulf %parallel_loop3A_527, %parallel_loop3A_530 : vector<16xf32>
        %parallel_loop3A_532 = arith.index_cast %parallel_loop3A_510 : i32 to index
        %parallel_loop3A_533 = arith.constant 48 : index
        %parallel_loop3A_534 = tpu.vector_load %arg9[%parallel_loop3A_532, %parallel_loop3A_533] {strides = array<i32>} : memref<128x128xf32, #tpu.memory_space<vmem>>, vector<16xf32>,
        %parallel_loop3A_535 = arith.index_cast %parallel_loop3A_510 : i32 to index
        %parallel_loop3A_536 = arith.constant 48 : index
        %parallel_loop3A_537 = tpu.vector_load %arg10[%parallel_loop3A_535, %parallel_loop3A_536] {strides = array<i32>} : memref<128x128xf32, #tpu.memory_space<vmem>>, vector<16xf32>,
        %parallel_loop3A_538 = arith.mulf %parallel_loop3A_534, %parallel_loop3A_537 : vector<16xf32>
        %parallel_loop3A_539 = arith.index_cast %parallel_loop3A_510 : i32 to index
        %parallel_loop3A_540 = arith.constant 64 : index
        %parallel_loop3A_541 = tpu.vector_load %arg9[%parallel_loop3A_539, %parallel_loop3A_540] {strides = array<i32>} : memref<128x128xf32, #tpu.memory_space<vmem>>, vector<16xf32>,
        %parallel_loop3A_542 = arith.index_cast %parallel_loop3A_510 : i32 to index
        %parallel_loop3A_543 = arith.constant 64 : index
        %parallel_loop3A_544 = tpu.vector_load %arg10[%parallel_loop3A_542, %parallel_loop3A_543] {strides = array<i32>} : memref<128x128xf32, #tpu.memory_space<vmem>>, vector<16xf32>,
        %parallel_loop3A_545 = arith.mulf %parallel_loop3A_541, %parallel_loop3A_544 : vector<16xf32>
        %parallel_loop3A_546 = arith.index_cast %parallel_loop3A_510 : i32 to index
        %parallel_loop3A_547 = arith.constant 80 : index
        %parallel_loop3A_548 = tpu.vector_load %arg9[%parallel_loop3A_546, %parallel_loop3A_547] {strides = array<i32>} : memref<128x128xf32, #tpu.memory_space<vmem>>, vector<16xf32>,
        %parallel_loop3A_549 = arith.index_cast %parallel_loop3A_510 : i32 to index
        %parallel_loop3A_550 = arith.constant 80 : index
        %parallel_loop3A_551 = tpu.vector_load %arg10[%parallel_loop3A_549, %parallel_loop3A_550] {strides = array<i32>} : memref<128x128xf32, #tpu.memory_space<vmem>>, vector<16xf32>,
        %parallel_loop3A_552 = arith.mulf %parallel_loop3A_548, %parallel_loop3A_551 : vector<16xf32>
        %parallel_loop3A_553 = arith.index_cast %parallel_loop3A_510 : i32 to index
        %parallel_loop3A_554 = arith.constant 96 : index
        %parallel_loop3A_555 = tpu.vector_load %arg9[%parallel_loop3A_553, %parallel_loop3A_554] {strides = array<i32>} : memref<128x128xf32, #tpu.memory_space<vmem>>, vector<16xf32>,
        %parallel_loop3A_556 = arith.index_cast %parallel_loop3A_510 : i32 to index
        %parallel_loop3A_557 = arith.constant 96 : index
        %parallel_loop3A_558 = tpu.vector_load %arg10[%parallel_loop3A_556, %parallel_loop3A_557] {strides = array<i32>} : memref<128x128xf32, #tpu.memory_space<vmem>>, vector<16xf32>,
        %parallel_loop3A_559 = arith.mulf %parallel_loop3A_555, %parallel_loop3A_558 : vector<16xf32>
        %parallel_loop3A_560 = arith.index_cast %parallel_loop3A_510 : i32 to index
        %parallel_loop3A_561 = arith.constant 112 : index
        %parallel_loop3A_562 = tpu.vector_load %arg9[%parallel_loop3A_560, %parallel_loop3A_561] {strides = array<i32>} : memref<128x128xf32, #tpu.memory_space<vmem>>, vector<16xf32>,
        %parallel_loop3A_563 = arith.index_cast %parallel_loop3A_510 : i32 to index
        %parallel_loop3A_564 = arith.constant 112 : index
        %parallel_loop3A_565 = tpu.vector_load %arg10[%parallel_loop3A_563, %parallel_loop3A_564] {strides = array<i32>} : memref<128x128xf32, #tpu.memory_space<vmem>>, vector<16xf32>,
        %parallel_loop3A_566 = arith.mulf %parallel_loop3A_562, %parallel_loop3A_565 : vector<16xf32>
        %parallel_loop3A_567 = arith.addf %parallel_loop3A_517, %parallel_loop3A_524 : vector<16xf32>
        %parallel_loop3A_568 = arith.addf %parallel_loop3A_531, %parallel_loop3A_538 : vector<16xf32>
        %parallel_loop3A_569 = arith.addf %parallel_loop3A_545, %parallel_loop3A_552 : vector<16xf32>
        %parallel_loop3A_570 = arith.addf %parallel_loop3A_559, %parallel_loop3A_566 : vector<16xf32>
        %parallel_loop3A_571 = arith.addf %parallel_loop3A_567, %parallel_loop3A_568 : vector<16xf32>
        %parallel_loop3A_572 = arith.addf %parallel_loop3A_569, %parallel_loop3A_570 : vector<16xf32>
        %parallel_loop3A_573 = arith.addf %parallel_loop3A_571, %parallel_loop3A_572 : vector<16xf32>
        %parallel_loop3A_574 = arith.constant 96 : i32
        %parallel_loop3A_575 = arith.addi %parallel_loop3A_87, %parallel_loop3A_574 : i32
        %parallel_loop3A_576 = arith.index_cast %parallel_loop3A_575 : i32 to index
        %parallel_loop3A_577 = tpu.vector_load %arg11[%parallel_loop3A_576] {strides = array<i32>} : memref<1024xf32, #tpu.memory_space<vmem>>, vector<16xf32>,
        tpu.vector_store %arg11[%parallel_loop3A_576], %parallel_loop3A_573 {strides = array<i32>} : memref<1024xf32, #tpu.memory_space<vmem>>, vector<16xf32>,
        %parallel_loop3A_578 = arith.addi %mul3A_79, %parallel_loop3A_85 : i32
        %parallel_loop3A_579 = arith.constant 7 : i32
        %parallel_loop3A_580 = arith.addi %parallel_loop3A_578, %parallel_loop3A_579 : i32
        %parallel_loop3A_581 = arith.index_cast %parallel_loop3A_580 : i32 to index
        %parallel_loop3A_582 = arith.constant 0 : index
        %parallel_loop3A_583 = tpu.vector_load %arg9[%parallel_loop3A_581, %parallel_loop3A_582] {strides = array<i32>} : memref<128x128xf32, #tpu.memory_space<vmem>>, vector<16xf32>,
        %parallel_loop3A_584 = arith.index_cast %parallel_loop3A_580 : i32 to index
        %parallel_loop3A_585 = arith.constant 0 : index
        %parallel_loop3A_586 = tpu.vector_load %arg10[%parallel_loop3A_584, %parallel_loop3A_585] {strides = array<i32>} : memref<128x128xf32, #tpu.memory_space<vmem>>, vector<16xf32>,
        %parallel_loop3A_587 = arith.mulf %parallel_loop3A_583, %parallel_loop3A_586 : vector<16xf32>
        %parallel_loop3A_588 = arith.index_cast %parallel_loop3A_580 : i32 to index
        %parallel_loop3A_589 = arith.constant 16 : index
        %parallel_loop3A_590 = tpu.vector_load %arg9[%parallel_loop3A_588, %parallel_loop3A_589] {strides = array<i32>} : memref<128x128xf32, #tpu.memory_space<vmem>>, vector<16xf32>,
        %parallel_loop3A_591 = arith.index_cast %parallel_loop3A_580 : i32 to index
        %parallel_loop3A_592 = arith.constant 16 : index
        %parallel_loop3A_593 = tpu.vector_load %arg10[%parallel_loop3A_591, %parallel_loop3A_592] {strides = array<i32>} : memref<128x128xf32, #tpu.memory_space<vmem>>, vector<16xf32>,
        %parallel_loop3A_594 = arith.mulf %parallel_loop3A_590, %parallel_loop3A_593 : vector<16xf32>
        %parallel_loop3A_595 = arith.index_cast %parallel_loop3A_580 : i32 to index
        %parallel_loop3A_596 = arith.constant 32 : index
        %parallel_loop3A_597 = tpu.vector_load %arg9[%parallel_loop3A_595, %parallel_loop3A_596] {strides = array<i32>} : memref<128x128xf32, #tpu.memory_space<vmem>>, vector<16xf32>,
        %parallel_loop3A_598 = arith.index_cast %parallel_loop3A_580 : i32 to index
        %parallel_loop3A_599 = arith.constant 32 : index
        %parallel_loop3A_600 = tpu.vector_load %arg10[%parallel_loop3A_598, %parallel_loop3A_599] {strides = array<i32>} : memref<128x128xf32, #tpu.memory_space<vmem>>, vector<16xf32>,
        %parallel_loop3A_601 = arith.mulf %parallel_loop3A_597, %parallel_loop3A_600 : vector<16xf32>
        %parallel_loop3A_602 = arith.index_cast %parallel_loop3A_580 : i32 to index
        %parallel_loop3A_603 = arith.constant 48 : index
        %parallel_loop3A_604 = tpu.vector_load %arg9[%parallel_loop3A_602, %parallel_loop3A_603] {strides = array<i32>} : memref<128x128xf32, #tpu.memory_space<vmem>>, vector<16xf32>,
        %parallel_loop3A_605 = arith.index_cast %parallel_loop3A_580 : i32 to index
        %parallel_loop3A_606 = arith.constant 48 : index
        %parallel_loop3A_607 = tpu.vector_load %arg10[%parallel_loop3A_605, %parallel_loop3A_606] {strides = array<i32>} : memref<128x128xf32, #tpu.memory_space<vmem>>, vector<16xf32>,
        %parallel_loop3A_608 = arith.mulf %parallel_loop3A_604, %parallel_loop3A_607 : vector<16xf32>
        %parallel_loop3A_609 = arith.index_cast %parallel_loop3A_580 : i32 to index
        %parallel_loop3A_610 = arith.constant 64 : index
        %parallel_loop3A_611 = tpu.vector_load %arg9[%parallel_loop3A_609, %parallel_loop3A_610] {strides = array<i32>} : memref<128x128xf32, #tpu.memory_space<vmem>>, vector<16xf32>,
        %parallel_loop3A_612 = arith.index_cast %parallel_loop3A_580 : i32 to index
        %parallel_loop3A_613 = arith.constant 64 : index
        %parallel_loop3A_614 = tpu.vector_load %arg10[%parallel_loop3A_612, %parallel_loop3A_613] {strides = array<i32>} : memref<128x128xf32, #tpu.memory_space<vmem>>, vector<16xf32>,
        %parallel_loop3A_615 = arith.mulf %parallel_loop3A_611, %parallel_loop3A_614 : vector<16xf32>
        %parallel_loop3A_616 = arith.index_cast %parallel_loop3A_580 : i32 to index
        %parallel_loop3A_617 = arith.constant 80 : index
        %parallel_loop3A_618 = tpu.vector_load %arg9[%parallel_loop3A_616, %parallel_loop3A_617] {strides = array<i32>} : memref<128x128xf32, #tpu.memory_space<vmem>>, vector<16xf32>,
        %parallel_loop3A_619 = arith.index_cast %parallel_loop3A_580 : i32 to index
        %parallel_loop3A_620 = arith.constant 80 : index
        %parallel_loop3A_621 = tpu.vector_load %arg10[%parallel_loop3A_619, %parallel_loop3A_620] {strides = array<i32>} : memref<128x128xf32, #tpu.memory_space<vmem>>, vector<16xf32>,
        %parallel_loop3A_622 = arith.mulf %parallel_loop3A_618, %parallel_loop3A_621 : vector<16xf32>
        %parallel_loop3A_623 = arith.index_cast %parallel_loop3A_580 : i32 to index
        %parallel_loop3A_624 = arith.constant 96 : index
        %parallel_loop3A_625 = tpu.vector_load %arg9[%parallel_loop3A_623, %parallel_loop3A_624] {strides = array<i32>} : memref<128x128xf32, #tpu.memory_space<vmem>>, vector<16xf32>,
        %parallel_loop3A_626 = arith.index_cast %parallel_loop3A_580 : i32 to index
        %parallel_loop3A_627 = arith.constant 96 : index
        %parallel_loop3A_628 = tpu.vector_load %arg10[%parallel_loop3A_626, %parallel_loop3A_627] {strides = array<i32>} : memref<128x128xf32, #tpu.memory_space<vmem>>, vector<16xf32>,
        %parallel_loop3A_629 = arith.mulf %parallel_loop3A_625, %parallel_loop3A_628 : vector<16xf32>
        %parallel_loop3A_630 = arith.index_cast %parallel_loop3A_580 : i32 to index
        %parallel_loop3A_631 = arith.constant 112 : index
        %parallel_loop3A_632 = tpu.vector_load %arg9[%parallel_loop3A_630, %parallel_loop3A_631] {strides = array<i32>} : memref<128x128xf32, #tpu.memory_space<vmem>>, vector<16xf32>,
        %parallel_loop3A_633 = arith.index_cast %parallel_loop3A_580 : i32 to index
        %parallel_loop3A_634 = arith.constant 112 : index
        %parallel_loop3A_635 = tpu.vector_load %arg10[%parallel_loop3A_633, %parallel_loop3A_634] {strides = array<i32>} : memref<128x128xf32, #tpu.memory_space<vmem>>, vector<16xf32>,
        %parallel_loop3A_636 = arith.mulf %parallel_loop3A_632, %parallel_loop3A_635 : vector<16xf32>
        %parallel_loop3A_637 = arith.addf %parallel_loop3A_587, %parallel_loop3A_594 : vector<16xf32>
        %parallel_loop3A_638 = arith.addf %parallel_loop3A_601, %parallel_loop3A_608 : vector<16xf32>
        %parallel_loop3A_639 = arith.addf %parallel_loop3A_615, %parallel_loop3A_622 : vector<16xf32>
        %parallel_loop3A_640 = arith.addf %parallel_loop3A_629, %parallel_loop3A_636 : vector<16xf32>
        %parallel_loop3A_641 = arith.addf %parallel_loop3A_637, %parallel_loop3A_638 : vector<16xf32>
        %parallel_loop3A_642 = arith.addf %parallel_loop3A_639, %parallel_loop3A_640 : vector<16xf32>
        %parallel_loop3A_643 = arith.addf %parallel_loop3A_641, %parallel_loop3A_642 : vector<16xf32>
        %parallel_loop3A_644 = arith.constant 112 : i32
        %parallel_loop3A_645 = arith.addi %parallel_loop3A_87, %parallel_loop3A_644 : i32
        %parallel_loop3A_646 = arith.index_cast %parallel_loop3A_645 : i32 to index
        %parallel_loop3A_647 = tpu.vector_load %arg11[%parallel_loop3A_646] {strides = array<i32>} : memref<1024xf32, #tpu.memory_space<vmem>>, vector<16xf32>,
        tpu.vector_store %arg11[%parallel_loop3A_646], %parallel_loop3A_643 {strides = array<i32>} : memref<1024xf32, #tpu.memory_space<vmem>>, vector<16xf32>,
        %parallel_loop3A_648 = arith.addi %mul3A_79, %parallel_loop3A_85 : i32
        %parallel_loop3A_649 = arith.constant 8 : i32
        %parallel_loop3A_650 = arith.addi %parallel_loop3A_648, %parallel_loop3A_649 : i32
        %parallel_loop3A_651 = arith.index_cast %parallel_loop3A_650 : i32 to index
        %parallel_loop3A_652 = arith.constant 0 : index
        %parallel_loop3A_653 = tpu.vector_load %arg9[%parallel_loop3A_651, %parallel_loop3A_652] {strides = array<i32>} : memref<128x128xf32, #tpu.memory_space<vmem>>, vector<16xf32>,
        %parallel_loop3A_654 = arith.index_cast %parallel_loop3A_650 : i32 to index
        %parallel_loop3A_655 = arith.constant 0 : index
        %parallel_loop3A_656 = tpu.vector_load %arg10[%parallel_loop3A_654, %parallel_loop3A_655] {strides = array<i32>} : memref<128x128xf32, #tpu.memory_space<vmem>>, vector<16xf32>,
        %parallel_loop3A_657 = arith.mulf %parallel_loop3A_653, %parallel_loop3A_656 : vector<16xf32>
        %parallel_loop3A_658 = arith.index_cast %parallel_loop3A_650 : i32 to index
        %parallel_loop3A_659 = arith.constant 16 : index
        %parallel_loop3A_660 = tpu.vector_load %arg9[%parallel_loop3A_658, %parallel_loop3A_659] {strides = array<i32>} : memref<128x128xf32, #tpu.memory_space<vmem>>, vector<16xf32>,
        %parallel_loop3A_661 = arith.index_cast %parallel_loop3A_650 : i32 to index
        %parallel_loop3A_662 = arith.constant 16 : index
        %parallel_loop3A_663 = tpu.vector_load %arg10[%parallel_loop3A_661, %parallel_loop3A_662] {strides = array<i32>} : memref<128x128xf32, #tpu.memory_space<vmem>>, vector<16xf32>,
        %parallel_loop3A_664 = arith.mulf %parallel_loop3A_660, %parallel_loop3A_663 : vector<16xf32>
        %parallel_loop3A_665 = arith.index_cast %parallel_loop3A_650 : i32 to index
        %parallel_loop3A_666 = arith.constant 32 : index
        %parallel_loop3A_667 = tpu.vector_load %arg9[%parallel_loop3A_665, %parallel_loop3A_666] {strides = array<i32>} : memref<128x128xf32, #tpu.memory_space<vmem>>, vector<16xf32>,
        %parallel_loop3A_668 = arith.index_cast %parallel_loop3A_650 : i32 to index
        %parallel_loop3A_669 = arith.constant 32 : index
        %parallel_loop3A_670 = tpu.vector_load %arg10[%parallel_loop3A_668, %parallel_loop3A_669] {strides = array<i32>} : memref<128x128xf32, #tpu.memory_space<vmem>>, vector<16xf32>,
        %parallel_loop3A_671 = arith.mulf %parallel_loop3A_667, %parallel_loop3A_670 : vector<16xf32>
        %parallel_loop3A_672 = arith.index_cast %parallel_loop3A_650 : i32 to index
        %parallel_loop3A_673 = arith.constant 48 : index
        %parallel_loop3A_674 = tpu.vector_load %arg9[%parallel_loop3A_672, %parallel_loop3A_673] {strides = array<i32>} : memref<128x128xf32, #tpu.memory_space<vmem>>, vector<16xf32>,
        %parallel_loop3A_675 = arith.index_cast %parallel_loop3A_650 : i32 to index
        %parallel_loop3A_676 = arith.constant 48 : index
        %parallel_loop3A_677 = tpu.vector_load %arg10[%parallel_loop3A_675, %parallel_loop3A_676] {strides = array<i32>} : memref<128x128xf32, #tpu.memory_space<vmem>>, vector<16xf32>,
        %parallel_loop3A_678 = arith.mulf %parallel_loop3A_674, %parallel_loop3A_677 : vector<16xf32>
        %parallel_loop3A_679 = arith.index_cast %parallel_loop3A_650 : i32 to index
        %parallel_loop3A_680 = arith.constant 64 : index
        %parallel_loop3A_681 = tpu.vector_load %arg9[%parallel_loop3A_679, %parallel_loop3A_680] {strides = array<i32>} : memref<128x128xf32, #tpu.memory_space<vmem>>, vector<16xf32>,
        %parallel_loop3A_682 = arith.index_cast %parallel_loop3A_650 : i32 to index
        %parallel_loop3A_683 = arith.constant 64 : index
        %parallel_loop3A_684 = tpu.vector_load %arg10[%parallel_loop3A_682, %parallel_loop3A_683] {strides = array<i32>} : memref<128x128xf32, #tpu.memory_space<vmem>>, vector<16xf32>,
        %parallel_loop3A_685 = arith.mulf %parallel_loop3A_681, %parallel_loop3A_684 : vector<16xf32>
        %parallel_loop3A_686 = arith.index_cast %parallel_loop3A_650 : i32 to index
        %parallel_loop3A_687 = arith.constant 80 : index
        %parallel_loop3A_688 = tpu.vector_load %arg9[%parallel_loop3A_686, %parallel_loop3A_687] {strides = array<i32>} : memref<128x128xf32, #tpu.memory_space<vmem>>, vector<16xf32>,
        %parallel_loop3A_689 = arith.index_cast %parallel_loop3A_650 : i32 to index
        %parallel_loop3A_690 = arith.constant 80 : index
        %parallel_loop3A_691 = tpu.vector_load %arg10[%parallel_loop3A_689, %parallel_loop3A_690] {strides = array<i32>} : memref<128x128xf32, #tpu.memory_space<vmem>>, vector<16xf32>,
        %parallel_loop3A_692 = arith.mulf %parallel_loop3A_688, %parallel_loop3A_691 : vector<16xf32>
        %parallel_loop3A_693 = arith.index_cast %parallel_loop3A_650 : i32 to index
        %parallel_loop3A_694 = arith.constant 96 : index
        %parallel_loop3A_695 = tpu.vector_load %arg9[%parallel_loop3A_693, %parallel_loop3A_694] {strides = array<i32>} : memref<128x128xf32, #tpu.memory_space<vmem>>, vector<16xf32>,
        %parallel_loop3A_696 = arith.index_cast %parallel_loop3A_650 : i32 to index
        %parallel_loop3A_697 = arith.constant 96 : index
        %parallel_loop3A_698 = tpu.vector_load %arg10[%parallel_loop3A_696, %parallel_loop3A_697] {strides = array<i32>} : memref<128x128xf32, #tpu.memory_space<vmem>>, vector<16xf32>,
        %parallel_loop3A_699 = arith.mulf %parallel_loop3A_695, %parallel_loop3A_698 : vector<16xf32>
        %parallel_loop3A_700 = arith.index_cast %parallel_loop3A_650 : i32 to index
        %parallel_loop3A_701 = arith.constant 112 : index
        %parallel_loop3A_702 = tpu.vector_load %arg9[%parallel_loop3A_700, %parallel_loop3A_701] {strides = array<i32>} : memref<128x128xf32, #tpu.memory_space<vmem>>, vector<16xf32>,
        %parallel_loop3A_703 = arith.index_cast %parallel_loop3A_650 : i32 to index
        %parallel_loop3A_704 = arith.constant 112 : index
        %parallel_loop3A_705 = tpu.vector_load %arg10[%parallel_loop3A_703, %parallel_loop3A_704] {strides = array<i32>} : memref<128x128xf32, #tpu.memory_space<vmem>>, vector<16xf32>,
        %parallel_loop3A_706 = arith.mulf %parallel_loop3A_702, %parallel_loop3A_705 : vector<16xf32>
        %parallel_loop3A_707 = arith.addf %parallel_loop3A_657, %parallel_loop3A_664 : vector<16xf32>
        %parallel_loop3A_708 = arith.addf %parallel_loop3A_671, %parallel_loop3A_678 : vector<16xf32>
        %parallel_loop3A_709 = arith.addf %parallel_loop3A_685, %parallel_loop3A_692 : vector<16xf32>
        %parallel_loop3A_710 = arith.addf %parallel_loop3A_699, %parallel_loop3A_706 : vector<16xf32>
        %parallel_loop3A_711 = arith.addf %parallel_loop3A_707, %parallel_loop3A_708 : vector<16xf32>
        %parallel_loop3A_712 = arith.addf %parallel_loop3A_709, %parallel_loop3A_710 : vector<16xf32>
        %parallel_loop3A_713 = arith.addf %parallel_loop3A_711, %parallel_loop3A_712 : vector<16xf32>
        %parallel_loop3A_714 = arith.constant 128 : i32
        %parallel_loop3A_715 = arith.addi %parallel_loop3A_87, %parallel_loop3A_714 : i32
        %parallel_loop3A_716 = arith.index_cast %parallel_loop3A_715 : i32 to index
        %parallel_loop3A_717 = tpu.vector_load %arg11[%parallel_loop3A_716] {strides = array<i32>} : memref<1024xf32, #tpu.memory_space<vmem>>, vector<16xf32>,
        tpu.vector_store %arg11[%parallel_loop3A_716], %parallel_loop3A_713 {strides = array<i32>} : memref<1024xf32, #tpu.memory_space<vmem>>, vector<16xf32>,
        %parallel_loop3A_718 = arith.addi %mul3A_79, %parallel_loop3A_85 : i32
        %parallel_loop3A_719 = arith.constant 9 : i32
        %parallel_loop3A_720 = arith.addi %parallel_loop3A_718, %parallel_loop3A_719 : i32
        %parallel_loop3A_721 = arith.index_cast %parallel_loop3A_720 : i32 to index
        %parallel_loop3A_722 = arith.constant 0 : index
        %parallel_loop3A_723 = tpu.vector_load %arg9[%parallel_loop3A_721, %parallel_loop3A_722] {strides = array<i32>} : memref<128x128xf32, #tpu.memory_space<vmem>>, vector<16xf32>,
        %parallel_loop3A_724 = arith.index_cast %parallel_loop3A_720 : i32 to index
        %parallel_loop3A_725 = arith.constant 0 : index
        %parallel_loop3A_726 = tpu.vector_load %arg10[%parallel_loop3A_724, %parallel_loop3A_725] {strides = array<i32>} : memref<128x128xf32, #tpu.memory_space<vmem>>, vector<16xf32>,
        %parallel_loop3A_727 = arith.mulf %parallel_loop3A_723, %parallel_loop3A_726 : vector<16xf32>
        %parallel_loop3A_728 = arith.index_cast %parallel_loop3A_720 : i32 to index
        %parallel_loop3A_729 = arith.constant 16 : index
        %parallel_loop3A_730 = tpu.vector_load %arg9[%parallel_loop3A_728, %parallel_loop3A_729] {strides = array<i32>} : memref<128x128xf32, #tpu.memory_space<vmem>>, vector<16xf32>,
        %parallel_loop3A_731 = arith.index_cast %parallel_loop3A_720 : i32 to index
        %parallel_loop3A_732 = arith.constant 16 : index
        %parallel_loop3A_733 = tpu.vector_load %arg10[%parallel_loop3A_731, %parallel_loop3A_732] {strides = array<i32>} : memref<128x128xf32, #tpu.memory_space<vmem>>, vector<16xf32>,
        %parallel_loop3A_734 = arith.mulf %parallel_loop3A_730, %parallel_loop3A_733 : vector<16xf32>
        %parallel_loop3A_735 = arith.index_cast %parallel_loop3A_720 : i32 to index
        %parallel_loop3A_736 = arith.constant 32 : index
        %parallel_loop3A_737 = tpu.vector_load %arg9[%parallel_loop3A_735, %parallel_loop3A_736] {strides = array<i32>} : memref<128x128xf32, #tpu.memory_space<vmem>>, vector<16xf32>,
        %parallel_loop3A_738 = arith.index_cast %parallel_loop3A_720 : i32 to index
        %parallel_loop3A_739 = arith.constant 32 : index
        %parallel_loop3A_740 = tpu.vector_load %arg10[%parallel_loop3A_738, %parallel_loop3A_739] {strides = array<i32>} : memref<128x128xf32, #tpu.memory_space<vmem>>, vector<16xf32>,
        %parallel_loop3A_741 = arith.mulf %parallel_loop3A_737, %parallel_loop3A_740 : vector<16xf32>
        %parallel_loop3A_742 = arith.index_cast %parallel_loop3A_720 : i32 to index
        %parallel_loop3A_743 = arith.constant 48 : index
        %parallel_loop3A_744 = tpu.vector_load %arg9[%parallel_loop3A_742, %parallel_loop3A_743] {strides = array<i32>} : memref<128x128xf32, #tpu.memory_space<vmem>>, vector<16xf32>,
        %parallel_loop3A_745 = arith.index_cast %parallel_loop3A_720 : i32 to index
        %parallel_loop3A_746 = arith.constant 48 : index
        %parallel_loop3A_747 = tpu.vector_load %arg10[%parallel_loop3A_745, %parallel_loop3A_746] {strides = array<i32>} : memref<128x128xf32, #tpu.memory_space<vmem>>, vector<16xf32>,
        %parallel_loop3A_748 = arith.mulf %parallel_loop3A_744, %parallel_loop3A_747 : vector<16xf32>
        %parallel_loop3A_749 = arith.index_cast %parallel_loop3A_720 : i32 to index
        %parallel_loop3A_750 = arith.constant 64 : index
        %parallel_loop3A_751 = tpu.vector_load %arg9[%parallel_loop3A_749, %parallel_loop3A_750] {strides = array<i32>} : memref<128x128xf32, #tpu.memory_space<vmem>>, vector<16xf32>,
        %parallel_loop3A_752 = arith.index_cast %parallel_loop3A_720 : i32 to index
        %parallel_loop3A_753 = arith.constant 64 : index
        %parallel_loop3A_754 = tpu.vector_load %arg10[%parallel_loop3A_752, %parallel_loop3A_753] {strides = array<i32>} : memref<128x128xf32, #tpu.memory_space<vmem>>, vector<16xf32>,
        %parallel_loop3A_755 = arith.mulf %parallel_loop3A_751, %parallel_loop3A_754 : vector<16xf32>
        %parallel_loop3A_756 = arith.index_cast %parallel_loop3A_720 : i32 to index
        %parallel_loop3A_757 = arith.constant 80 : index
        %parallel_loop3A_758 = tpu.vector_load %arg9[%parallel_loop3A_756, %parallel_loop3A_757] {strides = array<i32>} : memref<128x128xf32, #tpu.memory_space<vmem>>, vector<16xf32>,
        %parallel_loop3A_759 = arith.index_cast %parallel_loop3A_720 : i32 to index
        %parallel_loop3A_760 = arith.constant 80 : index
        %parallel_loop3A_761 = tpu.vector_load %arg10[%parallel_loop3A_759, %parallel_loop3A_760] {strides = array<i32>} : memref<128x128xf32, #tpu.memory_space<vmem>>, vector<16xf32>,
        %parallel_loop3A_762 = arith.mulf %parallel_loop3A_758, %parallel_loop3A_761 : vector<16xf32>
        %parallel_loop3A_763 = arith.index_cast %parallel_loop3A_720 : i32 to index
        %parallel_loop3A_764 = arith.constant 96 : index
        %parallel_loop3A_765 = tpu.vector_load %arg9[%parallel_loop3A_763, %parallel_loop3A_764] {strides = array<i32>} : memref<128x128xf32, #tpu.memory_space<vmem>>, vector<16xf32>,
        %parallel_loop3A_766 = arith.index_cast %parallel_loop3A_720 : i32 to index
        %parallel_loop3A_767 = arith.constant 96 : index
        %parallel_loop3A_768 = tpu.vector_load %arg10[%parallel_loop3A_766, %parallel_loop3A_767] {strides = array<i32>} : memref<128x128xf32, #tpu.memory_space<vmem>>, vector<16xf32>,
        %parallel_loop3A_769 = arith.mulf %parallel_loop3A_765, %parallel_loop3A_768 : vector<16xf32>
        %parallel_loop3A_770 = arith.index_cast %parallel_loop3A_720 : i32 to index
        %parallel_loop3A_771 = arith.constant 112 : index
        %parallel_loop3A_772 = tpu.vector_load %arg9[%parallel_loop3A_770, %parallel_loop3A_771] {strides = array<i32>} : memref<128x128xf32, #tpu.memory_space<vmem>>, vector<16xf32>,
        %parallel_loop3A_773 = arith.index_cast %parallel_loop3A_720 : i32 to index
        %parallel_loop3A_774 = arith.constant 112 : index
        %parallel_loop3A_775 = tpu.vector_load %arg10[%parallel_loop3A_773, %parallel_loop3A_774] {strides = array<i32>} : memref<128x128xf32, #tpu.memory_space<vmem>>, vector<16xf32>,
        %parallel_loop3A_776 = arith.mulf %parallel_loop3A_772, %parallel_loop3A_775 : vector<16xf32>
        %parallel_loop3A_777 = arith.addf %parallel_loop3A_727, %parallel_loop3A_734 : vector<16xf32>
        %parallel_loop3A_778 = arith.addf %parallel_loop3A_741, %parallel_loop3A_748 : vector<16xf32>
        %parallel_loop3A_779 = arith.addf %parallel_loop3A_755, %parallel_loop3A_762 : vector<16xf32>
        %parallel_loop3A_780 = arith.addf %parallel_loop3A_769, %parallel_loop3A_776 : vector<16xf32>
        %parallel_loop3A_781 = arith.addf %parallel_loop3A_777, %parallel_loop3A_778 : vector<16xf32>
        %parallel_loop3A_782 = arith.addf %parallel_loop3A_779, %parallel_loop3A_780 : vector<16xf32>
        %parallel_loop3A_783 = arith.addf %parallel_loop3A_781, %parallel_loop3A_782 : vector<16xf32>
        %parallel_loop3A_784 = arith.constant 144 : i32
        %parallel_loop3A_785 = arith.addi %parallel_loop3A_87, %parallel_loop3A_784 : i32
        %parallel_loop3A_786 = arith.index_cast %parallel_loop3A_785 : i32 to index
        %parallel_loop3A_787 = tpu.vector_load %arg11[%parallel_loop3A_786] {strides = array<i32>} : memref<1024xf32, #tpu.memory_space<vmem>>, vector<16xf32>,
        tpu.vector_store %arg11[%parallel_loop3A_786], %parallel_loop3A_783 {strides = array<i32>} : memref<1024xf32, #tpu.memory_space<vmem>>, vector<16xf32>,
        %parallel_loop3A_788 = arith.addi %mul3A_79, %parallel_loop3A_85 : i32
        %parallel_loop3A_789 = arith.constant 10 : i32
        %parallel_loop3A_790 = arith.addi %parallel_loop3A_788, %parallel_loop3A_789 : i32
        %parallel_loop3A_791 = arith.index_cast %parallel_loop3A_790 : i32 to index
        %parallel_loop3A_792 = arith.constant 0 : index
        %parallel_loop3A_793 = tpu.vector_load %arg9[%parallel_loop3A_791, %parallel_loop3A_792] {strides = array<i32>} : memref<128x128xf32, #tpu.memory_space<vmem>>, vector<16xf32>,
        %parallel_loop3A_794 = arith.index_cast %parallel_loop3A_790 : i32 to index
        %parallel_loop3A_795 = arith.constant 0 : index
        %parallel_loop3A_796 = tpu.vector_load %arg10[%parallel_loop3A_794, %parallel_loop3A_795] {strides = array<i32>} : memref<128x128xf32, #tpu.memory_space<vmem>>, vector<16xf32>,
        %parallel_loop3A_797 = arith.mulf %parallel_loop3A_793, %parallel_loop3A_796 : vector<16xf32>
        %parallel_loop3A_798 = arith.index_cast %parallel_loop3A_790 : i32 to index
        %parallel_loop3A_799 = arith.constant 16 : index
        %parallel_loop3A_800 = tpu.vector_load %arg9[%parallel_loop3A_798, %parallel_loop3A_799] {strides = array<i32>} : memref<128x128xf32, #tpu.memory_space<vmem>>, vector<16xf32>,
        %parallel_loop3A_801 = arith.index_cast %parallel_loop3A_790 : i32 to index
        %parallel_loop3A_802 = arith.constant 16 : index
        %parallel_loop3A_803 = tpu.vector_load %arg10[%parallel_loop3A_801, %parallel_loop3A_802] {strides = array<i32>} : memref<128x128xf32, #tpu.memory_space<vmem>>, vector<16xf32>,
        %parallel_loop3A_804 = arith.mulf %parallel_loop3A_800, %parallel_loop3A_803 : vector<16xf32>
        %parallel_loop3A_805 = arith.index_cast %parallel_loop3A_790 : i32 to index
        %parallel_loop3A_806 = arith.constant 32 : index
        %parallel_loop3A_807 = tpu.vector_load %arg9[%parallel_loop3A_805, %parallel_loop3A_806] {strides = array<i32>} : memref<128x128xf32, #tpu.memory_space<vmem>>, vector<16xf32>,
        %parallel_loop3A_808 = arith.index_cast %parallel_loop3A_790 : i32 to index
        %parallel_loop3A_809 = arith.constant 32 : index
        %parallel_loop3A_810 = tpu.vector_load %arg10[%parallel_loop3A_808, %parallel_loop3A_809] {strides = array<i32>} : memref<128x128xf32, #tpu.memory_space<vmem>>, vector<16xf32>,
        %parallel_loop3A_811 = arith.mulf %parallel_loop3A_807, %parallel_loop3A_810 : vector<16xf32>
        %parallel_loop3A_812 = arith.index_cast %parallel_loop3A_790 : i32 to index
        %parallel_loop3A_813 = arith.constant 48 : index
        %parallel_loop3A_814 = tpu.vector_load %arg9[%parallel_loop3A_812, %parallel_loop3A_813] {strides = array<i32>} : memref<128x128xf32, #tpu.memory_space<vmem>>, vector<16xf32>,
        %parallel_loop3A_815 = arith.index_cast %parallel_loop3A_790 : i32 to index
        %parallel_loop3A_816 = arith.constant 48 : index
        %parallel_loop3A_817 = tpu.vector_load %arg10[%parallel_loop3A_815, %parallel_loop3A_816] {strides = array<i32>} : memref<128x128xf32, #tpu.memory_space<vmem>>, vector<16xf32>,
        %parallel_loop3A_818 = arith.mulf %parallel_loop3A_814, %parallel_loop3A_817 : vector<16xf32>
        %parallel_loop3A_819 = arith.index_cast %parallel_loop3A_790 : i32 to index
        %parallel_loop3A_820 = arith.constant 64 : index
        %parallel_loop3A_821 = tpu.vector_load %arg9[%parallel_loop3A_819, %parallel_loop3A_820] {strides = array<i32>} : memref<128x128xf32, #tpu.memory_space<vmem>>, vector<16xf32>,
        %parallel_loop3A_822 = arith.index_cast %parallel_loop3A_790 : i32 to index
        %parallel_loop3A_823 = arith.constant 64 : index
        %parallel_loop3A_824 = tpu.vector_load %arg10[%parallel_loop3A_822, %parallel_loop3A_823] {strides = array<i32>} : memref<128x128xf32, #tpu.memory_space<vmem>>, vector<16xf32>,
        %parallel_loop3A_825 = arith.mulf %parallel_loop3A_821, %parallel_loop3A_824 : vector<16xf32>
        %parallel_loop3A_826 = arith.index_cast %parallel_loop3A_790 : i32 to index
        %parallel_loop3A_827 = arith.constant 80 : index
        %parallel_loop3A_828 = tpu.vector_load %arg9[%parallel_loop3A_826, %parallel_loop3A_827] {strides = array<i32>} : memref<128x128xf32, #tpu.memory_space<vmem>>, vector<16xf32>,
        %parallel_loop3A_829 = arith.index_cast %parallel_loop3A_790 : i32 to index
        %parallel_loop3A_830 = arith.constant 80 : index
        %parallel_loop3A_831 = tpu.vector_load %arg10[%parallel_loop3A_829, %parallel_loop3A_830] {strides = array<i32>} : memref<128x128xf32, #tpu.memory_space<vmem>>, vector<16xf32>,
        %parallel_loop3A_832 = arith.mulf %parallel_loop3A_828, %parallel_loop3A_831 : vector<16xf32>
        %parallel_loop3A_833 = arith.index_cast %parallel_loop3A_790 : i32 to index
        %parallel_loop3A_834 = arith.constant 96 : index
        %parallel_loop3A_835 = tpu.vector_load %arg9[%parallel_loop3A_833, %parallel_loop3A_834] {strides = array<i32>} : memref<128x128xf32, #tpu.memory_space<vmem>>, vector<16xf32>,
        %parallel_loop3A_836 = arith.index_cast %parallel_loop3A_790 : i32 to index
        %parallel_loop3A_837 = arith.constant 96 : index
        %parallel_loop3A_838 = tpu.vector_load %arg10[%parallel_loop3A_836, %parallel_loop3A_837] {strides = array<i32>} : memref<128x128xf32, #tpu.memory_space<vmem>>, vector<16xf32>,
        %parallel_loop3A_839 = arith.mulf %parallel_loop3A_835, %parallel_loop3A_838 : vector<16xf32>
        %parallel_loop3A_840 = arith.index_cast %parallel_loop3A_790 : i32 to index
        %parallel_loop3A_841 = arith.constant 112 : index
        %parallel_loop3A_842 = tpu.vector_load %arg9[%parallel_loop3A_840, %parallel_loop3A_841] {strides = array<i32>} : memref<128x128xf32, #tpu.memory_space<vmem>>, vector<16xf32>,
        %parallel_loop3A_843 = arith.index_cast %parallel_loop3A_790 : i32 to index
        %parallel_loop3A_844 = arith.constant 112 : index
        %parallel_loop3A_845 = tpu.vector_load %arg10[%parallel_loop3A_843, %parallel_loop3A_844] {strides = array<i32>} : memref<128x128xf32, #tpu.memory_space<vmem>>, vector<16xf32>,
        %parallel_loop3A_846 = arith.mulf %parallel_loop3A_842, %parallel_loop3A_845 : vector<16xf32>
        %parallel_loop3A_847 = arith.addf %parallel_loop3A_797, %parallel_loop3A_804 : vector<16xf32>
        %parallel_loop3A_848 = arith.addf %parallel_loop3A_811, %parallel_loop3A_818 : vector<16xf32>
        %parallel_loop3A_849 = arith.addf %parallel_loop3A_825, %parallel_loop3A_832 : vector<16xf32>
        %parallel_loop3A_850 = arith.addf %parallel_loop3A_839, %parallel_loop3A_846 : vector<16xf32>
        %parallel_loop3A_851 = arith.addf %parallel_loop3A_847, %parallel_loop3A_848 : vector<16xf32>
        %parallel_loop3A_852 = arith.addf %parallel_loop3A_849, %parallel_loop3A_850 : vector<16xf32>
        %parallel_loop3A_853 = arith.addf %parallel_loop3A_851, %parallel_loop3A_852 : vector<16xf32>
        %parallel_loop3A_854 = arith.constant 160 : i32
        %parallel_loop3A_855 = arith.addi %parallel_loop3A_87, %parallel_loop3A_854 : i32
        %parallel_loop3A_856 = arith.index_cast %parallel_loop3A_855 : i32 to index
        %parallel_loop3A_857 = tpu.vector_load %arg11[%parallel_loop3A_856] {strides = array<i32>} : memref<1024xf32, #tpu.memory_space<vmem>>, vector<16xf32>,
        tpu.vector_store %arg11[%parallel_loop3A_856], %parallel_loop3A_853 {strides = array<i32>} : memref<1024xf32, #tpu.memory_space<vmem>>, vector<16xf32>,
        %parallel_loop3A_858 = arith.addi %mul3A_79, %parallel_loop3A_85 : i32
        %parallel_loop3A_859 = arith.constant 11 : i32
        %parallel_loop3A_860 = arith.addi %parallel_loop3A_858, %parallel_loop3A_859 : i32
        %parallel_loop3A_861 = arith.index_cast %parallel_loop3A_860 : i32 to index
        %parallel_loop3A_862 = arith.constant 0 : index
        %parallel_loop3A_863 = tpu.vector_load %arg9[%parallel_loop3A_861, %parallel_loop3A_862] {strides = array<i32>} : memref<128x128xf32, #tpu.memory_space<vmem>>, vector<16xf32>,
        %parallel_loop3A_864 = arith.index_cast %parallel_loop3A_860 : i32 to index
        %parallel_loop3A_865 = arith.constant 0 : index
        %parallel_loop3A_866 = tpu.vector_load %arg10[%parallel_loop3A_864, %parallel_loop3A_865] {strides = array<i32>} : memref<128x128xf32, #tpu.memory_space<vmem>>, vector<16xf32>,
        %parallel_loop3A_867 = arith.mulf %parallel_loop3A_863, %parallel_loop3A_866 : vector<16xf32>
        %parallel_loop3A_868 = arith.index_cast %parallel_loop3A_860 : i32 to index
        %parallel_loop3A_869 = arith.constant 16 : index
        %parallel_loop3A_870 = tpu.vector_load %arg9[%parallel_loop3A_868, %parallel_loop3A_869] {strides = array<i32>} : memref<128x128xf32, #tpu.memory_space<vmem>>, vector<16xf32>,
        %parallel_loop3A_871 = arith.index_cast %parallel_loop3A_860 : i32 to index
        %parallel_loop3A_872 = arith.constant 16 : index
        %parallel_loop3A_873 = tpu.vector_load %arg10[%parallel_loop3A_871, %parallel_loop3A_872] {strides = array<i32>} : memref<128x128xf32, #tpu.memory_space<vmem>>, vector<16xf32>,
        %parallel_loop3A_874 = arith.mulf %parallel_loop3A_870, %parallel_loop3A_873 : vector<16xf32>
        %parallel_loop3A_875 = arith.index_cast %parallel_loop3A_860 : i32 to index
        %parallel_loop3A_876 = arith.constant 32 : index
        %parallel_loop3A_877 = tpu.vector_load %arg9[%parallel_loop3A_875, %parallel_loop3A_876] {strides = array<i32>} : memref<128x128xf32, #tpu.memory_space<vmem>>, vector<16xf32>,
        %parallel_loop3A_878 = arith.index_cast %parallel_loop3A_860 : i32 to index
        %parallel_loop3A_879 = arith.constant 32 : index
        %parallel_loop3A_880 = tpu.vector_load %arg10[%parallel_loop3A_878, %parallel_loop3A_879] {strides = array<i32>} : memref<128x128xf32, #tpu.memory_space<vmem>>, vector<16xf32>,
        %parallel_loop3A_881 = arith.mulf %parallel_loop3A_877, %parallel_loop3A_880 : vector<16xf32>
        %parallel_loop3A_882 = arith.index_cast %parallel_loop3A_860 : i32 to index
        %parallel_loop3A_883 = arith.constant 48 : index
        %parallel_loop3A_884 = tpu.vector_load %arg9[%parallel_loop3A_882, %parallel_loop3A_883] {strides = array<i32>} : memref<128x128xf32, #tpu.memory_space<vmem>>, vector<16xf32>,
        %parallel_loop3A_885 = arith.index_cast %parallel_loop3A_860 : i32 to index
        %parallel_loop3A_886 = arith.constant 48 : index
        %parallel_loop3A_887 = tpu.vector_load %arg10[%parallel_loop3A_885, %parallel_loop3A_886] {strides = array<i32>} : memref<128x128xf32, #tpu.memory_space<vmem>>, vector<16xf32>,
        %parallel_loop3A_888 = arith.mulf %parallel_loop3A_884, %parallel_loop3A_887 : vector<16xf32>
        %parallel_loop3A_889 = arith.index_cast %parallel_loop3A_860 : i32 to index
        %parallel_loop3A_890 = arith.constant 64 : index
        %parallel_loop3A_891 = tpu.vector_load %arg9[%parallel_loop3A_889, %parallel_loop3A_890] {strides = array<i32>} : memref<128x128xf32, #tpu.memory_space<vmem>>, vector<16xf32>,
        %parallel_loop3A_892 = arith.index_cast %parallel_loop3A_860 : i32 to index
        %parallel_loop3A_893 = arith.constant 64 : index
        %parallel_loop3A_894 = tpu.vector_load %arg10[%parallel_loop3A_892, %parallel_loop3A_893] {strides = array<i32>} : memref<128x128xf32, #tpu.memory_space<vmem>>, vector<16xf32>,
        %parallel_loop3A_895 = arith.mulf %parallel_loop3A_891, %parallel_loop3A_894 : vector<16xf32>
        %parallel_loop3A_896 = arith.index_cast %parallel_loop3A_860 : i32 to index
        %parallel_loop3A_897 = arith.constant 80 : index
        %parallel_loop3A_898 = tpu.vector_load %arg9[%parallel_loop3A_896, %parallel_loop3A_897] {strides = array<i32>} : memref<128x128xf32, #tpu.memory_space<vmem>>, vector<16xf32>,
        %parallel_loop3A_899 = arith.index_cast %parallel_loop3A_860 : i32 to index
        %parallel_loop3A_900 = arith.constant 80 : index
        %parallel_loop3A_901 = tpu.vector_load %arg10[%parallel_loop3A_899, %parallel_loop3A_900] {strides = array<i32>} : memref<128x128xf32, #tpu.memory_space<vmem>>, vector<16xf32>,
        %parallel_loop3A_902 = arith.mulf %parallel_loop3A_898, %parallel_loop3A_901 : vector<16xf32>
        %parallel_loop3A_903 = arith.index_cast %parallel_loop3A_860 : i32 to index
        %parallel_loop3A_904 = arith.constant 96 : index
        %parallel_loop3A_905 = tpu.vector_load %arg9[%parallel_loop3A_903, %parallel_loop3A_904] {strides = array<i32>} : memref<128x128xf32, #tpu.memory_space<vmem>>, vector<16xf32>,
        %parallel_loop3A_906 = arith.index_cast %parallel_loop3A_860 : i32 to index
        %parallel_loop3A_907 = arith.constant 96 : index
        %parallel_loop3A_908 = tpu.vector_load %arg10[%parallel_loop3A_906, %parallel_loop3A_907] {strides = array<i32>} : memref<128x128xf32, #tpu.memory_space<vmem>>, vector<16xf32>,
        %parallel_loop3A_909 = arith.mulf %parallel_loop3A_905, %parallel_loop3A_908 : vector<16xf32>
        %parallel_loop3A_910 = arith.index_cast %parallel_loop3A_860 : i32 to index
        %parallel_loop3A_911 = arith.constant 112 : index
        %parallel_loop3A_912 = tpu.vector_load %arg9[%parallel_loop3A_910, %parallel_loop3A_911] {strides = array<i32>} : memref<128x128xf32, #tpu.memory_space<vmem>>, vector<16xf32>,
        %parallel_loop3A_913 = arith.index_cast %parallel_loop3A_860 : i32 to index
        %parallel_loop3A_914 = arith.constant 112 : index
        %parallel_loop3A_915 = tpu.vector_load %arg10[%parallel_loop3A_913, %parallel_loop3A_914] {strides = array<i32>} : memref<128x128xf32, #tpu.memory_space<vmem>>, vector<16xf32>,
        %parallel_loop3A_916 = arith.mulf %parallel_loop3A_912, %parallel_loop3A_915 : vector<16xf32>
        %parallel_loop3A_917 = arith.addf %parallel_loop3A_867, %parallel_loop3A_874 : vector<16xf32>
        %parallel_loop3A_918 = arith.addf %parallel_loop3A_881, %parallel_loop3A_888 : vector<16xf32>
        %parallel_loop3A_919 = arith.addf %parallel_loop3A_895, %parallel_loop3A_902 : vector<16xf32>
        %parallel_loop3A_920 = arith.addf %parallel_loop3A_909, %parallel_loop3A_916 : vector<16xf32>
        %parallel_loop3A_921 = arith.addf %parallel_loop3A_917, %parallel_loop3A_918 : vector<16xf32>
        %parallel_loop3A_922 = arith.addf %parallel_loop3A_919, %parallel_loop3A_920 : vector<16xf32>
        %parallel_loop3A_923 = arith.addf %parallel_loop3A_921, %parallel_loop3A_922 : vector<16xf32>
        %parallel_loop3A_924 = arith.constant 176 : i32
        %parallel_loop3A_925 = arith.addi %parallel_loop3A_87, %parallel_loop3A_924 : i32
        %parallel_loop3A_926 = arith.index_cast %parallel_loop3A_925 : i32 to index
        %parallel_loop3A_927 = tpu.vector_load %arg11[%parallel_loop3A_926] {strides = array<i32>} : memref<1024xf32, #tpu.memory_space<vmem>>, vector<16xf32>,
        tpu.vector_store %arg11[%parallel_loop3A_926], %parallel_loop3A_923 {strides = array<i32>} : memref<1024xf32, #tpu.memory_space<vmem>>, vector<16xf32>,
        %parallel_loop3A_928 = arith.addi %mul3A_79, %parallel_loop3A_85 : i32
        %parallel_loop3A_929 = arith.constant 12 : i32
        %parallel_loop3A_930 = arith.addi %parallel_loop3A_928, %parallel_loop3A_929 : i32
        %parallel_loop3A_931 = arith.index_cast %parallel_loop3A_930 : i32 to index
        %parallel_loop3A_932 = arith.constant 0 : index
        %parallel_loop3A_933 = tpu.vector_load %arg9[%parallel_loop3A_931, %parallel_loop3A_932] {strides = array<i32>} : memref<128x128xf32, #tpu.memory_space<vmem>>, vector<16xf32>,
        %parallel_loop3A_934 = arith.index_cast %parallel_loop3A_930 : i32 to index
        %parallel_loop3A_935 = arith.constant 0 : index
        %parallel_loop3A_936 = tpu.vector_load %arg10[%parallel_loop3A_934, %parallel_loop3A_935] {strides = array<i32>} : memref<128x128xf32, #tpu.memory_space<vmem>>, vector<16xf32>,
        %parallel_loop3A_937 = arith.mulf %parallel_loop3A_933, %parallel_loop3A_936 : vector<16xf32>
        %parallel_loop3A_938 = arith.index_cast %parallel_loop3A_930 : i32 to index
        %parallel_loop3A_939 = arith.constant 16 : index
        %parallel_loop3A_940 = tpu.vector_load %arg9[%parallel_loop3A_938, %parallel_loop3A_939] {strides = array<i32>} : memref<128x128xf32, #tpu.memory_space<vmem>>, vector<16xf32>,
        %parallel_loop3A_941 = arith.index_cast %parallel_loop3A_930 : i32 to index
        %parallel_loop3A_942 = arith.constant 16 : index
        %parallel_loop3A_943 = tpu.vector_load %arg10[%parallel_loop3A_941, %parallel_loop3A_942] {strides = array<i32>} : memref<128x128xf32, #tpu.memory_space<vmem>>, vector<16xf32>,
        %parallel_loop3A_944 = arith.mulf %parallel_loop3A_940, %parallel_loop3A_943 : vector<16xf32>
        %parallel_loop3A_945 = arith.index_cast %parallel_loop3A_930 : i32 to index
        %parallel_loop3A_946 = arith.constant 32 : index
        %parallel_loop3A_947 = tpu.vector_load %arg9[%parallel_loop3A_945, %parallel_loop3A_946] {strides = array<i32>} : memref<128x128xf32, #tpu.memory_space<vmem>>, vector<16xf32>,
        %parallel_loop3A_948 = arith.index_cast %parallel_loop3A_930 : i32 to index
        %parallel_loop3A_949 = arith.constant 32 : index
        %parallel_loop3A_950 = tpu.vector_load %arg10[%parallel_loop3A_948, %parallel_loop3A_949] {strides = array<i32>} : memref<128x128xf32, #tpu.memory_space<vmem>>, vector<16xf32>,
        %parallel_loop3A_951 = arith.mulf %parallel_loop3A_947, %parallel_loop3A_950 : vector<16xf32>
        %parallel_loop3A_952 = arith.index_cast %parallel_loop3A_930 : i32 to index
        %parallel_loop3A_953 = arith.constant 48 : index
        %parallel_loop3A_954 = tpu.vector_load %arg9[%parallel_loop3A_952, %parallel_loop3A_953] {strides = array<i32>} : memref<128x128xf32, #tpu.memory_space<vmem>>, vector<16xf32>,
        %parallel_loop3A_955 = arith.index_cast %parallel_loop3A_930 : i32 to index
        %parallel_loop3A_956 = arith.constant 48 : index
        %parallel_loop3A_957 = tpu.vector_load %arg10[%parallel_loop3A_955, %parallel_loop3A_956] {strides = array<i32>} : memref<128x128xf32, #tpu.memory_space<vmem>>, vector<16xf32>,
        %parallel_loop3A_958 = arith.mulf %parallel_loop3A_954, %parallel_loop3A_957 : vector<16xf32>
        %parallel_loop3A_959 = arith.index_cast %parallel_loop3A_930 : i32 to index
        %parallel_loop3A_960 = arith.constant 64 : index
        %parallel_loop3A_961 = tpu.vector_load %arg9[%parallel_loop3A_959, %parallel_loop3A_960] {strides = array<i32>} : memref<128x128xf32, #tpu.memory_space<vmem>>, vector<16xf32>,
        %parallel_loop3A_962 = arith.index_cast %parallel_loop3A_930 : i32 to index
        %parallel_loop3A_963 = arith.constant 64 : index
        %parallel_loop3A_964 = tpu.vector_load %arg10[%parallel_loop3A_962, %parallel_loop3A_963] {strides = array<i32>} : memref<128x128xf32, #tpu.memory_space<vmem>>, vector<16xf32>,
        %parallel_loop3A_965 = arith.mulf %parallel_loop3A_961, %parallel_loop3A_964 : vector<16xf32>
        %parallel_loop3A_966 = arith.index_cast %parallel_loop3A_930 : i32 to index
        %parallel_loop3A_967 = arith.constant 80 : index
        %parallel_loop3A_968 = tpu.vector_load %arg9[%parallel_loop3A_966, %parallel_loop3A_967] {strides = array<i32>} : memref<128x128xf32, #tpu.memory_space<vmem>>, vector<16xf32>,
        %parallel_loop3A_969 = arith.index_cast %parallel_loop3A_930 : i32 to index
        %parallel_loop3A_970 = arith.constant 80 : index
        %parallel_loop3A_971 = tpu.vector_load %arg10[%parallel_loop3A_969, %parallel_loop3A_970] {strides = array<i32>} : memref<128x128xf32, #tpu.memory_space<vmem>>, vector<16xf32>,
        %parallel_loop3A_972 = arith.mulf %parallel_loop3A_968, %parallel_loop3A_971 : vector<16xf32>
        %parallel_loop3A_973 = arith.index_cast %parallel_loop3A_930 : i32 to index
        %parallel_loop3A_974 = arith.constant 96 : index
        %parallel_loop3A_975 = tpu.vector_load %arg9[%parallel_loop3A_973, %parallel_loop3A_974] {strides = array<i32>} : memref<128x128xf32, #tpu.memory_space<vmem>>, vector<16xf32>,
        %parallel_loop3A_976 = arith.index_cast %parallel_loop3A_930 : i32 to index
        %parallel_loop3A_977 = arith.constant 96 : index
        %parallel_loop3A_978 = tpu.vector_load %arg10[%parallel_loop3A_976, %parallel_loop3A_977] {strides = array<i32>} : memref<128x128xf32, #tpu.memory_space<vmem>>, vector<16xf32>,
        %parallel_loop3A_979 = arith.mulf %parallel_loop3A_975, %parallel_loop3A_978 : vector<16xf32>
        %parallel_loop3A_980 = arith.index_cast %parallel_loop3A_930 : i32 to index
        %parallel_loop3A_981 = arith.constant 112 : index
        %parallel_loop3A_982 = tpu.vector_load %arg9[%parallel_loop3A_980, %parallel_loop3A_981] {strides = array<i32>} : memref<128x128xf32, #tpu.memory_space<vmem>>, vector<16xf32>,
        %parallel_loop3A_983 = arith.index_cast %parallel_loop3A_930 : i32 to index
        %parallel_loop3A_984 = arith.constant 112 : index
        %parallel_loop3A_985 = tpu.vector_load %arg10[%parallel_loop3A_983, %parallel_loop3A_984] {strides = array<i32>} : memref<128x128xf32, #tpu.memory_space<vmem>>, vector<16xf32>,
        %parallel_loop3A_986 = arith.mulf %parallel_loop3A_982, %parallel_loop3A_985 : vector<16xf32>
        %parallel_loop3A_987 = arith.addf %parallel_loop3A_937, %parallel_loop3A_944 : vector<16xf32>
        %parallel_loop3A_988 = arith.addf %parallel_loop3A_951, %parallel_loop3A_958 : vector<16xf32>
        %parallel_loop3A_989 = arith.addf %parallel_loop3A_965, %parallel_loop3A_972 : vector<16xf32>
        %parallel_loop3A_990 = arith.addf %parallel_loop3A_979, %parallel_loop3A_986 : vector<16xf32>
        %parallel_loop3A_991 = arith.addf %parallel_loop3A_987, %parallel_loop3A_988 : vector<16xf32>
        %parallel_loop3A_992 = arith.addf %parallel_loop3A_989, %parallel_loop3A_990 : vector<16xf32>
        %parallel_loop3A_993 = arith.addf %parallel_loop3A_991, %parallel_loop3A_992 : vector<16xf32>
        %parallel_loop3A_994 = arith.constant 192 : i32
        %parallel_loop3A_995 = arith.addi %parallel_loop3A_87, %parallel_loop3A_994 : i32
        %parallel_loop3A_996 = arith.index_cast %parallel_loop3A_995 : i32 to index
        %parallel_loop3A_997 = tpu.vector_load %arg11[%parallel_loop3A_996] {strides = array<i32>} : memref<1024xf32, #tpu.memory_space<vmem>>, vector<16xf32>,
        tpu.vector_store %arg11[%parallel_loop3A_996], %parallel_loop3A_993 {strides = array<i32>} : memref<1024xf32, #tpu.memory_space<vmem>>, vector<16xf32>,
        %parallel_loop3A_998 = arith.addi %mul3A_79, %parallel_loop3A_85 : i32
        %parallel_loop3A_999 = arith.constant 13 : i32
        %parallel_loop3A_1000 = arith.addi %parallel_loop3A_998, %parallel_loop3A_999 : i32
        %parallel_loop3A_1001 = arith.index_cast %parallel_loop3A_1000 : i32 to index
        %parallel_loop3A_1002 = arith.constant 0 : index
        %parallel_loop3A_1003 = tpu.vector_load %arg9[%parallel_loop3A_1001, %parallel_loop3A_1002] {strides = array<i32>} : memref<128x128xf32, #tpu.memory_space<vmem>>, vector<16xf32>,
        %parallel_loop3A_1004 = arith.index_cast %parallel_loop3A_1000 : i32 to index
        %parallel_loop3A_1005 = arith.constant 0 : index
        %parallel_loop3A_1006 = tpu.vector_load %arg10[%parallel_loop3A_1004, %parallel_loop3A_1005] {strides = array<i32>} : memref<128x128xf32, #tpu.memory_space<vmem>>, vector<16xf32>,
        %parallel_loop3A_1007 = arith.mulf %parallel_loop3A_1003, %parallel_loop3A_1006 : vector<16xf32>
        %parallel_loop3A_1008 = arith.index_cast %parallel_loop3A_1000 : i32 to index
        %parallel_loop3A_1009 = arith.constant 16 : index
        %parallel_loop3A_1010 = tpu.vector_load %arg9[%parallel_loop3A_1008, %parallel_loop3A_1009] {strides = array<i32>} : memref<128x128xf32, #tpu.memory_space<vmem>>, vector<16xf32>,
        %parallel_loop3A_1011 = arith.index_cast %parallel_loop3A_1000 : i32 to index
        %parallel_loop3A_1012 = arith.constant 16 : index
        %parallel_loop3A_1013 = tpu.vector_load %arg10[%parallel_loop3A_1011, %parallel_loop3A_1012] {strides = array<i32>} : memref<128x128xf32, #tpu.memory_space<vmem>>, vector<16xf32>,
        %parallel_loop3A_1014 = arith.mulf %parallel_loop3A_1010, %parallel_loop3A_1013 : vector<16xf32>
        %parallel_loop3A_1015 = arith.index_cast %parallel_loop3A_1000 : i32 to index
        %parallel_loop3A_1016 = arith.constant 32 : index
        %parallel_loop3A_1017 = tpu.vector_load %arg9[%parallel_loop3A_1015, %parallel_loop3A_1016] {strides = array<i32>} : memref<128x128xf32, #tpu.memory_space<vmem>>, vector<16xf32>,
        %parallel_loop3A_1018 = arith.index_cast %parallel_loop3A_1000 : i32 to index
        %parallel_loop3A_1019 = arith.constant 32 : index
        %parallel_loop3A_1020 = tpu.vector_load %arg10[%parallel_loop3A_1018, %parallel_loop3A_1019] {strides = array<i32>} : memref<128x128xf32, #tpu.memory_space<vmem>>, vector<16xf32>,
        %parallel_loop3A_1021 = arith.mulf %parallel_loop3A_1017, %parallel_loop3A_1020 : vector<16xf32>
        %parallel_loop3A_1022 = arith.index_cast %parallel_loop3A_1000 : i32 to index
        %parallel_loop3A_1023 = arith.constant 48 : index
        %parallel_loop3A_1024 = tpu.vector_load %arg9[%parallel_loop3A_1022, %parallel_loop3A_1023] {strides = array<i32>} : memref<128x128xf32, #tpu.memory_space<vmem>>, vector<16xf32>,
        %parallel_loop3A_1025 = arith.index_cast %parallel_loop3A_1000 : i32 to index
        %parallel_loop3A_1026 = arith.constant 48 : index
        %parallel_loop3A_1027 = tpu.vector_load %arg10[%parallel_loop3A_1025, %parallel_loop3A_1026] {strides = array<i32>} : memref<128x128xf32, #tpu.memory_space<vmem>>, vector<16xf32>,
        %parallel_loop3A_1028 = arith.mulf %parallel_loop3A_1024, %parallel_loop3A_1027 : vector<16xf32>
        %parallel_loop3A_1029 = arith.index_cast %parallel_loop3A_1000 : i32 to index
        %parallel_loop3A_1030 = arith.constant 64 : index
        %parallel_loop3A_1031 = tpu.vector_load %arg9[%parallel_loop3A_1029, %parallel_loop3A_1030] {strides = array<i32>} : memref<128x128xf32, #tpu.memory_space<vmem>>, vector<16xf32>,
        %parallel_loop3A_1032 = arith.index_cast %parallel_loop3A_1000 : i32 to index
        %parallel_loop3A_1033 = arith.constant 64 : index
        %parallel_loop3A_1034 = tpu.vector_load %arg10[%parallel_loop3A_1032, %parallel_loop3A_1033] {strides = array<i32>} : memref<128x128xf32, #tpu.memory_space<vmem>>, vector<16xf32>,
        %parallel_loop3A_1035 = arith.mulf %parallel_loop3A_1031, %parallel_loop3A_1034 : vector<16xf32>
        %parallel_loop3A_1036 = arith.index_cast %parallel_loop3A_1000 : i32 to index
        %parallel_loop3A_1037 = arith.constant 80 : index
        %parallel_loop3A_1038 = tpu.vector_load %arg9[%parallel_loop3A_1036, %parallel_loop3A_1037] {strides = array<i32>} : memref<128x128xf32, #tpu.memory_space<vmem>>, vector<16xf32>,
        %parallel_loop3A_1039 = arith.index_cast %parallel_loop3A_1000 : i32 to index
        %parallel_loop3A_1040 = arith.constant 80 : index
        %parallel_loop3A_1041 = tpu.vector_load %arg10[%parallel_loop3A_1039, %parallel_loop3A_1040] {strides = array<i32>} : memref<128x128xf32, #tpu.memory_space<vmem>>, vector<16xf32>,
        %parallel_loop3A_1042 = arith.mulf %parallel_loop3A_1038, %parallel_loop3A_1041 : vector<16xf32>
        %parallel_loop3A_1043 = arith.index_cast %parallel_loop3A_1000 : i32 to index
        %parallel_loop3A_1044 = arith.constant 96 : index
        %parallel_loop3A_1045 = tpu.vector_load %arg9[%parallel_loop3A_1043, %parallel_loop3A_1044] {strides = array<i32>} : memref<128x128xf32, #tpu.memory_space<vmem>>, vector<16xf32>,
        %parallel_loop3A_1046 = arith.index_cast %parallel_loop3A_1000 : i32 to index
        %parallel_loop3A_1047 = arith.constant 96 : index
        %parallel_loop3A_1048 = tpu.vector_load %arg10[%parallel_loop3A_1046, %parallel_loop3A_1047] {strides = array<i32>} : memref<128x128xf32, #tpu.memory_space<vmem>>, vector<16xf32>,
        %parallel_loop3A_1049 = arith.mulf %parallel_loop3A_1045, %parallel_loop3A_1048 : vector<16xf32>
        %parallel_loop3A_1050 = arith.index_cast %parallel_loop3A_1000 : i32 to index
        %parallel_loop3A_1051 = arith.constant 112 : index
        %parallel_loop3A_1052 = tpu.vector_load %arg9[%parallel_loop3A_1050, %parallel_loop3A_1051] {strides = array<i32>} : memref<128x128xf32, #tpu.memory_space<vmem>>, vector<16xf32>,
        %parallel_loop3A_1053 = arith.index_cast %parallel_loop3A_1000 : i32 to index
        %parallel_loop3A_1054 = arith.constant 112 : index
        %parallel_loop3A_1055 = tpu.vector_load %arg10[%parallel_loop3A_1053, %parallel_loop3A_1054] {strides = array<i32>} : memref<128x128xf32, #tpu.memory_space<vmem>>, vector<16xf32>,
        %parallel_loop3A_1056 = arith.mulf %parallel_loop3A_1052, %parallel_loop3A_1055 : vector<16xf32>
        %parallel_loop3A_1057 = arith.addf %parallel_loop3A_1007, %parallel_loop3A_1014 : vector<16xf32>
        %parallel_loop3A_1058 = arith.addf %parallel_loop3A_1021, %parallel_loop3A_1028 : vector<16xf32>
        %parallel_loop3A_1059 = arith.addf %parallel_loop3A_1035, %parallel_loop3A_1042 : vector<16xf32>
        %parallel_loop3A_1060 = arith.addf %parallel_loop3A_1049, %parallel_loop3A_1056 : vector<16xf32>
        %parallel_loop3A_1061 = arith.addf %parallel_loop3A_1057, %parallel_loop3A_1058 : vector<16xf32>
        %parallel_loop3A_1062 = arith.addf %parallel_loop3A_1059, %parallel_loop3A_1060 : vector<16xf32>
        %parallel_loop3A_1063 = arith.addf %parallel_loop3A_1061, %parallel_loop3A_1062 : vector<16xf32>
        %parallel_loop3A_1064 = arith.constant 208 : i32
        %parallel_loop3A_1065 = arith.addi %parallel_loop3A_87, %parallel_loop3A_1064 : i32
        %parallel_loop3A_1066 = arith.index_cast %parallel_loop3A_1065 : i32 to index
        %parallel_loop3A_1067 = tpu.vector_load %arg11[%parallel_loop3A_1066] {strides = array<i32>} : memref<1024xf32, #tpu.memory_space<vmem>>, vector<16xf32>,
        tpu.vector_store %arg11[%parallel_loop3A_1066], %parallel_loop3A_1063 {strides = array<i32>} : memref<1024xf32, #tpu.memory_space<vmem>>, vector<16xf32>,
        %parallel_loop3A_1068 = arith.addi %mul3A_79, %parallel_loop3A_85 : i32
        %parallel_loop3A_1069 = arith.constant 14 : i32
        %parallel_loop3A_1070 = arith.addi %parallel_loop3A_1068, %parallel_loop3A_1069 : i32
        %parallel_loop3A_1071 = arith.index_cast %parallel_loop3A_1070 : i32 to index
        %parallel_loop3A_1072 = arith.constant 0 : index
        %parallel_loop3A_1073 = tpu.vector_load %arg9[%parallel_loop3A_1071, %parallel_loop3A_1072] {strides = array<i32>} : memref<128x128xf32, #tpu.memory_space<vmem>>, vector<16xf32>,
        %parallel_loop3A_1074 = arith.index_cast %parallel_loop3A_1070 : i32 to index
        %parallel_loop3A_1075 = arith.constant 0 : index
        %parallel_loop3A_1076 = tpu.vector_load %arg10[%parallel_loop3A_1074, %parallel_loop3A_1075] {strides = array<i32>} : memref<128x128xf32, #tpu.memory_space<vmem>>, vector<16xf32>,
        %parallel_loop3A_1077 = arith.mulf %parallel_loop3A_1073, %parallel_loop3A_1076 : vector<16xf32>
        %parallel_loop3A_1078 = arith.index_cast %parallel_loop3A_1070 : i32 to index
        %parallel_loop3A_1079 = arith.constant 16 : index
        %parallel_loop3A_1080 = tpu.vector_load %arg9[%parallel_loop3A_1078, %parallel_loop3A_1079] {strides = array<i32>} : memref<128x128xf32, #tpu.memory_space<vmem>>, vector<16xf32>,
        %parallel_loop3A_1081 = arith.index_cast %parallel_loop3A_1070 : i32 to index
        %parallel_loop3A_1082 = arith.constant 16 : index
        %parallel_loop3A_1083 = tpu.vector_load %arg10[%parallel_loop3A_1081, %parallel_loop3A_1082] {strides = array<i32>} : memref<128x128xf32, #tpu.memory_space<vmem>>, vector<16xf32>,
        %parallel_loop3A_1084 = arith.mulf %parallel_loop3A_1080, %parallel_loop3A_1083 : vector<16xf32>
        %parallel_loop3A_1085 = arith.index_cast %parallel_loop3A_1070 : i32 to index
        %parallel_loop3A_1086 = arith.constant 32 : index
        %parallel_loop3A_1087 = tpu.vector_load %arg9[%parallel_loop3A_1085, %parallel_loop3A_1086] {strides = array<i32>} : memref<128x128xf32, #tpu.memory_space<vmem>>, vector<16xf32>,
        %parallel_loop3A_1088 = arith.index_cast %parallel_loop3A_1070 : i32 to index
        %parallel_loop3A_1089 = arith.constant 32 : index
        %parallel_loop3A_1090 = tpu.vector_load %arg10[%parallel_loop3A_1088, %parallel_loop3A_1089] {strides = array<i32>} : memref<128x128xf32, #tpu.memory_space<vmem>>, vector<16xf32>,
        %parallel_loop3A_1091 = arith.mulf %parallel_loop3A_1087, %parallel_loop3A_1090 : vector<16xf32>
        %parallel_loop3A_1092 = arith.index_cast %parallel_loop3A_1070 : i32 to index
        %parallel_loop3A_1093 = arith.constant 48 : index
        %parallel_loop3A_1094 = tpu.vector_load %arg9[%parallel_loop3A_1092, %parallel_loop3A_1093] {strides = array<i32>} : memref<128x128xf32, #tpu.memory_space<vmem>>, vector<16xf32>,
        %parallel_loop3A_1095 = arith.index_cast %parallel_loop3A_1070 : i32 to index
        %parallel_loop3A_1096 = arith.constant 48 : index
        %parallel_loop3A_1097 = tpu.vector_load %arg10[%parallel_loop3A_1095, %parallel_loop3A_1096] {strides = array<i32>} : memref<128x128xf32, #tpu.memory_space<vmem>>, vector<16xf32>,
        %parallel_loop3A_1098 = arith.mulf %parallel_loop3A_1094, %parallel_loop3A_1097 : vector<16xf32>
        %parallel_loop3A_1099 = arith.index_cast %parallel_loop3A_1070 : i32 to index
        %parallel_loop3A_1100 = arith.constant 64 : index
        %parallel_loop3A_1101 = tpu.vector_load %arg9[%parallel_loop3A_1099, %parallel_loop3A_1100] {strides = array<i32>} : memref<128x128xf32, #tpu.memory_space<vmem>>, vector<16xf32>,
        %parallel_loop3A_1102 = arith.index_cast %parallel_loop3A_1070 : i32 to index
        %parallel_loop3A_1103 = arith.constant 64 : index
        %parallel_loop3A_1104 = tpu.vector_load %arg10[%parallel_loop3A_1102, %parallel_loop3A_1103] {strides = array<i32>} : memref<128x128xf32, #tpu.memory_space<vmem>>, vector<16xf32>,
        %parallel_loop3A_1105 = arith.mulf %parallel_loop3A_1101, %parallel_loop3A_1104 : vector<16xf32>
        %parallel_loop3A_1106 = arith.index_cast %parallel_loop3A_1070 : i32 to index
        %parallel_loop3A_1107 = arith.constant 80 : index
        %parallel_loop3A_1108 = tpu.vector_load %arg9[%parallel_loop3A_1106, %parallel_loop3A_1107] {strides = array<i32>} : memref<128x128xf32, #tpu.memory_space<vmem>>, vector<16xf32>,
        %parallel_loop3A_1109 = arith.index_cast %parallel_loop3A_1070 : i32 to index
        %parallel_loop3A_1110 = arith.constant 80 : index
        %parallel_loop3A_1111 = tpu.vector_load %arg10[%parallel_loop3A_1109, %parallel_loop3A_1110] {strides = array<i32>} : memref<128x128xf32, #tpu.memory_space<vmem>>, vector<16xf32>,
        %parallel_loop3A_1112 = arith.mulf %parallel_loop3A_1108, %parallel_loop3A_1111 : vector<16xf32>
        %parallel_loop3A_1113 = arith.index_cast %parallel_loop3A_1070 : i32 to index
        %parallel_loop3A_1114 = arith.constant 96 : index
        %parallel_loop3A_1115 = tpu.vector_load %arg9[%parallel_loop3A_1113, %parallel_loop3A_1114] {strides = array<i32>} : memref<128x128xf32, #tpu.memory_space<vmem>>, vector<16xf32>,
        %parallel_loop3A_1116 = arith.index_cast %parallel_loop3A_1070 : i32 to index
        %parallel_loop3A_1117 = arith.constant 96 : index
        %parallel_loop3A_1118 = tpu.vector_load %arg10[%parallel_loop3A_1116, %parallel_loop3A_1117] {strides = array<i32>} : memref<128x128xf32, #tpu.memory_space<vmem>>, vector<16xf32>,
        %parallel_loop3A_1119 = arith.mulf %parallel_loop3A_1115, %parallel_loop3A_1118 : vector<16xf32>
        %parallel_loop3A_1120 = arith.index_cast %parallel_loop3A_1070 : i32 to index
        %parallel_loop3A_1121 = arith.constant 112 : index
        %parallel_loop3A_1122 = tpu.vector_load %arg9[%parallel_loop3A_1120, %parallel_loop3A_1121] {strides = array<i32>} : memref<128x128xf32, #tpu.memory_space<vmem>>, vector<16xf32>,
        %parallel_loop3A_1123 = arith.index_cast %parallel_loop3A_1070 : i32 to index
        %parallel_loop3A_1124 = arith.constant 112 : index
        %parallel_loop3A_1125 = tpu.vector_load %arg10[%parallel_loop3A_1123, %parallel_loop3A_1124] {strides = array<i32>} : memref<128x128xf32, #tpu.memory_space<vmem>>, vector<16xf32>,
        %parallel_loop3A_1126 = arith.mulf %parallel_loop3A_1122, %parallel_loop3A_1125 : vector<16xf32>
        %parallel_loop3A_1127 = arith.addf %parallel_loop3A_1077, %parallel_loop3A_1084 : vector<16xf32>
        %parallel_loop3A_1128 = arith.addf %parallel_loop3A_1091, %parallel_loop3A_1098 : vector<16xf32>
        %parallel_loop3A_1129 = arith.addf %parallel_loop3A_1105, %parallel_loop3A_1112 : vector<16xf32>
        %parallel_loop3A_1130 = arith.addf %parallel_loop3A_1119, %parallel_loop3A_1126 : vector<16xf32>
        %parallel_loop3A_1131 = arith.addf %parallel_loop3A_1127, %parallel_loop3A_1128 : vector<16xf32>
        %parallel_loop3A_1132 = arith.addf %parallel_loop3A_1129, %parallel_loop3A_1130 : vector<16xf32>
        %parallel_loop3A_1133 = arith.addf %parallel_loop3A_1131, %parallel_loop3A_1132 : vector<16xf32>
        %parallel_loop3A_1134 = arith.constant 224 : i32
        %parallel_loop3A_1135 = arith.addi %parallel_loop3A_87, %parallel_loop3A_1134 : i32
        %parallel_loop3A_1136 = arith.index_cast %parallel_loop3A_1135 : i32 to index
        %parallel_loop3A_1137 = tpu.vector_load %arg11[%parallel_loop3A_1136] {strides = array<i32>} : memref<1024xf32, #tpu.memory_space<vmem>>, vector<16xf32>,
        tpu.vector_store %arg11[%parallel_loop3A_1136], %parallel_loop3A_1133 {strides = array<i32>} : memref<1024xf32, #tpu.memory_space<vmem>>, vector<16xf32>,
        %parallel_loop3A_1138 = arith.addi %mul3A_79, %parallel_loop3A_85 : i32
        %parallel_loop3A_1139 = arith.constant 15 : i32
        %parallel_loop3A_1140 = arith.addi %parallel_loop3A_1138, %parallel_loop3A_1139 : i32
        %parallel_loop3A_1141 = arith.index_cast %parallel_loop3A_1140 : i32 to index
        %parallel_loop3A_1142 = arith.constant 0 : index
        %parallel_loop3A_1143 = tpu.vector_load %arg9[%parallel_loop3A_1141, %parallel_loop3A_1142] {strides = array<i32>} : memref<128x128xf32, #tpu.memory_space<vmem>>, vector<16xf32>,
        %parallel_loop3A_1144 = arith.index_cast %parallel_loop3A_1140 : i32 to index
        %parallel_loop3A_1145 = arith.constant 0 : index
        %parallel_loop3A_1146 = tpu.vector_load %arg10[%parallel_loop3A_1144, %parallel_loop3A_1145] {strides = array<i32>} : memref<128x128xf32, #tpu.memory_space<vmem>>, vector<16xf32>,
        %parallel_loop3A_1147 = arith.mulf %parallel_loop3A_1143, %parallel_loop3A_1146 : vector<16xf32>
        %parallel_loop3A_1148 = arith.index_cast %parallel_loop3A_1140 : i32 to index
        %parallel_loop3A_1149 = arith.constant 16 : index
        %parallel_loop3A_1150 = tpu.vector_load %arg9[%parallel_loop3A_1148, %parallel_loop3A_1149] {strides = array<i32>} : memref<128x128xf32, #tpu.memory_space<vmem>>, vector<16xf32>,
        %parallel_loop3A_1151 = arith.index_cast %parallel_loop3A_1140 : i32 to index
        %parallel_loop3A_1152 = arith.constant 16 : index
        %parallel_loop3A_1153 = tpu.vector_load %arg10[%parallel_loop3A_1151, %parallel_loop3A_1152] {strides = array<i32>} : memref<128x128xf32, #tpu.memory_space<vmem>>, vector<16xf32>,
        %parallel_loop3A_1154 = arith.mulf %parallel_loop3A_1150, %parallel_loop3A_1153 : vector<16xf32>
        %parallel_loop3A_1155 = arith.index_cast %parallel_loop3A_1140 : i32 to index
        %parallel_loop3A_1156 = arith.constant 32 : index
        %parallel_loop3A_1157 = tpu.vector_load %arg9[%parallel_loop3A_1155, %parallel_loop3A_1156] {strides = array<i32>} : memref<128x128xf32, #tpu.memory_space<vmem>>, vector<16xf32>,
        %parallel_loop3A_1158 = arith.index_cast %parallel_loop3A_1140 : i32 to index
        %parallel_loop3A_1159 = arith.constant 32 : index
        %parallel_loop3A_1160 = tpu.vector_load %arg10[%parallel_loop3A_1158, %parallel_loop3A_1159] {strides = array<i32>} : memref<128x128xf32, #tpu.memory_space<vmem>>, vector<16xf32>,
        %parallel_loop3A_1161 = arith.mulf %parallel_loop3A_1157, %parallel_loop3A_1160 : vector<16xf32>
        %parallel_loop3A_1162 = arith.index_cast %parallel_loop3A_1140 : i32 to index
        %parallel_loop3A_1163 = arith.constant 48 : index
        %parallel_loop3A_1164 = tpu.vector_load %arg9[%parallel_loop3A_1162, %parallel_loop3A_1163] {strides = array<i32>} : memref<128x128xf32, #tpu.memory_space<vmem>>, vector<16xf32>,
        %parallel_loop3A_1165 = arith.index_cast %parallel_loop3A_1140 : i32 to index
        %parallel_loop3A_1166 = arith.constant 48 : index
        %parallel_loop3A_1167 = tpu.vector_load %arg10[%parallel_loop3A_1165, %parallel_loop3A_1166] {strides = array<i32>} : memref<128x128xf32, #tpu.memory_space<vmem>>, vector<16xf32>,
        %parallel_loop3A_1168 = arith.mulf %parallel_loop3A_1164, %parallel_loop3A_1167 : vector<16xf32>
        %parallel_loop3A_1169 = arith.index_cast %parallel_loop3A_1140 : i32 to index
        %parallel_loop3A_1170 = arith.constant 64 : index
        %parallel_loop3A_1171 = tpu.vector_load %arg9[%parallel_loop3A_1169, %parallel_loop3A_1170] {strides = array<i32>} : memref<128x128xf32, #tpu.memory_space<vmem>>, vector<16xf32>,
        %parallel_loop3A_1172 = arith.index_cast %parallel_loop3A_1140 : i32 to index
        %parallel_loop3A_1173 = arith.constant 64 : index
        %parallel_loop3A_1174 = tpu.vector_load %arg10[%parallel_loop3A_1172, %parallel_loop3A_1173] {strides = array<i32>} : memref<128x128xf32, #tpu.memory_space<vmem>>, vector<16xf32>,
        %parallel_loop3A_1175 = arith.mulf %parallel_loop3A_1171, %parallel_loop3A_1174 : vector<16xf32>
        %parallel_loop3A_1176 = arith.index_cast %parallel_loop3A_1140 : i32 to index
        %parallel_loop3A_1177 = arith.constant 80 : index
        %parallel_loop3A_1178 = tpu.vector_load %arg9[%parallel_loop3A_1176, %parallel_loop3A_1177] {strides = array<i32>} : memref<128x128xf32, #tpu.memory_space<vmem>>, vector<16xf32>,
        %parallel_loop3A_1179 = arith.index_cast %parallel_loop3A_1140 : i32 to index
        %parallel_loop3A_1180 = arith.constant 80 : index
        %parallel_loop3A_1181 = tpu.vector_load %arg10[%parallel_loop3A_1179, %parallel_loop3A_1180] {strides = array<i32>} : memref<128x128xf32, #tpu.memory_space<vmem>>, vector<16xf32>,
        %parallel_loop3A_1182 = arith.mulf %parallel_loop3A_1178, %parallel_loop3A_1181 : vector<16xf32>
        %parallel_loop3A_1183 = arith.index_cast %parallel_loop3A_1140 : i32 to index
        %parallel_loop3A_1184 = arith.constant 96 : index
        %parallel_loop3A_1185 = tpu.vector_load %arg9[%parallel_loop3A_1183, %parallel_loop3A_1184] {strides = array<i32>} : memref<128x128xf32, #tpu.memory_space<vmem>>, vector<16xf32>,
        %parallel_loop3A_1186 = arith.index_cast %parallel_loop3A_1140 : i32 to index
        %parallel_loop3A_1187 = arith.constant 96 : index
        %parallel_loop3A_1188 = tpu.vector_load %arg10[%parallel_loop3A_1186, %parallel_loop3A_1187] {strides = array<i32>} : memref<128x128xf32, #tpu.memory_space<vmem>>, vector<16xf32>,
        %parallel_loop3A_1189 = arith.mulf %parallel_loop3A_1185, %parallel_loop3A_1188 : vector<16xf32>
        %parallel_loop3A_1190 = arith.index_cast %parallel_loop3A_1140 : i32 to index
        %parallel_loop3A_1191 = arith.constant 112 : index
        %parallel_loop3A_1192 = tpu.vector_load %arg9[%parallel_loop3A_1190, %parallel_loop3A_1191] {strides = array<i32>} : memref<128x128xf32, #tpu.memory_space<vmem>>, vector<16xf32>,
        %parallel_loop3A_1193 = arith.index_cast %parallel_loop3A_1140 : i32 to index
        %parallel_loop3A_1194 = arith.constant 112 : index
        %parallel_loop3A_1195 = tpu.vector_load %arg10[%parallel_loop3A_1193, %parallel_loop3A_1194] {strides = array<i32>} : memref<128x128xf32, #tpu.memory_space<vmem>>, vector<16xf32>,
        %parallel_loop3A_1196 = arith.mulf %parallel_loop3A_1192, %parallel_loop3A_1195 : vector<16xf32>
        %parallel_loop3A_1197 = arith.addf %parallel_loop3A_1147, %parallel_loop3A_1154 : vector<16xf32>
        %parallel_loop3A_1198 = arith.addf %parallel_loop3A_1161, %parallel_loop3A_1168 : vector<16xf32>
        %parallel_loop3A_1199 = arith.addf %parallel_loop3A_1175, %parallel_loop3A_1182 : vector<16xf32>
        %parallel_loop3A_1200 = arith.addf %parallel_loop3A_1189, %parallel_loop3A_1196 : vector<16xf32>
        %parallel_loop3A_1201 = arith.addf %parallel_loop3A_1197, %parallel_loop3A_1198 : vector<16xf32>
        %parallel_loop3A_1202 = arith.addf %parallel_loop3A_1199, %parallel_loop3A_1200 : vector<16xf32>
        %parallel_loop3A_1203 = arith.addf %parallel_loop3A_1201, %parallel_loop3A_1202 : vector<16xf32>
        %parallel_loop3A_1204 = arith.constant 240 : i32
        %parallel_loop3A_1205 = arith.addi %parallel_loop3A_87, %parallel_loop3A_1204 : i32
        %parallel_loop3A_1206 = arith.index_cast %parallel_loop3A_1205 : i32 to index
        %parallel_loop3A_1207 = tpu.vector_load %arg11[%parallel_loop3A_1206] {strides = array<i32>} : memref<1024xf32, #tpu.memory_space<vmem>>, vector<16xf32>,
        tpu.vector_store %arg11[%parallel_loop3A_1206], %parallel_loop3A_1203 {strides = array<i32>} : memref<1024xf32, #tpu.memory_space<vmem>>, vector<16xf32>,
        %parallel_loop3A_1208 = vector.broadcast %parallel_loop3A_87 : i32 to vector<16xi32>
        %parallel_loop3A_1209 = arith.addi %mul3A_3, %parallel_loop3A_1208 : vector<16xi32>
        %parallel_loop3A_1210 = arith.constant 0 : i32
        %parallel_loop3A_1211 = vector.broadcast %parallel_loop3A_1210 : i32 to vector<16xi32>
        %parallel_loop3A_1212 = arith.addi %parallel_loop3A_1209, %parallel_loop3A_1211 : vector<16xi32>
        %parallel_loop3A_1213 = tpu.vector_load_idx %arg11[%parallel_loop3A_1212] : memref<1024xf32, #tpu.memory_space<vmem>>[vector<16xi32>], vector<16xf32>,
        %parallel_loop3A_1214 = vector.broadcast %parallel_loop3A_87 : i32 to vector<16xi32>
        %parallel_loop3A_1215 = arith.addi %mul3A_3, %parallel_loop3A_1214 : vector<16xi32>
        %parallel_loop3A_1216 = arith.constant 1 : i32
        %parallel_loop3A_1217 = vector.broadcast %parallel_loop3A_1216 : i32 to vector<16xi32>
        %parallel_loop3A_1218 = arith.addi %parallel_loop3A_1215, %parallel_loop3A_1217 : vector<16xi32>
        %parallel_loop3A_1219 = tpu.vector_load_idx %arg11[%parallel_loop3A_1218] : memref<1024xf32, #tpu.memory_space<vmem>>[vector<16xi32>], vector<16xf32>,
        %parallel_loop3A_1220 = vector.broadcast %parallel_loop3A_87 : i32 to vector<16xi32>
        %parallel_loop3A_1221 = arith.addi %mul3A_3, %parallel_loop3A_1220 : vector<16xi32>
        %parallel_loop3A_1222 = arith.constant 2 : i32
        %parallel_loop3A_1223 = vector.broadcast %parallel_loop3A_1222 : i32 to vector<16xi32>
        %parallel_loop3A_1224 = arith.addi %parallel_loop3A_1221, %parallel_loop3A_1223 : vector<16xi32>
        %parallel_loop3A_1225 = tpu.vector_load_idx %arg11[%parallel_loop3A_1224] : memref<1024xf32, #tpu.memory_space<vmem>>[vector<16xi32>], vector<16xf32>,
        %parallel_loop3A_1226 = vector.broadcast %parallel_loop3A_87 : i32 to vector<16xi32>
        %parallel_loop3A_1227 = arith.addi %mul3A_3, %parallel_loop3A_1226 : vector<16xi32>
        %parallel_loop3A_1228 = arith.constant 3 : i32
        %parallel_loop3A_1229 = vector.broadcast %parallel_loop3A_1228 : i32 to vector<16xi32>
        %parallel_loop3A_1230 = arith.addi %parallel_loop3A_1227, %parallel_loop3A_1229 : vector<16xi32>
        %parallel_loop3A_1231 = tpu.vector_load_idx %arg11[%parallel_loop3A_1230] : memref<1024xf32, #tpu.memory_space<vmem>>[vector<16xi32>], vector<16xf32>,
        %parallel_loop3A_1232 = vector.broadcast %parallel_loop3A_87 : i32 to vector<16xi32>
        %parallel_loop3A_1233 = arith.addi %mul3A_3, %parallel_loop3A_1232 : vector<16xi32>
        %parallel_loop3A_1234 = arith.constant 4 : i32
        %parallel_loop3A_1235 = vector.broadcast %parallel_loop3A_1234 : i32 to vector<16xi32>
        %parallel_loop3A_1236 = arith.addi %parallel_loop3A_1233, %parallel_loop3A_1235 : vector<16xi32>
        %parallel_loop3A_1237 = tpu.vector_load_idx %arg11[%parallel_loop3A_1236] : memref<1024xf32, #tpu.memory_space<vmem>>[vector<16xi32>], vector<16xf32>,
        %parallel_loop3A_1238 = vector.broadcast %parallel_loop3A_87 : i32 to vector<16xi32>
        %parallel_loop3A_1239 = arith.addi %mul3A_3, %parallel_loop3A_1238 : vector<16xi32>
        %parallel_loop3A_1240 = arith.constant 5 : i32
        %parallel_loop3A_1241 = vector.broadcast %parallel_loop3A_1240 : i32 to vector<16xi32>
        %parallel_loop3A_1242 = arith.addi %parallel_loop3A_1239, %parallel_loop3A_1241 : vector<16xi32>
        %parallel_loop3A_1243 = tpu.vector_load_idx %arg11[%parallel_loop3A_1242] : memref<1024xf32, #tpu.memory_space<vmem>>[vector<16xi32>], vector<16xf32>,
        %parallel_loop3A_1244 = vector.broadcast %parallel_loop3A_87 : i32 to vector<16xi32>
        %parallel_loop3A_1245 = arith.addi %mul3A_3, %parallel_loop3A_1244 : vector<16xi32>
        %parallel_loop3A_1246 = arith.constant 6 : i32
        %parallel_loop3A_1247 = vector.broadcast %parallel_loop3A_1246 : i32 to vector<16xi32>
        %parallel_loop3A_1248 = arith.addi %parallel_loop3A_1245, %parallel_loop3A_1247 : vector<16xi32>
        %parallel_loop3A_1249 = tpu.vector_load_idx %arg11[%parallel_loop3A_1248] : memref<1024xf32, #tpu.memory_space<vmem>>[vector<16xi32>], vector<16xf32>,
        %parallel_loop3A_1250 = vector.broadcast %parallel_loop3A_87 : i32 to vector<16xi32>
        %parallel_loop3A_1251 = arith.addi %mul3A_3, %parallel_loop3A_1250 : vector<16xi32>
        %parallel_loop3A_1252 = arith.constant 7 : i32
        %parallel_loop3A_1253 = vector.broadcast %parallel_loop3A_1252 : i32 to vector<16xi32>
        %parallel_loop3A_1254 = arith.addi %parallel_loop3A_1251, %parallel_loop3A_1253 : vector<16xi32>
        %parallel_loop3A_1255 = tpu.vector_load_idx %arg11[%parallel_loop3A_1254] : memref<1024xf32, #tpu.memory_space<vmem>>[vector<16xi32>], vector<16xf32>,
        %parallel_loop3A_1256 = vector.broadcast %parallel_loop3A_87 : i32 to vector<16xi32>
        %parallel_loop3A_1257 = arith.addi %mul3A_3, %parallel_loop3A_1256 : vector<16xi32>
        %parallel_loop3A_1258 = arith.constant 8 : i32
        %parallel_loop3A_1259 = vector.broadcast %parallel_loop3A_1258 : i32 to vector<16xi32>
        %parallel_loop3A_1260 = arith.addi %parallel_loop3A_1257, %parallel_loop3A_1259 : vector<16xi32>
        %parallel_loop3A_1261 = tpu.vector_load_idx %arg11[%parallel_loop3A_1260] : memref<1024xf32, #tpu.memory_space<vmem>>[vector<16xi32>], vector<16xf32>,
        %parallel_loop3A_1262 = vector.broadcast %parallel_loop3A_87 : i32 to vector<16xi32>
        %parallel_loop3A_1263 = arith.addi %mul3A_3, %parallel_loop3A_1262 : vector<16xi32>
        %parallel_loop3A_1264 = arith.constant 9 : i32
        %parallel_loop3A_1265 = vector.broadcast %parallel_loop3A_1264 : i32 to vector<16xi32>
        %parallel_loop3A_1266 = arith.addi %parallel_loop3A_1263, %parallel_loop3A_1265 : vector<16xi32>
        %parallel_loop3A_1267 = tpu.vector_load_idx %arg11[%parallel_loop3A_1266] : memref<1024xf32, #tpu.memory_space<vmem>>[vector<16xi32>], vector<16xf32>,
        %parallel_loop3A_1268 = vector.broadcast %parallel_loop3A_87 : i32 to vector<16xi32>
        %parallel_loop3A_1269 = arith.addi %mul3A_3, %parallel_loop3A_1268 : vector<16xi32>
        %parallel_loop3A_1270 = arith.constant 10 : i32
        %parallel_loop3A_1271 = vector.broadcast %parallel_loop3A_1270 : i32 to vector<16xi32>
        %parallel_loop3A_1272 = arith.addi %parallel_loop3A_1269, %parallel_loop3A_1271 : vector<16xi32>
        %parallel_loop3A_1273 = tpu.vector_load_idx %arg11[%parallel_loop3A_1272] : memref<1024xf32, #tpu.memory_space<vmem>>[vector<16xi32>], vector<16xf32>,
        %parallel_loop3A_1274 = vector.broadcast %parallel_loop3A_87 : i32 to vector<16xi32>
        %parallel_loop3A_1275 = arith.addi %mul3A_3, %parallel_loop3A_1274 : vector<16xi32>
        %parallel_loop3A_1276 = arith.constant 11 : i32
        %parallel_loop3A_1277 = vector.broadcast %parallel_loop3A_1276 : i32 to vector<16xi32>
        %parallel_loop3A_1278 = arith.addi %parallel_loop3A_1275, %parallel_loop3A_1277 : vector<16xi32>
        %parallel_loop3A_1279 = tpu.vector_load_idx %arg11[%parallel_loop3A_1278] : memref<1024xf32, #tpu.memory_space<vmem>>[vector<16xi32>], vector<16xf32>,
        %parallel_loop3A_1280 = vector.broadcast %parallel_loop3A_87 : i32 to vector<16xi32>
        %parallel_loop3A_1281 = arith.addi %mul3A_3, %parallel_loop3A_1280 : vector<16xi32>
        %parallel_loop3A_1282 = arith.constant 12 : i32
        %parallel_loop3A_1283 = vector.broadcast %parallel_loop3A_1282 : i32 to vector<16xi32>
        %parallel_loop3A_1284 = arith.addi %parallel_loop3A_1281, %parallel_loop3A_1283 : vector<16xi32>
        %parallel_loop3A_1285 = tpu.vector_load_idx %arg11[%parallel_loop3A_1284] : memref<1024xf32, #tpu.memory_space<vmem>>[vector<16xi32>], vector<16xf32>,
        %parallel_loop3A_1286 = vector.broadcast %parallel_loop3A_87 : i32 to vector<16xi32>
        %parallel_loop3A_1287 = arith.addi %mul3A_3, %parallel_loop3A_1286 : vector<16xi32>
        %parallel_loop3A_1288 = arith.constant 13 : i32
        %parallel_loop3A_1289 = vector.broadcast %parallel_loop3A_1288 : i32 to vector<16xi32>
        %parallel_loop3A_1290 = arith.addi %parallel_loop3A_1287, %parallel_loop3A_1289 : vector<16xi32>
        %parallel_loop3A_1291 = tpu.vector_load_idx %arg11[%parallel_loop3A_1290] : memref<1024xf32, #tpu.memory_space<vmem>>[vector<16xi32>], vector<16xf32>,
        %parallel_loop3A_1292 = vector.broadcast %parallel_loop3A_87 : i32 to vector<16xi32>
        %parallel_loop3A_1293 = arith.addi %mul3A_3, %parallel_loop3A_1292 : vector<16xi32>
        %parallel_loop3A_1294 = arith.constant 14 : i32
        %parallel_loop3A_1295 = vector.broadcast %parallel_loop3A_1294 : i32 to vector<16xi32>
        %parallel_loop3A_1296 = arith.addi %parallel_loop3A_1293, %parallel_loop3A_1295 : vector<16xi32>
        %parallel_loop3A_1297 = tpu.vector_load_idx %arg11[%parallel_loop3A_1296] : memref<1024xf32, #tpu.memory_space<vmem>>[vector<16xi32>], vector<16xf32>,
        %parallel_loop3A_1298 = vector.broadcast %parallel_loop3A_87 : i32 to vector<16xi32>
        %parallel_loop3A_1299 = arith.addi %mul3A_3, %parallel_loop3A_1298 : vector<16xi32>
        %parallel_loop3A_1300 = arith.constant 15 : i32
        %parallel_loop3A_1301 = vector.broadcast %parallel_loop3A_1300 : i32 to vector<16xi32>
        %parallel_loop3A_1302 = arith.addi %parallel_loop3A_1299, %parallel_loop3A_1301 : vector<16xi32>
        %parallel_loop3A_1303 = tpu.vector_load_idx %arg11[%parallel_loop3A_1302] : memref<1024xf32, #tpu.memory_space<vmem>>[vector<16xi32>], vector<16xf32>,
        %parallel_loop3A_1304 = arith.addf %parallel_loop3A_1213, %parallel_loop3A_1219 : vector<16xf32>
        %parallel_loop3A_1305 = arith.addf %parallel_loop3A_1225, %parallel_loop3A_1231 : vector<16xf32>
        %parallel_loop3A_1306 = arith.addf %parallel_loop3A_1237, %parallel_loop3A_1243 : vector<16xf32>
        %parallel_loop3A_1307 = arith.addf %parallel_loop3A_1249, %parallel_loop3A_1255 : vector<16xf32>
        %parallel_loop3A_1308 = arith.addf %parallel_loop3A_1261, %parallel_loop3A_1267 : vector<16xf32>
        %parallel_loop3A_1309 = arith.addf %parallel_loop3A_1273, %parallel_loop3A_1279 : vector<16xf32>
        %parallel_loop3A_1310 = arith.addf %parallel_loop3A_1285, %parallel_loop3A_1291 : vector<16xf32>
        %parallel_loop3A_1311 = arith.addf %parallel_loop3A_1297, %parallel_loop3A_1303 : vector<16xf32>
        %parallel_loop3A_1312 = arith.addf %parallel_loop3A_1304, %parallel_loop3A_1305 : vector<16xf32>
        %parallel_loop3A_1313 = arith.addf %parallel_loop3A_1306, %parallel_loop3A_1307 : vector<16xf32>
        %parallel_loop3A_1314 = arith.addf %parallel_loop3A_1308, %parallel_loop3A_1309 : vector<16xf32>
        %parallel_loop3A_1315 = arith.addf %parallel_loop3A_1310, %parallel_loop3A_1311 : vector<16xf32>
        %parallel_loop3A_1316 = arith.addf %parallel_loop3A_1312, %parallel_loop3A_1313 : vector<16xf32>
        %parallel_loop3A_1317 = arith.addf %parallel_loop3A_1314, %parallel_loop3A_1315 : vector<16xf32>
        %parallel_loop3A_1318 = arith.addf %parallel_loop3A_1316, %parallel_loop3A_1317 : vector<16xf32>
        %parallel_loop3A_1319 = arith.constant 0.000000e+00 : f32
        %parallel_loop3A_1320 = vector.broadcast %parallel_loop3A_1319 : f32 to vector<16xf32>
        %parallel_loop3A_1321 = arith.subf %parallel_loop3A_1320, %parallel_loop3A_1318 : vector<16xf32>
        %parallel_loop3A_1322 = math.exp %parallel_loop3A_1321 : vector<16xf32>
        %parallel_loop3A_1323 = arith.constant 1.000000e+00 : f32
        %parallel_loop3A_1324 = vector.broadcast %parallel_loop3A_1323 : f32 to vector<16xf32>
        %parallel_loop3A_1325 = arith.addf %parallel_loop3A_1324, %parallel_loop3A_1322 : vector<16xf32>
        %parallel_loop3A_1326 = arith.constant 1.000000e+00 : f32
        %parallel_loop3A_1327 = vector.broadcast %parallel_loop3A_1326 : f32 to vector<16xf32>
        %parallel_loop3A_1328 = arith.divf %parallel_loop3A_1327, %parallel_loop3A_1325 : vector<16xf32>
        %parallel_loop3A_1329 = arith.constant 64 : i32
        %parallel_loop3A_1330 = arith.muli %scan3A_50, %parallel_loop3A_1329 : i32
        %parallel_loop3A_1331 = arith.addi %parallel_loop3A_1330, %parallel_loop3A_85 : i32
        %parallel_loop3A_1332 = arith.index_cast %parallel_loop3A_1331 : i32 to index
        %parallel_loop3A_1333 = tpu.vector_load %arg12[%parallel_loop3A_1332] {strides = array<i32>} : memref<512xf32, #tpu.memory_space<vmem>>, vector<16xf32>,
        tpu.vector_store %arg12[%parallel_loop3A_1332], %parallel_loop3A_1328 {strides = array<i32>} : memref<512xf32, #tpu.memory_space<vmem>>, vector<16xf32>,
      } {sc.loop_unroll_factor = 2 : i64, sc.parallel_access}
      %scan3A_82 = arith.constant 0 : i32
      scf.yield %scan3A_82 : i32
    }
    %scan3A_47 = arith.constant 8 : i32
    %mul3A_48 = arith.constant 512 : i32
    %mul3A_49 = arith.muli %add3A, %mul3A_48 : i32
    "tpu.region"() ({
      %run_scoped3A = tpu.sem_alloc : memref<!tpu.dma_semaphore, #tpu.memory_space<semaphore_mem>>
      %dma_start3A_50 = tpu.memref_slice %arg6[%mul3A_49] : memref<16384xf32, #tpu.memory_space<hbm>> -> memref<512xf32, #tpu.memory_space<hbm>>
      %dma_start3A_51 = tpu.memref_slice %arg6[%mul3A_49] : memref<16384xf32, #tpu.memory_space<hbm>> -> memref<512xf32, #tpu.memory_space<hbm>>
      tpu.enqueue_dma source(%arg12 : memref<512xf32, #tpu.memory_space<vmem>>) target(%dma_start3A_51 : memref<512xf32, #tpu.memory_space<hbm>>) target_semaphore(%run_scoped3A : memref<!tpu.dma_semaphore, #tpu.memory_space<semaphore_mem>>)
      %dma_wait3A_52 = tpu.memref_slice %arg6[%mul3A_49] : memref<16384xf32, #tpu.memory_space<hbm>> -> memref<512xf32, #tpu.memory_space<hbm>>
      %dma_wait3A_53 = tpu.memref_slice %arg6[%mul3A_49] : memref<16384xf32, #tpu.memory_space<hbm>> -> memref<512xf32, #tpu.memory_space<hbm>>
      tpu.wait_dma2 semaphore(%run_scoped3A : memref<!tpu.dma_semaphore, #tpu.memory_space<semaphore_mem>>) src(%arg12 : memref<512xf32, #tpu.memory_space<vmem>>) dst(%dma_wait3A_53 : memref<512xf32, #tpu.memory_space<hbm>>)
      tpu.yield
    }) : () -> ()
    return
  }
}

</mosaic_0001>

<sc_bundles>
// kernel: kernel.3.cloned.1.call-start
scs
__scs_entry_jumppad:
0x0: {  	(pc) =	sbr.rel $0x88, $3  }
0x1: {  	(tag) =	ssettag $0x0;
	lr =	simm.s32 $0x1  }
0x2: {  	[smem:$0x3F9D] =	sst lr;
	_ =	strace $0xD0000000  }
0x3: {  	_ = 	snop  }
0x4: {  	_ = 	snop  }
0x5: {  	_ = 	snop  }
0x6: {  	_ = 	snop  }
0x7: {  	_ = 	snop  }
__scs_overlays_trampoline_lowered:
0x8: {  	[smem:$0x3FAC] =	sst s0  }
0x9: {  	[smem:$0x3FAD] =	sst s1  }
0xa: {  	[smem:$0x3FAE] =	sst s2  }
0xb: {  	[smem:$0x3FAF] =	sst s3  }
0xc: {  	[smem:$0x3FB0] =	sst s4  }
0xd: {  	[smem:$0x3FB1] =	sst s5  }
0xe: {  	[smem:$0x3FB2] =	sst s6  }
0xf: {  	[smem:$0x3FB3] =	sst s7  }
0x10: {  	[smem:$0x3FB4] =	sst s8  }
0x11: {  	[smem:$0x3FB5] =	sst s9;
	s0 =	simm.s32 @!p0 $0x0  }
0x12: {  	s1 =	sld [smem:$0x3F9B];
	s0 =	simm.s32 @p0 $0x1  }
0x13: {  	[smem:$0x3FB6] =	sst s0;
	s0 =	simm.s32 @!p1 $0x0  }
0x14: {  	s2 =	sld [smem:$0x3F9A];
	s0 =	simm.s32 @p1 $0x1  }
0x15: {  	[smem:$0x3FB7] =	sst s0;
	s0 =	simm.s32 @!p2 $0x0  }
0x16: {  	s3 =	sld [smem:$0x3FDB];
	s0 =	simm.s32 @p2 $0x1  }
0x17: {  	s4 =	simm.s32 $0x1BF5;
	[smem:$0x3FB9] =	sst s0  }
0x18: {  	s0 =	sld [smem:$0x3F9C];
	_ =	swait.ge [sflag:s4], $0x0  }
0x19: {  	s7 =	sld [smem:$0x3F9D]  }
0x1a: {  	s8 =	sadd.s32 $0xFFFFE003, lr  }
0x1b: {  	s9 =	sadd.s32 $0xFFFFFEF7, lr;
	s5 =	simm.s32 $0xFFFFFFFF;
	p2 =	slt.u32 s8, $0xFFFFF086  }
0x1c: {  	p1 =	slt.u32 s9, $0xF7A;
	s5 =	simm.s32 @!p2 $0x0  }
0x1d: {  	s5 =	simm.s32 @p1 $0x1;
	p0 =	seq.s32 s7, s2  }
0x1e: {  	s7 =	smul.u32 @!p0 $0xF7A, s2;
	p2 =	seq.s32 @!p0 s5, $0x0  }
0x1f: {  	s9 =	smul.u32 $0xF7A, s1;
	s8 =	simm.s32 @!p0 $0x1BF5;
	p2 =	por !p2, p0  }
0x20: {  	[sflag:s8] =	ssyncset.s32 @!p0 $0xFFFFF086;
	s6 =	sadd.s32 @!p0 s3, s7;
	s7 =	simm.s32 @!p0 $0x108  }
0x21: {  	s3 =	sadd.s32 s3, s9;
	s6 =	sadd.s32 @!p0 $0x88, s6;
	s7 =	simm.s32 @p2 $0x1082  }
0x22: {  	[simem:s7], [sflag:s8] =	dma.local @!p0 [hbm:s6], $0xF7A  }
0x23: {  	s9 =	sor.u32 $0xD0000000, s2;
	s6 =	simm.s32 $0x108;
	_ =	swait.ge @!p0 [sflag:s8], $0x0  }
0x24: {  	s3 =	sadd.s32 $0x88, s3;
	s6 =	simm.s32 @!p1 $0x1082;
	[sflag:s4] =	ssyncset.s32 $0xFFFFF086  }
0x25: {  	[simem:s6], [sflag:s4] =	dma.local [hbm:s3], $0xF7A  }
0x26: {  	[smem:$0x3F9D] =	sst s1;
	(tag) =	ssettag s2;
	_ =	strace s9  }
0x27: {  	s1 =	sld [smem:$0x3FAD]  }
0x28: {  	s2 =	sld [smem:$0x3FAE]  }
0x29: {  	s4 =	sld [smem:$0x3FB0]  }
0x2a: {  	p0 =	seq.s32 s5, $0x0;
	s5 =	sld [smem:$0x3FB1]  }
0x2b: {  	s6 =	sld [smem:$0x3FB2]  }
0x2c: {  	s7 =	sld [smem:$0x3FB3]  }
0x2d: {  	s3 =	simm.s32 $0x108;
	s8 =	sld [smem:$0x3FB4]  }
0x2e: {  	s3 =	simm.s32 @!p0 $0x1082;
	s9 =	sld [smem:$0x3FB5]  }
0x2f: {  	lr =	sadd.s32 s0, s3;
	s0 =	sld [smem:$0x3FAC]  }
0x30: {  	s3 =	sld [smem:$0x3FAF]  }
0x31: {  	[smem:$0x3FB8] =	sst s10  }
0x32: {  	s10 =	sld [smem:$0x3FB6];
	_ =	sdelay $0x3  }
0x33: {  	p0 =	seq.s32 s10, $0x1;
	s10 =	sld [smem:$0x3FB8];
	_ =	sdelay $0x3  }
0x34: {  	[smem:$0x3FB8] =	sst s10  }
0x35: {  	s10 =	sld [smem:$0x3FB7];
	_ =	sdelay $0x3  }
0x36: {  	p1 =	seq.s32 s10, $0x1;
	s10 =	sld [smem:$0x3FB8];
	_ =	sdelay $0x3  }
0x37: {  	[smem:$0x3FB8] =	sst s10  }
0x38: {  	s10 =	sld [smem:$0x3FB9]  }
0x39: {  	_ = 	snop;
	(pc) =	sbr.ind lr, $3  }
0x3a: {  	_ = 	snop  }
0x3b: {  	_ = 	snop  }
0x3c: {  	p2 =	seq.s32 s10, $0x1;
	s10 =	sld [smem:$0x3FB8]  }
0x3d: {  	_ =	shalt  }
0x3e: {  	_ =	shalt  }
0x3f: {  	_ =	shalt  }
0x40: {  	_ =	shalt  }
0x41: {  	_ =	shalt  }
0x42: {  	_ =	shalt  }
0x43: {  	_ =	shalt  }
0x44: {  	_ =	shalt  }
0x45: {  	_ =	shalt  }
0x46: {  	_ =	shalt  }
0x47: {  	_ =	shalt  }
0x48: {  	_ =	shalt  }
0x49: {  	_ =	shalt  }
0x4a: {  	_ =	shalt  }
0x4b: {  	_ =	shalt  }
0x4c: {  	_ =	shalt  }
0x4d: {  	_ =	shalt  }
0x4e: {  	_ =	shalt  }
0x4f: {  	_ =	shalt  }
0x50: {  	_ =	shalt  }
0x51: {  	_ =	shalt  }
0x52: {  	_ =	shalt  }
0x53: {  	_ =	shalt  }
0x54: {  	_ =	shalt  }
0x55: {  	_ =	shalt  }
0x56: {  	_ =	shalt  }
0x57: {  	_ =	shalt  }
0x58: {  	_ =	shalt  }
0x59: {  	_ =	shalt  }
0x5a: {  	_ =	shalt  }
0x5b: {  	_ =	shalt  }
0x5c: {  	_ =	shalt  }
0x5d: {  	_ =	shalt  }
0x5e: {  	_ =	shalt  }
0x5f: {  	_ =	shalt  }
0x60: {  	_ =	shalt  }
0x61: {  	_ =	shalt  }
0x62: {  	_ =	shalt  }
0x63: {  	_ =	shalt  }
0x64: {  	_ =	shalt  }
0x65: {  	_ =	shalt  }
0x66: {  	_ =	shalt  }
0x67: {  	_ =	shalt  }
0x68: {  	_ =	shalt  }
0x69: {  	_ =	shalt  }
0x6a: {  	_ =	shalt  }
0x6b: {  	_ =	shalt  }
0x6c: {  	_ =	shalt  }
0x6d: {  	_ =	shalt  }
0x6e: {  	_ =	shalt  }
0x6f: {  	_ =	shalt  }
0x70: {  	_ =	shalt  }
0x71: {  	_ =	shalt  }
0x72: {  	_ =	shalt  }
0x73: {  	_ =	shalt  }
0x74: {  	_ =	shalt  }
0x75: {  	_ =	shalt  }
0x76: {  	_ =	shalt  }
0x77: {  	_ =	shalt  }
0x78: {  	_ =	shalt  }
0x79: {  	_ =	shalt  }
0x7a: {  	_ =	shalt  }
0x7b: {  	_ =	shalt  }
0x7c: {  	_ =	shalt  }
0x7d: {  	_ =	shalt  }
0x7e: {  	_ =	shalt  }
0x7f: {  	_ =	shalt  }
0x80: {  	_ =	shalt  }
0x81: {  	_ =	shalt  }
0x82: {  	_ =	shalt  }
0x83: {  	_ =	shalt  }
0x84: {  	_ =	shalt  }
0x85: {  	_ =	shalt  }
0x86: {  	_ =	shalt  }
0x87: {  	_ =	shalt  }
.Lfunc_end0:
.L_simem_size_0:
called_computation_lowered:
.L_overlay_start_0:
0x88: {  	s2 =	sld [smem:$0x3FD9]  }
0x89: {  	s3 =	sld [smem:$0x3FFE];
	_ =	sdelay $0x1  }
0x8a: {  	s1 =	srdreg.scid  }
0x8b: {  	s0 =	sand.u32 $0x1, s1  }
0x8c: {  	s17 =	sshll.u32 s0, $0xA;
	s2 =	sadd.s32 s3, s2  }
0x8d: {  	s2 =	sadd.s32 s2, s17  }
0x8e: {  	[smem:$0x3FC4] =	sst s2  }
0x8f: {  	_ = 	snop  }
0x90: {  	s2 =	sld [smem:$0x3FC7]  }
0x91: {  	s18 =	sld [smem:$0x3FC6]  }
0x92: {  	s4 =	sld [smem:$0x3FD0];
	(tm) =	ssettm $0x1  }
0x93: {  	s5 =	sld [smem:$0x3FFB];
	_ =	sdelay $0x3  }
0x94: {  	_ =	strace s5  }
0x95: {  	s5 =	sld [smem:$0x3FFC];
	_ =	sdelay $0x3  }
0x96: {  	_ =	strace s5  }
0x97: {  	s5 =	sld [smem:$0x3FFD];
	_ =	sdelay $0x3  }
0x98: {  	_ =	strace s5  }
0x99: {  	_ =	strace $0x8FFFFFFF  }
0x9a: {  	s19 =	sld [smem:$0x3FDB];
	_ =	sdelay $0x1  }
0x9b: {  	s6 =	simm.s32 $_scs_section_size  }
0x9c: {  	s7 =	simm.s32 $_size__tile_overlayer_lowered;
	s8 =	simm.s32 $_tile_overlayer_lowered  }
0x9d: {  	s22 =	simm.s32 $0x1BFF;
	s21 =	sshll.u32 s8, $0x1;
	s5 =	sadd.s32 s6, s19  }
0x9e: {  	s9 =	simm.s32 $0x0;
	s20 =	sshll.u32 s7, $0x1;
	s7 =	sadd.s32 s21, s5  }
0x9f: {  	[timem:s9], [sflag:s22] =	dma.local [hbm:s7], s20  }
0xa0: {  	_ =	swait.ge [sflag:s22], s20  }
0xa1: {  	s6 =	ssub.s32 $0x0, s20;
	[sflag:s22] =	ssyncset.done $0x0  }
0xa2: {  	[sflag:s22] =	ssyncadd.s32 s6;
	_ =	sdelay $0x1  }
0xa3: {  	s23 =	simm.s32 $0x1B8B  }
0xa4: {  	_ =	swait.ge [sflag:s23], $0x1  }
0xa5: {  	[sflag:s23] =	ssyncset.done $0x0  }
0xa6: {  	s25 =	simm.s32 $0x1B8E;
	s24 =	sld [smem:$0x3FFE];
	[sflag:s23] =	ssyncadd.s32 $0xFFFFFFFF  }
0xa7: {  	s26 =	simm.s32 $execute0_lowered;
	[smem:$0x3FD2] =	sst s25  }
0xa8: {  	s7 =	sshll.u32 s26, $0x1;
	_ =	strace $0x80000046;
	[dreg:$0x1] =	wrdreg $0xFFFFFFFF  }
0xa9: {  	s28 =	simm.s32 $_size_execute0_lowered;
	s5 =	sadd.s32 s5, s7;
	[dreg:$0x0] =	wrdreg $0x0  }
0xaa: {  	s7 =	sshll.u32 s28, $0x1;
	[dreg:$0x2] =	wrdreg s5  }
0xab: {  	[dreg:$0x3] =	wrdreg s7  }
0xac: {  	[dreg:$0x4] =	wrdreg $0xC0  }
0xad: {  	_ =	task [dreg:s9], $0x5FFFF  }
0xae: {  	[dreg:$0x1] =	wrdreg $0xFFFFFFFF  }
0xaf: {  	[dreg:$0x0] =	wrdreg $0x60  }
0xb0: {  	[dreg:$0x2] =	wrdreg s24  }
0xb1: {  	[dreg:$0x3] =	wrdreg s2  }
0xb2: {  	[dreg:$0x4] =	wrdreg s18  }
0xb3: {  	[dreg:$0x5] =	wrdreg s4  }
0xb4: {  	[dreg:$0x6] =	wrdreg $0x9  }
0xb5: {  	_ =	task.clear_ibuf [dreg:s9], $0x7FFFF;
	_ =	strace $0x90000046  }
0xb6: {  	s29 =	simm.s32 $0x9;
	_ =	strace $0x80000048  }
0xb7: {  	_ =	swait.ge [sflag:s29], $0x1  }
0xb8: {  	[sflag:s29] =	ssyncadd.s32 $0xFFFFFFFF  }
0xb9: {  	_ =	strace $0x90000048  }
0xba: {  	_ =	sfence  }
0xbb: {  	s30 =	sld [smem:$0x0];
	_ =	sdelay $0x2  }
0xbc: {  	s31 =	sshll.u32 s1, $0xD;
	s1 =	sshrl.u32 s1, $0x2  }
0xbd: {  	s3 =	sand.u32 $0x4000, s31;
	s1 =	sadd.s32 s1, s30  }
0xbe: {  	s0 =	sor.u32 s3, s0;
	s1 =	sshll.u32 s1, $0x11  }
0xbf: {  	s0 =	sor.u32 s1, s0  }
0xc0: {  	s0 =	sadd.s32 $0x8F2B, s0  }
0xc1: {  	[sflag:s0] =	ssyncadd.remote.s32 $0x1  }
0xc2: {  	_ =	sfence.sel $0xFFFF  }
0xc3: {  	[dreg:$0x0] =	wrdreg $0xFFFFFFFF;
	(pc) =	sbr.abs _section_cstart, $3  }
0xc4: {  	[dreg:$0x1] =	wrdreg $0xFFFFFFFF  }
0xc5: {  	_ =	task.clear_ibuf [dreg:s9], $0x2FFFF;
	_ =	strace $0x9FFFFFFF  }
0xc6: {  	(tm) =	ssettm $0x7FFFFFFF  }
0xc7: {  	_ =	shalt  }
tec
execute0_lowered:
.L_overlay_start_1:
0x0: {  	(tag) =	ssettag $0x1  }
0x1: {  	s5 =	rddreg [dreg:$0x0]  }
0x2: {  	s2 =	rddreg [dreg:$0x1]  }
0x3: {  	s3 =	rddreg [dreg:$0x2]  }
0x4: {  	s7 =	rddreg [dreg:$0x3]  }
0x5: {  	s4 =	srdreg.scid;
	s1 =	stileid.u32  }
0x6: {  	v0 =	vlaneseq.u32;
	s0 =	rddreg [dreg:$0x4];
	s11 =	simm.s32 $0x6;
	s12 =	simm.s32 $0x40  }
0x7: {  	s13 =	simm.s32 $0x800;
	s14 =	simm.s32 $0x4800;
	s15 =	simm.s32 $0x8800;
	v1 =	vand.u32 $0x7, v0;
	v0 =	vmul.u32 $0x10, v0  }
0x8: {  	s16 =	simm.s32 $0x8C00;
	s17 =	simm.s32 $0x7;
	s18 =	simm.s32 $0x0  }
0x9: {  	s6 =	sand.u32 $0x1, s4;
	s8 =	sshll.u32 s1, $0x1;
	s4 =	simm.s32 $0x0;
	v17 =	vmul.u32 $0x10, v1;
	v2 =	vor.u32 $0x1, v0;
	v3 =	vor.u32 $0x2, v0  }
0xa: {  	s8 =	sor.u32 s6, s8;
	s6 =	ssub.s32 $0x2, s6;
	[smem:$0x7FF] =	sst s4;
	v4 =	vor.u32 $0x3, v0;
	v5 =	vor.u32 $0x4, v0;
	v6 =	vor.u32 $0x5, v0  }
0xb: {  	s9 =	sshll.u32 s8, $0x7;
	s10 =	sshrl.u32 s6, $0x1;
	_ =	strace $0x80000047;
	v7 =	vor.u32 $0x6, v0;
	v8 =	vor.u32 $0x7, v0;
	v9 =	vor.u32 $0x8, v0  }
0xc: {  	s8 =	sshll.u32 s8, $0x6;
	v10 =	vor.u32 $0x9, v0;
	v11 =	vor.u32 $0xA, v0;
	v12 =	vor.u32 $0xB, v0;
	s9 =	sadd.s32 s9, s5;
	s10 =	ssub.s32 s6, s10  }
0xd: {  	v13 =	vor.u32 $0xC, v0;
	v14 =	vor.u32 $0xD, v0;
	v15 =	vor.u32 $0xE, v0;
	s7 =	sadd.s32 s7, s8;
	s5 =	sadd.s32 $0x400, s9;
	s6 =	sadd.s32 $0x1400, s9  }
0xe: {  	v16 =	vor.u32 $0xF, v0;
	v1 =	vor.u32 $0xFFFFFE80, v17;
	v17 =	vor.u32 $0xFFFFFF80, v17;
	s8 =	smax.u32 s10, $0x1;
	s9 =	simm.s32 $0x400;
	s10 =	simm.s32 $0x5  }
.LBB2_1:
0xf: {  	[tilespmem:s4], [sflag:$0x5] =	stream.linear.gather [hbm4b:s5+s4], $0x400, $0x38;
	[tilespmem:$0x8E00] =	vst v63  }
0x10: {  	_ = 	snop  }
0x11: {  	[tilespmem:s9], [sflag:$0x6] =	stream.linear.gather [hbm4b:s6+s4], $0x400, $0x38;
	[tilespmem:$0x8E00] =	vst v63  }
0x12: {  	_ =	swait.ge [sflag:s10], $0x400  }
0x13: {  	[sflag:s10] =	ssyncset.done $0x0  }
0x14: {  	[sflag:s10] =	ssyncadd.s32 $0xFFFFFC00  }
0x15: {  	_ =	swait.ge [sflag:s11], $0x400  }
0x16: {  	[sflag:s11] =	ssyncset.done $0x0  }
0x17: {  	[sflag:s11] =	ssyncadd.s32 $0xFFFFFC00  }
0x18: {  	[tilespmem:s13], [sflag:$0x1] =	stream.indirect.gather [hbm4b:s2+s12], $0x80, s4, s12, $0xb8;
	[tilespmem:$0x8E00] =	vst v63  }
0x19: {  	s19 =	simm.s32 $0x0  }
0x1a: {  	[tilespmem:s14], [sflag:$0x2] =	stream.indirect.gather [hbm4b:s3+s12], $0x80, s9, s12, $0xb8;
	[tilespmem:$0x8E00] =	vst v63  }
.LBB2_3:
0x1b: {  	s20 =	smov.u32 s19;
	s21 =	sand.u32 $0x1, s19  }
0x1c: {  	s19 =	sadd.s32 $0x1, s19;
	p0 =	seq.s32 s21, $0x1;
	p1 =	seq.s32 s20, $0x7  }
0x1d: {  	s22 =	sshll.u32 @!p0 s19, $0x7;
	s23 =	simm.s32 @!p0 $0x40;
	s24 =	simm.s32 @!p0 $0x2800  }
0x1e: {  	[tilespmem:s24], [sflag:$0x3] =	stream.indirect.gather @!p0 [hbm4b:s2+s23], $0x80, s22, s23, $0xb8;
	[tilespmem:$0x8E00] =	vst v63  }
0x1f: {  	p1 =	por !p0, p1;
	s22 =	sadd.s32 @!p0 $0x400, s22;
	s24 =	simm.s32 @!p0 $0x6800  }
0x20: {  	[tilespmem:s24], [sflag:$0x4] =	stream.indirect.gather @!p0 [hbm4b:s3+s23], $0x80, s22, s23, $0xb8;
	[tilespmem:$0x8E00] =	vst v63  }
0x21: {  	s22 =	sshll.u32 @!p1 s19, $0x7;
	s23 =	simm.s32 @!p1 $0x40;
	s24 =	simm.s32 @!p1 $0x800  }
0x22: {  	[tilespmem:s24], [sflag:$0x1] =	stream.indirect.gather @!p1 [hbm4b:s2+s23], $0x80, s22, s23, $0xb8;
	[tilespmem:$0x8E00] =	vst v63  }
0x23: {  	s22 =	sadd.s32 @!p1 $0x400, s22;
	s24 =	simm.s32 @!p1 $0x4800  }
0x24: {  	[tilespmem:s24], [sflag:$0x2] =	stream.indirect.gather @!p1 [hbm4b:s3+s23], $0x80, s22, s23, $0xb8;
	[tilespmem:$0x8E00] =	vst v63  }
0x25: {  	p1 =	sne.s32 s21, $0x0  }
0x26: {  	s22 =	simm.s32 @!p1 $0x1  }
0x27: {  	_ =	swait.ge @!p1 [sflag:s22], $0x2000  }
0x28: {  	[sflag:s22] =	ssyncset.done @!p1 $0x0  }
0x29: {  	[sflag:s22] =	ssyncadd.s32 @!p1 $0xFFFFE000;
	s22 =	simm.s32 @!p1 $0x2  }
0x2a: {  	_ =	swait.ge @!p1 [sflag:s22], $0x2000  }
0x2b: {  	[sflag:s22] =	ssyncset.done @!p1 $0x0  }
0x2c: {  	[sflag:s22] =	ssyncadd.s32 @!p1 $0xFFFFE000;
	s22 =	simm.s32 @p0 $0x3  }
0x2d: {  	_ =	swait.ge @p0 [sflag:s22], $0x2000  }
0x2e: {  	[sflag:s22] =	ssyncset.done @p0 $0x0  }
0x2f: {  	s20 =	sshll.u32 s20, $0x6;
	[sflag:s22] =	ssyncadd.s32 @p0 $0xFFFFE000;
	s22 =	simm.s32 @p0 $0x4  }
0x30: {  	s20 =	sand.u32 $0x3FFFFFC0, s20;
	_ =	swait.ge @p0 [sflag:s22], $0x2000  }
0x31: {  	s31 =	sadd.s32 $0x8C00, s20;
	s20 =	sshll.u32 s21, $0x6;
	[sflag:s22] =	ssyncset.done @p0 $0x0  }
0x32: {  	v18 =	vmov s31;
	s24 =	simm.s32 $0x0;
	[sflag:s22] =	ssyncadd.s32 @p0 $0xFFFFE000;
	p0 =	por $0x1, $0x1  }
.LBB2_4:
0x33: {  	s21 =	sshll.u32 s24, $0x4  }
0x34: {  	s22 =	sor.u32 s20, s21  }
0x35: {  	s23 =	sshll.u32 s22, $0x7  }
0x36: {  	v19 =	vld [tilespmem:s23+$0x800]  }
0x37: {  	v20 =	vld [tilespmem:s23+$0x4800]  }
0x38: {  	v21 =	vld [tilespmem:s23+$0x810]  }
0x39: {  	v22 =	vld [tilespmem:s23+$0x4810]  }
0x3a: {  	v23 =	vld [tilespmem:s23+$0x820]  }
0x3b: {  	v24 =	vld [tilespmem:s23+$0x4820]  }
0x3c: {  	v25 =	vld [tilespmem:s23+$0x830]  }
0x3d: {  	v26 =	vld [tilespmem:s23+$0x4830]  }
0x3e: {  	v27 =	vld [tilespmem:s23+$0x840]  }
0x3f: {  	v28 =	vld [tilespmem:s23+$0x4840]  }
0x40: {  	v29 =	vld [tilespmem:s23+$0x850]  }
0x41: {  	v30 =	vld [tilespmem:s23+$0x4850]  }
0x42: {  	v31 =	vld [tilespmem:s23+$0x860]  }
0x43: {  	v32 =	vld [tilespmem:s23+$0x4860]  }
0x44: {  	v33 =	vld [tilespmem:s23+$0x870]  }
0x45: {  	v34 =	vld [tilespmem:s23+$0x4870];
	_ =	sdelay $0x1  }
0x46: {  	v19 =	vmul.f32 v20, v19;
	v20 =	vmul.f32 v22, v21  }
0x47: {  	v52 =	vmul.f32 v24, v23;
	v53 =	vmul.f32 v26, v25  }
0x48: {  	v54 =	vmul.f32 v28, v27;
	v55 =	vmul.f32 v30, v29  }
0x49: {  	v56 =	vmul.f32 v32, v31;
	v57 =	vmul.f32 v34, v33  }
0x4a: {  	v19 =	vadd.f32 v20, v19;
	v20 =	vadd.f32 v53, v52  }
0x4b: {  	v58 =	vadd.f32 v55, v54;
	v59 =	vadd.f32 v57, v56;
	_ =	sdelay $0x1  }
0x4c: {  	v19 =	vadd.f32 v20, v19;
	v20 =	vadd.f32 v59, v58;
	_ =	sdelay $0x1  }
0x4d: {  	v19 =	vadd.f32 v20, v19  }
0x4e: {  	s31 =	sshll.u32 s24, $0x8  }
0x4f: {  	[tilespmem:s31+$0x8800] =	vst v19  }
0x50: {  	v19 =	vld [tilespmem:s23+$0x880]  }
0x51: {  	v20 =	vld [tilespmem:s23+$0x4880]  }
0x52: {  	v60 =	vld [tilespmem:s23+$0x890]  }
0x53: {  	v61 =	vld [tilespmem:s23+$0x4890]  }
0x54: {  	v62 =	vld [tilespmem:s23+$0x8A0]  }
0x55: {  	v63 =	vld [tilespmem:s23+$0x48A0]  }
0x56: {  	v36 =	vld [tilespmem:s23+$0x8B0]  }
0x57: {  	v37 =	vld [tilespmem:s23+$0x48B0]  }
0x58: {  	v38 =	vld [tilespmem:s23+$0x8C0]  }
0x59: {  	v39 =	vld [tilespmem:s23+$0x48C0]  }
0x5a: {  	v40 =	vld [tilespmem:s23+$0x8D0]  }
0x5b: {  	v41 =	vld [tilespmem:s23+$0x48D0]  }
0x5c: {  	v42 =	vld [tilespmem:s23+$0x8E0]  }
0x5d: {  	v43 =	vld [tilespmem:s23+$0x48E0]  }
0x5e: {  	v44 =	vld [tilespmem:s23+$0x8F0]  }
0x5f: {  	v45 =	vld [tilespmem:s23+$0x48F0];
	_ =	sdelay $0x1  }
0x60: {  	v19 =	vmul.f32 v20, v19;
	v20 =	vmul.f32 v61, v60  }
0x61: {  	v46 =	vmul.f32 v63, v62;
	v47 =	vmul.f32 v37, v36  }
0x62: {  	v48 =	vmul.f32 v39, v38;
	v49 =	vmul.f32 v41, v40  }
0x63: {  	v50 =	vmul.f32 v43, v42;
	v51 =	vmul.f32 v45, v44  }
0x64: {  	v19 =	vadd.f32 v20, v19;
	v20 =	vadd.f32 v47, v46  }
0x65: {  	v52 =	vadd.f32 v49, v48;
	v53 =	vadd.f32 v51, v50;
	_ =	sdelay $0x1  }
0x66: {  	v19 =	vadd.f32 v20, v19;
	v20 =	vadd.f32 v53, v52;
	_ =	sdelay $0x1  }
0x67: {  	v19 =	vadd.f32 v20, v19;
	_ =	sdelay $0x1  }
0x68: {  	[tilespmem:s31+$0x8810] =	vst v19  }
0x69: {  	v19 =	vld [tilespmem:s23+$0x900]  }
0x6a: {  	v20 =	vld [tilespmem:s23+$0x4900]  }
0x6b: {  	v54 =	vld [tilespmem:s23+$0x910]  }
0x6c: {  	v55 =	vld [tilespmem:s23+$0x4910]  }
0x6d: {  	v56 =	vld [tilespmem:s23+$0x920]  }
0x6e: {  	v57 =	vld [tilespmem:s23+$0x4920]  }
0x6f: {  	v58 =	vld [tilespmem:s23+$0x930]  }
0x70: {  	v59 =	vld [tilespmem:s23+$0x4930]  }
0x71: {  	v60 =	vld [tilespmem:s23+$0x940]  }
0x72: {  	v61 =	vld [tilespmem:s23+$0x4940]  }
0x73: {  	v62 =	vld [tilespmem:s23+$0x950]  }
0x74: {  	v63 =	vld [tilespmem:s23+$0x4950]  }
0x75: {  	v36 =	vld [tilespmem:s23+$0x960]  }
0x76: {  	v37 =	vld [tilespmem:s23+$0x4960]  }
0x77: {  	v38 =	vld [tilespmem:s23+$0x970]  }
0x78: {  	v39 =	vld [tilespmem:s23+$0x4970];
	_ =	sdelay $0x1  }
0x79: {  	v19 =	vmul.f32 v20, v19;
	v20 =	vmul.f32 v55, v54  }
0x7a: {  	v40 =	vmul.f32 v57, v56;
	v41 =	vmul.f32 v59, v58  }
0x7b: {  	v42 =	vmul.f32 v61, v60;
	v43 =	vmul.f32 v63, v62  }
0x7c: {  	v44 =	vmul.f32 v37, v36;
	v45 =	vmul.f32 v39, v38  }
0x7d: {  	v19 =	vadd.f32 v20, v19;
	v20 =	vadd.f32 v41, v40  }
0x7e: {  	v46 =	vadd.f32 v43, v42;
	v47 =	vadd.f32 v45, v44;
	_ =	sdelay $0x1  }
0x7f: {  	v19 =	vadd.f32 v20, v19;
	v20 =	vadd.f32 v47, v46;
	_ =	sdelay $0x1  }
0x80: {  	v19 =	vadd.f32 v20, v19;
	_ =	sdelay $0x1  }
0x81: {  	[tilespmem:s31+$0x8820] =	vst v19  }
0x82: {  	v19 =	vld [tilespmem:s23+$0x980]  }
0x83: {  	v20 =	vld [tilespmem:s23+$0x4980]  }
0x84: {  	v48 =	vld [tilespmem:s23+$0x990]  }
0x85: {  	v49 =	vld [tilespmem:s23+$0x4990]  }
0x86: {  	v50 =	vld [tilespmem:s23+$0x9A0]  }
0x87: {  	v51 =	vld [tilespmem:s23+$0x49A0]  }
0x88: {  	v52 =	vld [tilespmem:s23+$0x9B0]  }
0x89: {  	v53 =	vld [tilespmem:s23+$0x49B0]  }
0x8a: {  	v54 =	vld [tilespmem:s23+$0x9C0]  }
0x8b: {  	v55 =	vld [tilespmem:s23+$0x49C0]  }
0x8c: {  	v56 =	vld [tilespmem:s23+$0x9D0]  }
0x8d: {  	v57 =	vld [tilespmem:s23+$0x49D0]  }
0x8e: {  	v58 =	vld [tilespmem:s23+$0x9E0]  }
0x8f: {  	v59 =	vld [tilespmem:s23+$0x49E0]  }
0x90: {  	v60 =	vld [tilespmem:s23+$0x9F0]  }
0x91: {  	v61 =	vld [tilespmem:s23+$0x49F0];
	_ =	sdelay $0x1  }
0x92: {  	v19 =	vmul.f32 v20, v19;
	v20 =	vmul.f32 v49, v48  }
0x93: {  	v62 =	vmul.f32 v51, v50;
	v63 =	vmul.f32 v53, v52  }
0x94: {  	v28 =	vmul.f32 v55, v54;
	v30 =	vmul.f32 v57, v56  }
0x95: {  	v35 =	vmul.f32 v59, v58;
	v36 =	vmul.f32 v61, v60  }
0x96: {  	v19 =	vadd.f32 v20, v19;
	v20 =	vadd.f32 v63, v62  }
0x97: {  	v37 =	vadd.f32 v30, v28;
	v38 =	vadd.f32 v36, v35;
	_ =	sdelay $0x1  }
0x98: {  	v19 =	vadd.f32 v20, v19;
	v20 =	vadd.f32 v38, v37;
	_ =	sdelay $0x1  }
0x99: {  	v19 =	vadd.f32 v20, v19;
	_ =	sdelay $0x1  }
0x9a: {  	[tilespmem:s31+$0x8830] =	vst v19  }
0x9b: {  	v19 =	vld [tilespmem:s23+$0xA00]  }
0x9c: {  	v20 =	vld [tilespmem:s23+$0x4A00]  }
0x9d: {  	v39 =	vld [tilespmem:s23+$0xA10]  }
0x9e: {  	v40 =	vld [tilespmem:s23+$0x4A10]  }
0x9f: {  	v41 =	vld [tilespmem:s23+$0xA20]  }
0xa0: {  	v42 =	vld [tilespmem:s23+$0x4A20]  }
0xa1: {  	v43 =	vld [tilespmem:s23+$0xA30]  }
0xa2: {  	v44 =	vld [tilespmem:s23+$0x4A30]  }
0xa3: {  	v45 =	vld [tilespmem:s23+$0xA40]  }
0xa4: {  	v46 =	vld [tilespmem:s23+$0x4A40]  }
0xa5: {  	v47 =	vld [tilespmem:s23+$0xA50]  }
0xa6: {  	v48 =	vld [tilespmem:s23+$0x4A50]  }
0xa7: {  	v49 =	vld [tilespmem:s23+$0xA60]  }
0xa8: {  	v50 =	vld [tilespmem:s23+$0x4A60]  }
0xa9: {  	v51 =	vld [tilespmem:s23+$0xA70]  }
0xaa: {  	v52 =	vld [tilespmem:s23+$0x4A70];
	_ =	sdelay $0x1  }
0xab: {  	v19 =	vmul.f32 v20, v19;
	v20 =	vmul.f32 v40, v39  }
0xac: {  	v53 =	vmul.f32 v42, v41;
	v54 =	vmul.f32 v44, v43  }
0xad: {  	v55 =	vmul.f32 v46, v45;
	v56 =	vmul.f32 v48, v47  }
0xae: {  	v57 =	vmul.f32 v50, v49;
	v58 =	vmul.f32 v52, v51  }
0xaf: {  	v19 =	vadd.f32 v20, v19;
	v20 =	vadd.f32 v54, v53  }
0xb0: {  	v59 =	vadd.f32 v56, v55;
	v60 =	vadd.f32 v58, v57;
	_ =	sdelay $0x1  }
0xb1: {  	v19 =	vadd.f32 v20, v19;
	v20 =	vadd.f32 v60, v59;
	_ =	sdelay $0x1  }
0xb2: {  	v19 =	vadd.f32 v20, v19;
	_ =	sdelay $0x1  }
0xb3: {  	[tilespmem:s31+$0x8840] =	vst v19  }
0xb4: {  	v19 =	vld [tilespmem:s23+$0xA80]  }
0xb5: {  	v20 =	vld [tilespmem:s23+$0x4A80]  }
0xb6: {  	v61 =	vld [tilespmem:s23+$0xA90]  }
0xb7: {  	v62 =	vld [tilespmem:s23+$0x4A90]  }
0xb8: {  	v63 =	vld [tilespmem:s23+$0xAA0]  }
0xb9: {  	v36 =	vld [tilespmem:s23+$0x4AA0]  }
0xba: {  	v37 =	vld [tilespmem:s23+$0xAB0]  }
0xbb: {  	v38 =	vld [tilespmem:s23+$0x4AB0]  }
0xbc: {  	v39 =	vld [tilespmem:s23+$0xAC0]  }
0xbd: {  	v40 =	vld [tilespmem:s23+$0x4AC0]  }
0xbe: {  	v41 =	vld [tilespmem:s23+$0xAD0]  }
0xbf: {  	v42 =	vld [tilespmem:s23+$0x4AD0]  }
0xc0: {  	v43 =	vld [tilespmem:s23+$0xAE0]  }
0xc1: {  	v44 =	vld [tilespmem:s23+$0x4AE0]  }
0xc2: {  	v45 =	vld [tilespmem:s23+$0xAF0]  }
0xc3: {  	v46 =	vld [tilespmem:s23+$0x4AF0];
	_ =	sdelay $0x1  }
0xc4: {  	v19 =	vmul.f32 v20, v19;
	v20 =	vmul.f32 v62, v61  }
0xc5: {  	v47 =	vmul.f32 v36, v63;
	v48 =	vmul.f32 v38, v37  }
0xc6: {  	v49 =	vmul.f32 v40, v39;
	v50 =	vmul.f32 v42, v41  }
0xc7: {  	v51 =	vmul.f32 v44, v43;
	v52 =	vmul.f32 v46, v45  }
0xc8: {  	v19 =	vadd.f32 v20, v19;
	v20 =	vadd.f32 v48, v47  }
0xc9: {  	v53 =	vadd.f32 v50, v49;
	v54 =	vadd.f32 v52, v51;
	_ =	sdelay $0x1  }
0xca: {  	v19 =	vadd.f32 v20, v19;
	v20 =	vadd.f32 v54, v53;
	_ =	sdelay $0x1  }
0xcb: {  	v19 =	vadd.f32 v20, v19;
	_ =	sdelay $0x1  }
0xcc: {  	[tilespmem:s31+$0x8850] =	vst v19  }
0xcd: {  	v19 =	vld [tilespmem:s23+$0xB00]  }
0xce: {  	v20 =	vld [tilespmem:s23+$0x4B00]  }
0xcf: {  	v55 =	vld [tilespmem:s23+$0xB10]  }
0xd0: {  	v56 =	vld [tilespmem:s23+$0x4B10]  }
0xd1: {  	v57 =	vld [tilespmem:s23+$0xB20]  }
0xd2: {  	v58 =	vld [tilespmem:s23+$0x4B20]  }
0xd3: {  	v59 =	vld [tilespmem:s23+$0xB30]  }
0xd4: {  	v60 =	vld [tilespmem:s23+$0x4B30]  }
0xd5: {  	v61 =	vld [tilespmem:s23+$0xB40]  }
0xd6: {  	v62 =	vld [tilespmem:s23+$0x4B40]  }
0xd7: {  	v63 =	vld [tilespmem:s23+$0xB50]  }
0xd8: {  	v36 =	vld [tilespmem:s23+$0x4B50]  }
0xd9: {  	v37 =	vld [tilespmem:s23+$0xB60]  }
0xda: {  	v38 =	vld [tilespmem:s23+$0x4B60]  }
0xdb: {  	v39 =	vld [tilespmem:s23+$0xB70]  }
0xdc: {  	v40 =	vld [tilespmem:s23+$0x4B70];
	_ =	sdelay $0x1  }
0xdd: {  	v19 =	vmul.f32 v20, v19;
	v20 =	vmul.f32 v56, v55  }
0xde: {  	v41 =	vmul.f32 v58, v57;
	v42 =	vmul.f32 v60, v59  }
0xdf: {  	v43 =	vmul.f32 v62, v61;
	v44 =	vmul.f32 v36, v63  }
0xe0: {  	v45 =	vmul.f32 v38, v37;
	v46 =	vmul.f32 v40, v39  }
0xe1: {  	v19 =	vadd.f32 v20, v19;
	v20 =	vadd.f32 v42, v41  }
0xe2: {  	s25 =	sor.u32 $0x1, s24;
	v47 =	vadd.f32 v44, v43;
	v48 =	vadd.f32 v46, v45  }
0xe3: {  	s24 =	sshll.u32 s25, $0x4  }
0xe4: {  	s26 =	sor.u32 s20, s24;
	v19 =	vadd.f32 v20, v19;
	v20 =	vadd.f32 v48, v47  }
0xe5: {  	s26 =	sshll.u32 s26, $0x7  }
0xe6: {  	v42 =	vld [tilespmem:s26+$0x800];
	v19 =	vadd.f32 v20, v19  }
0xe7: {  	v43 =	vld [tilespmem:s26+$0x4800]  }
0xe8: {  	v44 =	vld [tilespmem:s26+$0x810];
	[tilespmem:s31+$0x8860] =	vst v19  }
0xe9: {  	v19 =	vld [tilespmem:s23+$0xB80]  }
0xea: {  	v20 =	vld [tilespmem:s23+$0x4B80]  }
0xeb: {  	v49 =	vld [tilespmem:s23+$0xB90]  }
0xec: {  	v50 =	vld [tilespmem:s23+$0x4B90]  }
0xed: {  	v51 =	vld [tilespmem:s23+$0xBA0]  }
0xee: {  	v52 =	vld [tilespmem:s23+$0x4BA0]  }
0xef: {  	v53 =	vld [tilespmem:s23+$0xBB0]  }
0xf0: {  	v54 =	vld [tilespmem:s23+$0x4BB0]  }
0xf1: {  	v55 =	vld [tilespmem:s23+$0xBC0]  }
0xf2: {  	v56 =	vld [tilespmem:s23+$0x4BC0]  }
0xf3: {  	v57 =	vld [tilespmem:s23+$0xBD0]  }
0xf4: {  	v58 =	vld [tilespmem:s23+$0x4BD0]  }
0xf5: {  	v59 =	vld [tilespmem:s23+$0xBE0]  }
0xf6: {  	v60 =	vld [tilespmem:s23+$0x4BE0]  }
0xf7: {  	v61 =	vld [tilespmem:s23+$0xBF0]  }
0xf8: {  	v62 =	vld [tilespmem:s23+$0x4BF0]  }
0xf9: {  	v45 =	vld [tilespmem:s26+$0x4810]  }
0xfa: {  	v46 =	vld [tilespmem:s26+$0x820];
	v19 =	vmul.f32 v20, v19;
	v20 =	vmul.f32 v50, v49  }
0xfb: {  	v47 =	vld [tilespmem:s26+$0x4820];
	v63 =	vmul.f32 v52, v51;
	v35 =	vmul.f32 v54, v53  }
0xfc: {  	v48 =	vld [tilespmem:s26+$0x830];
	v36 =	vmul.f32 v56, v55;
	v37 =	vmul.f32 v58, v57  }
0xfd: {  	v38 =	vmul.f32 v60, v59;
	v39 =	vmul.f32 v62, v61;
	v49 =	vld [tilespmem:s26+$0x4830]  }
0xfe: {  	v50 =	vld [tilespmem:s26+$0x840];
	v19 =	vadd.f32 v20, v19;
	v20 =	vadd.f32 v35, v63  }
0xff: {  	v51 =	vld [tilespmem:s26+$0x4840];
	v40 =	vadd.f32 v37, v36;
	v41 =	vadd.f32 v39, v38  }
0x100: {  	v52 =	vld [tilespmem:s26+$0x850]  }
0x101: {  	v53 =	vld [tilespmem:s26+$0x4850];
	v19 =	vadd.f32 v20, v19;
	v20 =	vadd.f32 v41, v40  }
0x102: {  	v54 =	vld [tilespmem:s26+$0x860]  }
0x103: {  	v35 =	vld [tilespmem:s26+$0x4860];
	v19 =	vadd.f32 v20, v19  }
0x104: {  	v36 =	vld [tilespmem:s26+$0x870]  }
0x105: {  	v37 =	vld [tilespmem:s26+$0x4870];
	[tilespmem:s31+$0x8870] =	vst v19  }
0x106: {  	v19 =	vld [tilespmem:s23+$0xC00]  }
0x107: {  	v20 =	vld [tilespmem:s23+$0x4C00]  }
0x108: {  	v21 =	vld [tilespmem:s23+$0xC10]  }
0x109: {  	v38 =	vld [tilespmem:s23+$0x4C10]  }
0x10a: {  	v22 =	vmul.f32 v43, v42;
	v55 =	vmul.f32 v45, v44;
	v39 =	vld [tilespmem:s23+$0xC20]  }
0x10b: {  	v56 =	vmul.f32 v47, v46;
	v57 =	vmul.f32 v49, v48;
	v24 =	vld [tilespmem:s23+$0x4C20]  }
0x10c: {  	v58 =	vmul.f32 v51, v50;
	v59 =	vmul.f32 v53, v52;
	v27 =	vld [tilespmem:s23+$0xC30]  }
0x10d: {  	v60 =	vmul.f32 v35, v54;
	v61 =	vmul.f32 v37, v36;
	v30 =	vld [tilespmem:s23+$0x4C30]  }
0x10e: {  	v22 =	vadd.f32 v55, v22;
	v62 =	vadd.f32 v57, v56;
	v33 =	vld [tilespmem:s23+$0xC40]  }
0x10f: {  	v48 =	vadd.f32 v59, v58;
	v63 =	vld [tilespmem:s23+$0x4C40];
	v49 =	vadd.f32 v61, v60  }
0x110: {  	v50 =	vld [tilespmem:s23+$0xC50]  }
0x111: {  	v51 =	vld [tilespmem:s23+$0x4C50];
	v22 =	vadd.f32 v62, v22;
	v52 =	vadd.f32 v49, v48  }
0x112: {  	v53 =	vld [tilespmem:s23+$0xC60]  }
0x113: {  	v54 =	vld [tilespmem:s23+$0x4C60];
	v22 =	vadd.f32 v52, v22  }
0x114: {  	s25 =	sshll.u32 s25, $0x8;
	v55 =	vld [tilespmem:s23+$0xC70]  }
0x115: {  	v56 =	vld [tilespmem:s23+$0x4C70];
	[tilespmem:s25+$0x8800] =	vst v22  }
0x116: {  	v22 =	vld [tilespmem:s26+$0x880]  }
0x117: {  	v57 =	vld [tilespmem:s26+$0x4880]  }
0x118: {  	v58 =	vld [tilespmem:s26+$0x890]  }
0x119: {  	v59 =	vld [tilespmem:s26+$0x4890]  }
0x11a: {  	v60 =	vld [tilespmem:s26+$0x8A0]  }
0x11b: {  	v40 =	vld [tilespmem:s26+$0x48A0]  }
0x11c: {  	v41 =	vld [tilespmem:s26+$0x8B0]  }
0x11d: {  	v42 =	vld [tilespmem:s26+$0x48B0]  }
0x11e: {  	v43 =	vld [tilespmem:s26+$0x8C0]  }
0x11f: {  	v44 =	vld [tilespmem:s26+$0x48C0]  }
0x120: {  	v45 =	vld [tilespmem:s26+$0x8D0]  }
0x121: {  	v46 =	vld [tilespmem:s26+$0x48D0]  }
0x122: {  	v19 =	vmul.f32 v20, v19;
	v20 =	vld [tilespmem:s26+$0x8E0]  }
0x123: {  	v21 =	vmul.f32 v38, v21;
	v24 =	vmul.f32 v24, v39;
	v61 =	vld [tilespmem:s26+$0x48E0]  }
0x124: {  	v27 =	vmul.f32 v30, v27;
	v25 =	vmul.f32 v63, v33;
	v62 =	vld [tilespmem:s26+$0x8F0]  }
0x125: {  	v29 =	vmul.f32 v51, v50;
	v26 =	vmul.f32 v54, v53;
	v63 =	vld [tilespmem:s26+$0x48F0]  }
0x126: {  	v23 =	vmul.f32 v56, v55;
	v19 =	vadd.f32 v21, v19;
	v32 =	vadd.f32 v27, v24  }
0x127: {  	v33 =	vadd.f32 v29, v25;
	v22 =	vmul.f32 v57, v22;
	v39 =	vmul.f32 v59, v58  }
0x128: {  	v23 =	vadd.f32 v23, v26;
	v40 =	vmul.f32 v40, v60;
	v42 =	vmul.f32 v42, v41  }
0x129: {  	v19 =	vadd.f32 v32, v19;
	v43 =	vmul.f32 v44, v43;
	v44 =	vmul.f32 v46, v45  }
0x12a: {  	v23 =	vadd.f32 v23, v33;
	v20 =	vmul.f32 v61, v20;
	v45 =	vmul.f32 v63, v62  }
0x12b: {  	v22 =	vadd.f32 v39, v22;
	v46 =	vadd.f32 v42, v40  }
0x12c: {  	v21 =	vadd.f32 v44, v43;
	v20 =	vadd.f32 v45, v20  }
0x12d: {  	v19 =	vadd.f32 v23, v19  }
0x12e: {  	v22 =	vadd.f32 v46, v22;
	v20 =	vadd.f32 v20, v21  }
0x12f: {  	[tilespmem:s31+$0x8880] =	vst v19  }
0x130: {  	v19 =	vld [tilespmem:s23+$0xC80];
	v20 =	vadd.f32 v20, v22  }
0x131: {  	v38 =	vld [tilespmem:s23+$0x4C90]  }
0x132: {  	v39 =	vld [tilespmem:s23+$0xCA0];
	[tilespmem:s25+$0x8810] =	vst v20  }
0x133: {  	v20 =	vld [tilespmem:s26+$0x900]  }
0x134: {  	v47 =	vld [tilespmem:s26+$0x4900]  }
0x135: {  	v48 =	vld [tilespmem:s26+$0x910]  }
0x136: {  	v49 =	vld [tilespmem:s26+$0x4910]  }
0x137: {  	v50 =	vld [tilespmem:s26+$0x920]  }
0x138: {  	v51 =	vld [tilespmem:s26+$0x4920]  }
0x139: {  	v52 =	vld [tilespmem:s26+$0x930]  }
0x13a: {  	v53 =	vld [tilespmem:s26+$0x4930]  }
0x13b: {  	v54 =	vld [tilespmem:s26+$0x940]  }
0x13c: {  	v55 =	vld [tilespmem:s26+$0x4940]  }
0x13d: {  	v56 =	vld [tilespmem:s26+$0x950]  }
0x13e: {  	v57 =	vld [tilespmem:s26+$0x4950]  }
0x13f: {  	v58 =	vld [tilespmem:s26+$0x960]  }
0x140: {  	v59 =	vld [tilespmem:s26+$0x4960]  }
0x141: {  	v60 =	vld [tilespmem:s26+$0x970]  }
0x142: {  	v61 =	vld [tilespmem:s26+$0x4970]  }
0x143: {  	v24 =	vld [tilespmem:s23+$0x4CA0]  }
0x144: {  	v27 =	vld [tilespmem:s23+$0xCB0];
	v20 =	vmul.f32 v47, v20;
	v62 =	vmul.f32 v49, v48  }
0x145: {  	v30 =	vld [tilespmem:s23+$0x4CB0];
	v63 =	vmul.f32 v51, v50;
	v40 =	vmul.f32 v53, v52  }
0x146: {  	v33 =	vld [tilespmem:s23+$0xCC0];
	v41 =	vmul.f32 v55, v54;
	v42 =	vmul.f32 v57, v56  }
0x147: {  	v25 =	vld [tilespmem:s23+$0x4CC0];
	v43 =	vmul.f32 v59, v58;
	v44 =	vmul.f32 v61, v60  }
0x148: {  	v29 =	vld [tilespmem:s23+$0xCD0];
	v20 =	vadd.f32 v62, v20;
	v45 =	vadd.f32 v40, v63  }
0x149: {  	v31 =	vld [tilespmem:s23+$0x4CD0];
	v46 =	vadd.f32 v42, v41;
	v47 =	vadd.f32 v44, v43  }
0x14a: {  	v26 =	vld [tilespmem:s23+$0xCE0]  }
0x14b: {  	v21 =	vld [tilespmem:s23+$0x4C80];
	v20 =	vadd.f32 v45, v20;
	v48 =	vadd.f32 v47, v46  }
0x14c: {  	v22 =	vld [tilespmem:s23+$0xC90]  }
0x14d: {  	v49 =	vld [tilespmem:s23+$0x4CE0];
	v20 =	vadd.f32 v48, v20  }
0x14e: {  	v50 =	vld [tilespmem:s23+$0xCF0]  }
0x14f: {  	v51 =	vld [tilespmem:s23+$0x4CF0];
	[tilespmem:s25+$0x8820] =	vst v20  }
0x150: {  	v20 =	vld [tilespmem:s26+$0x980]  }
0x151: {  	v52 =	vld [tilespmem:s26+$0x4980]  }
0x152: {  	v53 =	vld [tilespmem:s26+$0x990]  }
0x153: {  	v54 =	vld [tilespmem:s26+$0x4990]  }
0x154: {  	v55 =	vld [tilespmem:s26+$0x9A0]  }
0x155: {  	v56 =	vld [tilespmem:s26+$0x49A0]  }
0x156: {  	v57 =	vld [tilespmem:s26+$0x9B0]  }
0x157: {  	v58 =	vld [tilespmem:s26+$0x49B0]  }
0x158: {  	v59 =	vld [tilespmem:s26+$0x9C0]  }
0x159: {  	v60 =	vld [tilespmem:s26+$0x49C0]  }
0x15a: {  	v61 =	vld [tilespmem:s26+$0x9D0]  }
0x15b: {  	v62 =	vld [tilespmem:s26+$0x49D0]  }
0x15c: {  	v24 =	vmul.f32 v24, v39;
	v63 =	vld [tilespmem:s26+$0x9E0]  }
0x15d: {  	v27 =	vmul.f32 v30, v27;
	v25 =	vmul.f32 v25, v33;
	v47 =	vld [tilespmem:s26+$0x49E0]  }
0x15e: {  	v19 =	vmul.f32 v21, v19;
	v22 =	vmul.f32 v38, v22;
	v48 =	vld [tilespmem:s26+$0x9F0]  }
0x15f: {  	v29 =	vmul.f32 v31, v29;
	v26 =	vmul.f32 v49, v26;
	v49 =	vld [tilespmem:s26+$0x49F0]  }
0x160: {  	v19 =	vadd.f32 v22, v19;
	v23 =	vmul.f32 v51, v50;
	v50 =	vadd.f32 v27, v24  }
0x161: {  	v51 =	vadd.f32 v29, v25;
	v20 =	vmul.f32 v52, v20;
	v52 =	vmul.f32 v54, v53  }
0x162: {  	v23 =	vadd.f32 v23, v26;
	v53 =	vmul.f32 v56, v55;
	v54 =	vmul.f32 v58, v57  }
0x163: {  	v19 =	vadd.f32 v50, v19;
	v55 =	vmul.f32 v60, v59;
	v56 =	vmul.f32 v62, v61  }
0x164: {  	v23 =	vadd.f32 v23, v51;
	v21 =	vmul.f32 v47, v63;
	v57 =	vmul.f32 v49, v48  }
0x165: {  	v20 =	vadd.f32 v52, v20;
	v58 =	vadd.f32 v54, v53  }
0x166: {  	v22 =	vadd.f32 v56, v55;
	v21 =	vadd.f32 v57, v21  }
0x167: {  	v19 =	vadd.f32 v23, v19  }
0x168: {  	v20 =	vadd.f32 v58, v20;
	v21 =	vadd.f32 v21, v22  }
0x169: {  	[tilespmem:s31+$0x8890] =	vst v19  }
0x16a: {  	v19 =	vld [tilespmem:s23+$0xD00];
	v20 =	vadd.f32 v21, v20  }
0x16b: {  	v38 =	vld [tilespmem:s23+$0x4D10]  }
0x16c: {  	v39 =	vld [tilespmem:s23+$0xD20];
	[tilespmem:s25+$0x8830] =	vst v20  }
0x16d: {  	v20 =	vld [tilespmem:s26+$0xA00]  }
0x16e: {  	v59 =	vld [tilespmem:s26+$0x4A00]  }
0x16f: {  	v60 =	vld [tilespmem:s26+$0xA10]  }
0x170: {  	v61 =	vld [tilespmem:s26+$0x4A10]  }
0x171: {  	v62 =	vld [tilespmem:s26+$0xA20]  }
0x172: {  	v63 =	vld [tilespmem:s26+$0x4A20]  }
0x173: {  	v42 =	vld [tilespmem:s26+$0xA30]  }
0x174: {  	v43 =	vld [tilespmem:s26+$0x4A30]  }
0x175: {  	v44 =	vld [tilespmem:s26+$0xA40]  }
0x176: {  	v45 =	vld [tilespmem:s26+$0x4A40]  }
0x177: {  	v46 =	vld [tilespmem:s26+$0xA50]  }
0x178: {  	v47 =	vld [tilespmem:s26+$0x4A50]  }
0x179: {  	v48 =	vld [tilespmem:s26+$0xA60]  }
0x17a: {  	v49 =	vld [tilespmem:s26+$0x4A60]  }
0x17b: {  	v50 =	vld [tilespmem:s26+$0xA70]  }
0x17c: {  	v51 =	vld [tilespmem:s26+$0x4A70]  }
0x17d: {  	v24 =	vld [tilespmem:s23+$0x4D20]  }
0x17e: {  	v27 =	vld [tilespmem:s23+$0xD30];
	v20 =	vmul.f32 v59, v20;
	v52 =	vmul.f32 v61, v60  }
0x17f: {  	v30 =	vld [tilespmem:s23+$0x4D30];
	v53 =	vmul.f32 v63, v62;
	v54 =	vmul.f32 v43, v42  }
0x180: {  	v33 =	vld [tilespmem:s23+$0xD40];
	v55 =	vmul.f32 v45, v44;
	v56 =	vmul.f32 v47, v46  }
0x181: {  	v25 =	vld [tilespmem:s23+$0x4D40];
	v57 =	vmul.f32 v49, v48;
	v58 =	vmul.f32 v51, v50  }
0x182: {  	v29 =	vld [tilespmem:s23+$0xD50];
	v20 =	vadd.f32 v52, v20;
	v59 =	vadd.f32 v54, v53  }
0x183: {  	v31 =	vld [tilespmem:s23+$0x4D50];
	v60 =	vadd.f32 v56, v55;
	v61 =	vadd.f32 v58, v57  }
0x184: {  	v26 =	vld [tilespmem:s23+$0xD60]  }
0x185: {  	v23 =	vld [tilespmem:s23+$0xD70];
	v20 =	vadd.f32 v59, v20;
	v62 =	vadd.f32 v61, v60  }
0x186: {  	v22 =	vld [tilespmem:s23+$0xD10]  }
0x187: {  	v21 =	vld [tilespmem:s23+$0x4D00];
	v20 =	vadd.f32 v62, v20  }
0x188: {  	v63 =	vld [tilespmem:s23+$0x4D60]  }
0x189: {  	v48 =	vld [tilespmem:s23+$0x4D70];
	[tilespmem:s25+$0x8840] =	vst v20  }
0x18a: {  	v20 =	vld [tilespmem:s26+$0xA80]  }
0x18b: {  	v49 =	vld [tilespmem:s26+$0x4A80]  }
0x18c: {  	v50 =	vld [tilespmem:s26+$0xA90]  }
0x18d: {  	v51 =	vld [tilespmem:s26+$0x4A90]  }
0x18e: {  	v52 =	vld [tilespmem:s26+$0xAA0]  }
0x18f: {  	v53 =	vld [tilespmem:s26+$0x4AA0]  }
0x190: {  	v54 =	vld [tilespmem:s26+$0xAB0]  }
0x191: {  	v55 =	vld [tilespmem:s26+$0x4AB0]  }
0x192: {  	v56 =	vld [tilespmem:s26+$0xAC0]  }
0x193: {  	v57 =	vld [tilespmem:s26+$0x4AC0]  }
0x194: {  	v58 =	vld [tilespmem:s26+$0xAD0]  }
0x195: {  	v59 =	vld [tilespmem:s26+$0x4AD0]  }
0x196: {  	v24 =	vmul.f32 v24, v39;
	v60 =	vld [tilespmem:s26+$0xAE0]  }
0x197: {  	v27 =	vmul.f32 v30, v27;
	v25 =	vmul.f32 v25, v33;
	v61 =	vld [tilespmem:s26+$0x4AE0]  }
0x198: {  	v29 =	vmul.f32 v31, v29;
	v22 =	vmul.f32 v38, v22;
	v62 =	vld [tilespmem:s26+$0xAF0]  }
0x199: {  	v19 =	vmul.f32 v21, v19;
	v26 =	vmul.f32 v63, v26;
	v63 =	vld [tilespmem:s26+$0x4AF0]  }
0x19a: {  	v32 =	vadd.f32 v27, v24;
	v33 =	vadd.f32 v29, v25;
	v23 =	vmul.f32 v48, v23  }
0x19b: {  	v19 =	vadd.f32 v22, v19;
	v20 =	vmul.f32 v49, v20;
	v39 =	vmul.f32 v51, v50  }
0x19c: {  	v23 =	vadd.f32 v23, v26;
	v40 =	vmul.f32 v53, v52;
	v42 =	vmul.f32 v55, v54  }
0x19d: {  	v19 =	vadd.f32 v32, v19;
	v43 =	vmul.f32 v57, v56;
	v44 =	vmul.f32 v59, v58  }
0x19e: {  	v23 =	vadd.f32 v23, v33;
	v21 =	vmul.f32 v61, v60;
	v45 =	vmul.f32 v63, v62  }
0x19f: {  	v20 =	vadd.f32 v39, v20;
	v46 =	vadd.f32 v42, v40  }
0x1a0: {  	v22 =	vadd.f32 v44, v43;
	v21 =	vadd.f32 v45, v21  }
0x1a1: {  	v19 =	vadd.f32 v23, v19  }
0x1a2: {  	v20 =	vadd.f32 v46, v20;
	v21 =	vadd.f32 v21, v22  }
0x1a3: {  	[tilespmem:s31+$0x88A0] =	vst v19  }
0x1a4: {  	v19 =	vld [tilespmem:s23+$0xD80];
	v20 =	vadd.f32 v21, v20  }
0x1a5: {  	v38 =	vld [tilespmem:s23+$0x4D90]  }
0x1a6: {  	v24 =	vld [tilespmem:s23+$0x4DA0];
	[tilespmem:s25+$0x8850] =	vst v20  }
0x1a7: {  	v20 =	vld [tilespmem:s26+$0xB00]  }
0x1a8: {  	v47 =	vld [tilespmem:s26+$0x4B00]  }
0x1a9: {  	v48 =	vld [tilespmem:s26+$0xB10]  }
0x1aa: {  	v49 =	vld [tilespmem:s26+$0x4B10]  }
0x1ab: {  	v50 =	vld [tilespmem:s26+$0xB20]  }
0x1ac: {  	v51 =	vld [tilespmem:s26+$0x4B20]  }
0x1ad: {  	v52 =	vld [tilespmem:s26+$0xB30]  }
0x1ae: {  	v53 =	vld [tilespmem:s26+$0x4B30]  }
0x1af: {  	v54 =	vld [tilespmem:s26+$0xB40]  }
0x1b0: {  	v55 =	vld [tilespmem:s26+$0x4B40]  }
0x1b1: {  	v56 =	vld [tilespmem:s26+$0xB50]  }
0x1b2: {  	v57 =	vld [tilespmem:s26+$0x4B50]  }
0x1b3: {  	v58 =	vld [tilespmem:s26+$0xB60]  }
0x1b4: {  	v59 =	vld [tilespmem:s26+$0x4B60]  }
0x1b5: {  	v60 =	vld [tilespmem:s26+$0xB70]  }
0x1b6: {  	v61 =	vld [tilespmem:s26+$0x4B70]  }
0x1b7: {  	v27 =	vld [tilespmem:s23+$0xDB0]  }
0x1b8: {  	v30 =	vld [tilespmem:s23+$0x4DB0];
	v20 =	vmul.f32 v47, v20;
	v62 =	vmul.f32 v49, v48  }
0x1b9: {  	v33 =	vld [tilespmem:s23+$0xDC0];
	v63 =	vmul.f32 v51, v50;
	v40 =	vmul.f32 v53, v52  }
0x1ba: {  	v25 =	vld [tilespmem:s23+$0x4DC0];
	v41 =	vmul.f32 v55, v54;
	v42 =	vmul.f32 v57, v56  }
0x1bb: {  	v29 =	vld [tilespmem:s23+$0xDD0];
	v43 =	vmul.f32 v59, v58;
	v44 =	vmul.f32 v61, v60  }
0x1bc: {  	v31 =	vld [tilespmem:s23+$0x4DD0];
	v20 =	vadd.f32 v62, v20;
	v45 =	vadd.f32 v40, v63  }
0x1bd: {  	v26 =	vld [tilespmem:s23+$0xDE0];
	v46 =	vadd.f32 v42, v41;
	v47 =	vadd.f32 v44, v43  }
0x1be: {  	v39 =	vld [tilespmem:s23+$0xDA0]  }
0x1bf: {  	v22 =	vld [tilespmem:s23+$0xD90];
	v20 =	vadd.f32 v45, v20;
	v48 =	vadd.f32 v47, v46  }
0x1c0: {  	v21 =	vld [tilespmem:s23+$0x4D80]  }
0x1c1: {  	v49 =	vld [tilespmem:s23+$0x4DE0];
	v20 =	vadd.f32 v48, v20  }
0x1c2: {  	v50 =	vld [tilespmem:s23+$0xDF0]  }
0x1c3: {  	v51 =	vld [tilespmem:s23+$0x4DF0];
	[tilespmem:s25+$0x8860] =	vst v20  }
0x1c4: {  	v20 =	vld [tilespmem:s26+$0xB80]  }
0x1c5: {  	v52 =	vld [tilespmem:s26+$0x4B80]  }
0x1c6: {  	v53 =	vld [tilespmem:s26+$0xB90]  }
0x1c7: {  	v54 =	vld [tilespmem:s26+$0x4B90]  }
0x1c8: {  	v55 =	vld [tilespmem:s26+$0xBA0]  }
0x1c9: {  	v56 =	vld [tilespmem:s26+$0x4BA0]  }
0x1ca: {  	v57 =	vld [tilespmem:s26+$0xBB0]  }
0x1cb: {  	v58 =	vld [tilespmem:s26+$0x4BB0]  }
0x1cc: {  	v59 =	vld [tilespmem:s26+$0xBC0]  }
0x1cd: {  	v60 =	vld [tilespmem:s26+$0x4BC0]  }
0x1ce: {  	v61 =	vld [tilespmem:s26+$0xBD0]  }
0x1cf: {  	v62 =	vld [tilespmem:s26+$0x4BD0]  }
0x1d0: {  	v27 =	vmul.f32 v30, v27;
	v63 =	vld [tilespmem:s26+$0xBE0]  }
0x1d1: {  	v25 =	vmul.f32 v25, v33;
	v24 =	vmul.f32 v24, v39;
	v47 =	vld [tilespmem:s26+$0x4BE0]  }
0x1d2: {  	v22 =	vmul.f32 v38, v22;
	v19 =	vmul.f32 v21, v19;
	v48 =	vld [tilespmem:s26+$0xBF0]  }
0x1d3: {  	v29 =	vmul.f32 v31, v29;
	v26 =	vmul.f32 v49, v26;
	v49 =	vld [tilespmem:s26+$0x4BF0]  }
0x1d4: {  	v19 =	vadd.f32 v22, v19;
	v23 =	vmul.f32 v51, v50;
	v50 =	vadd.f32 v27, v24  }
0x1d5: {  	v51 =	vadd.f32 v29, v25;
	v20 =	vmul.f32 v52, v20;
	v52 =	vmul.f32 v54, v53  }
0x1d6: {  	v23 =	vadd.f32 v23, v26;
	v53 =	vmul.f32 v56, v55;
	v54 =	vmul.f32 v58, v57  }
0x1d7: {  	v19 =	vadd.f32 v50, v19;
	v55 =	vmul.f32 v60, v59;
	v56 =	vmul.f32 v62, v61  }
0x1d8: {  	v23 =	vadd.f32 v23, v51;
	v21 =	vmul.f32 v47, v63;
	v57 =	vmul.f32 v49, v48  }
0x1d9: {  	v20 =	vadd.f32 v52, v20;
	v58 =	vadd.f32 v54, v53  }
0x1da: {  	v22 =	vadd.f32 v56, v55;
	v21 =	vadd.f32 v57, v21  }
0x1db: {  	v19 =	vadd.f32 v23, v19  }
0x1dc: {  	v20 =	vadd.f32 v58, v20;
	v21 =	vadd.f32 v21, v22  }
0x1dd: {  	[tilespmem:s31+$0x88B0] =	vst v19  }
0x1de: {  	v19 =	vld [tilespmem:s23+$0xE00];
	v20 =	vadd.f32 v21, v20  }
0x1df: {  	v38 =	vld [tilespmem:s23+$0x4E10]  }
0x1e0: {  	v39 =	vld [tilespmem:s23+$0xE20];
	[tilespmem:s25+$0x8870] =	vst v20  }
0x1e1: {  	v20 =	vld [tilespmem:s26+$0xC00]  }
0x1e2: {  	v59 =	vld [tilespmem:s26+$0x4C00]  }
0x1e3: {  	v60 =	vld [tilespmem:s26+$0xC10]  }
0x1e4: {  	v61 =	vld [tilespmem:s26+$0x4C10]  }
0x1e5: {  	v62 =	vld [tilespmem:s26+$0xC20]  }
0x1e6: {  	v63 =	vld [tilespmem:s26+$0x4C20]  }
0x1e7: {  	v42 =	vld [tilespmem:s26+$0xC30]  }
0x1e8: {  	v43 =	vld [tilespmem:s26+$0x4C30]  }
0x1e9: {  	v44 =	vld [tilespmem:s26+$0xC40]  }
0x1ea: {  	v45 =	vld [tilespmem:s26+$0x4C40]  }
0x1eb: {  	v46 =	vld [tilespmem:s26+$0xC50]  }
0x1ec: {  	v47 =	vld [tilespmem:s26+$0x4C50]  }
0x1ed: {  	v48 =	vld [tilespmem:s26+$0xC60]  }
0x1ee: {  	v49 =	vld [tilespmem:s26+$0x4C60]  }
0x1ef: {  	v50 =	vld [tilespmem:s26+$0xC70]  }
0x1f0: {  	v51 =	vld [tilespmem:s26+$0x4C70]  }
0x1f1: {  	v24 =	vld [tilespmem:s23+$0x4E20]  }
0x1f2: {  	v27 =	vld [tilespmem:s23+$0xE30];
	v20 =	vmul.f32 v59, v20;
	v52 =	vmul.f32 v61, v60  }
0x1f3: {  	v30 =	vld [tilespmem:s23+$0x4E30];
	v53 =	vmul.f32 v63, v62;
	v54 =	vmul.f32 v43, v42  }
0x1f4: {  	v33 =	vld [tilespmem:s23+$0xE40];
	v55 =	vmul.f32 v45, v44;
	v56 =	vmul.f32 v47, v46  }
0x1f5: {  	v25 =	vld [tilespmem:s23+$0x4E40];
	v57 =	vmul.f32 v49, v48;
	v58 =	vmul.f32 v51, v50  }
0x1f6: {  	v29 =	vld [tilespmem:s23+$0xE50];
	v20 =	vadd.f32 v52, v20;
	v59 =	vadd.f32 v54, v53  }
0x1f7: {  	v31 =	vld [tilespmem:s23+$0x4E50];
	v60 =	vadd.f32 v56, v55;
	v61 =	vadd.f32 v58, v57  }
0x1f8: {  	v26 =	vld [tilespmem:s23+$0xE60]  }
0x1f9: {  	v23 =	vld [tilespmem:s23+$0xE70];
	v20 =	vadd.f32 v59, v20;
	v62 =	vadd.f32 v61, v60  }
0x1fa: {  	v22 =	vld [tilespmem:s23+$0xE10]  }
0x1fb: {  	v21 =	vld [tilespmem:s23+$0x4E00];
	v20 =	vadd.f32 v62, v20  }
0x1fc: {  	v63 =	vld [tilespmem:s23+$0x4E60]  }
0x1fd: {  	v48 =	vld [tilespmem:s23+$0x4E70];
	[tilespmem:s25+$0x8880] =	vst v20  }
0x1fe: {  	v20 =	vld [tilespmem:s26+$0xC80]  }
0x1ff: {  	v49 =	vld [tilespmem:s26+$0x4C80]  }
0x200: {  	v50 =	vld [tilespmem:s26+$0xC90]  }
0x201: {  	v51 =	vld [tilespmem:s26+$0x4C90]  }
0x202: {  	v52 =	vld [tilespmem:s26+$0xCA0]  }
0x203: {  	v53 =	vld [tilespmem:s26+$0x4CA0]  }
0x204: {  	v54 =	vld [tilespmem:s26+$0xCB0]  }
0x205: {  	v55 =	vld [tilespmem:s26+$0x4CB0]  }
0x206: {  	v56 =	vld [tilespmem:s26+$0xCC0]  }
0x207: {  	v57 =	vld [tilespmem:s26+$0x4CC0]  }
0x208: {  	v58 =	vld [tilespmem:s26+$0xCD0]  }
0x209: {  	v59 =	vld [tilespmem:s26+$0x4CD0]  }
0x20a: {  	v24 =	vmul.f32 v24, v39;
	v60 =	vld [tilespmem:s26+$0xCE0]  }
0x20b: {  	v27 =	vmul.f32 v30, v27;
	v25 =	vmul.f32 v25, v33;
	v61 =	vld [tilespmem:s26+$0x4CE0]  }
0x20c: {  	v29 =	vmul.f32 v31, v29;
	v22 =	vmul.f32 v38, v22;
	v62 =	vld [tilespmem:s26+$0xCF0]  }
0x20d: {  	v19 =	vmul.f32 v21, v19;
	v26 =	vmul.f32 v63, v26;
	v63 =	vld [tilespmem:s26+$0x4CF0]  }
0x20e: {  	v32 =	vadd.f32 v27, v24;
	v33 =	vadd.f32 v29, v25;
	v23 =	vmul.f32 v48, v23  }
0x20f: {  	v19 =	vadd.f32 v22, v19;
	v20 =	vmul.f32 v49, v20;
	v39 =	vmul.f32 v51, v50  }
0x210: {  	v23 =	vadd.f32 v23, v26;
	v40 =	vmul.f32 v53, v52;
	v42 =	vmul.f32 v55, v54  }
0x211: {  	v19 =	vadd.f32 v32, v19;
	v43 =	vmul.f32 v57, v56;
	v44 =	vmul.f32 v59, v58  }
0x212: {  	v23 =	vadd.f32 v23, v33;
	v21 =	vmul.f32 v61, v60;
	v45 =	vmul.f32 v63, v62  }
0x213: {  	v20 =	vadd.f32 v39, v20;
	v46 =	vadd.f32 v42, v40  }
0x214: {  	v22 =	vadd.f32 v44, v43;
	v21 =	vadd.f32 v45, v21  }
0x215: {  	v19 =	vadd.f32 v23, v19  }
0x216: {  	v20 =	vadd.f32 v46, v20;
	v21 =	vadd.f32 v21, v22  }
0x217: {  	[tilespmem:s31+$0x88C0] =	vst v19  }
0x218: {  	v19 =	vld [tilespmem:s23+$0xE80];
	v20 =	vadd.f32 v21, v20  }
0x219: {  	v38 =	vld [tilespmem:s23+$0x4E90]  }
0x21a: {  	v24 =	vld [tilespmem:s23+$0x4EA0];
	[tilespmem:s25+$0x8890] =	vst v20  }
0x21b: {  	v20 =	vld [tilespmem:s26+$0xD00]  }
0x21c: {  	v47 =	vld [tilespmem:s26+$0x4D00]  }
0x21d: {  	v48 =	vld [tilespmem:s26+$0xD10]  }
0x21e: {  	v49 =	vld [tilespmem:s26+$0x4D10]  }
0x21f: {  	v50 =	vld [tilespmem:s26+$0xD20]  }
0x220: {  	v51 =	vld [tilespmem:s26+$0x4D20]  }
0x221: {  	v52 =	vld [tilespmem:s26+$0xD30]  }
0x222: {  	v53 =	vld [tilespmem:s26+$0x4D30]  }
0x223: {  	v54 =	vld [tilespmem:s26+$0xD40]  }
0x224: {  	v55 =	vld [tilespmem:s26+$0x4D40]  }
0x225: {  	v56 =	vld [tilespmem:s26+$0xD50]  }
0x226: {  	v57 =	vld [tilespmem:s26+$0x4D50]  }
0x227: {  	v58 =	vld [tilespmem:s26+$0xD60]  }
0x228: {  	v59 =	vld [tilespmem:s26+$0x4D60]  }
0x229: {  	v60 =	vld [tilespmem:s26+$0xD70]  }
0x22a: {  	v61 =	vld [tilespmem:s26+$0x4D70]  }
0x22b: {  	v27 =	vld [tilespmem:s23+$0xEB0]  }
0x22c: {  	v30 =	vld [tilespmem:s23+$0x4EB0];
	v20 =	vmul.f32 v47, v20;
	v62 =	vmul.f32 v49, v48  }
0x22d: {  	v33 =	vld [tilespmem:s23+$0xEC0];
	v63 =	vmul.f32 v51, v50;
	v40 =	vmul.f32 v53, v52  }
0x22e: {  	v25 =	vld [tilespmem:s23+$0x4EC0];
	v41 =	vmul.f32 v55, v54;
	v42 =	vmul.f32 v57, v56  }
0x22f: {  	v29 =	vld [tilespmem:s23+$0xED0];
	v43 =	vmul.f32 v59, v58;
	v44 =	vmul.f32 v61, v60  }
0x230: {  	v31 =	vld [tilespmem:s23+$0x4ED0];
	v20 =	vadd.f32 v62, v20;
	v45 =	vadd.f32 v40, v63  }
0x231: {  	v26 =	vld [tilespmem:s23+$0xEE0];
	v46 =	vadd.f32 v42, v41;
	v47 =	vadd.f32 v44, v43  }
0x232: {  	v39 =	vld [tilespmem:s23+$0xEA0]  }
0x233: {  	v22 =	vld [tilespmem:s23+$0xE90];
	v20 =	vadd.f32 v45, v20;
	v48 =	vadd.f32 v47, v46  }
0x234: {  	v21 =	vld [tilespmem:s23+$0x4E80]  }
0x235: {  	v49 =	vld [tilespmem:s23+$0x4EE0];
	v20 =	vadd.f32 v48, v20  }
0x236: {  	v50 =	vld [tilespmem:s23+$0xEF0]  }
0x237: {  	v51 =	vld [tilespmem:s23+$0x4EF0];
	[tilespmem:s25+$0x88A0] =	vst v20  }
0x238: {  	v20 =	vld [tilespmem:s26+$0xD80]  }
0x239: {  	v52 =	vld [tilespmem:s26+$0x4D80]  }
0x23a: {  	v53 =	vld [tilespmem:s26+$0xD90]  }
0x23b: {  	v54 =	vld [tilespmem:s26+$0x4D90]  }
0x23c: {  	v55 =	vld [tilespmem:s26+$0xDA0]  }
0x23d: {  	v56 =	vld [tilespmem:s26+$0x4DA0]  }
0x23e: {  	v57 =	vld [tilespmem:s26+$0xDB0]  }
0x23f: {  	v58 =	vld [tilespmem:s26+$0x4DB0]  }
0x240: {  	v59 =	vld [tilespmem:s26+$0xDC0]  }
0x241: {  	v60 =	vld [tilespmem:s26+$0x4DC0]  }
0x242: {  	v61 =	vld [tilespmem:s26+$0xDD0]  }
0x243: {  	v62 =	vld [tilespmem:s26+$0x4DD0]  }
0x244: {  	v27 =	vmul.f32 v30, v27;
	v63 =	vld [tilespmem:s26+$0xDE0]  }
0x245: {  	v25 =	vmul.f32 v25, v33;
	v24 =	vmul.f32 v24, v39;
	v47 =	vld [tilespmem:s26+$0x4DE0]  }
0x246: {  	v22 =	vmul.f32 v38, v22;
	v19 =	vmul.f32 v21, v19;
	v48 =	vld [tilespmem:s26+$0xDF0]  }
0x247: {  	v29 =	vmul.f32 v31, v29;
	v26 =	vmul.f32 v49, v26;
	v49 =	vld [tilespmem:s26+$0x4DF0]  }
0x248: {  	v19 =	vadd.f32 v22, v19;
	v23 =	vmul.f32 v51, v50;
	v50 =	vadd.f32 v27, v24  }
0x249: {  	v51 =	vadd.f32 v29, v25;
	v20 =	vmul.f32 v52, v20;
	v52 =	vmul.f32 v54, v53  }
0x24a: {  	v23 =	vadd.f32 v23, v26;
	v53 =	vmul.f32 v56, v55;
	v54 =	vmul.f32 v58, v57  }
0x24b: {  	v19 =	vadd.f32 v50, v19;
	v55 =	vmul.f32 v60, v59;
	v56 =	vmul.f32 v62, v61  }
0x24c: {  	v23 =	vadd.f32 v23, v51;
	v21 =	vmul.f32 v47, v63;
	v57 =	vmul.f32 v49, v48  }
0x24d: {  	v20 =	vadd.f32 v52, v20;
	v58 =	vadd.f32 v54, v53  }
0x24e: {  	v22 =	vadd.f32 v56, v55;
	v21 =	vadd.f32 v57, v21  }
0x24f: {  	v19 =	vadd.f32 v23, v19  }
0x250: {  	v20 =	vadd.f32 v58, v20;
	v21 =	vadd.f32 v21, v22  }
0x251: {  	[tilespmem:s31+$0x88D0] =	vst v19  }
0x252: {  	v19 =	vld [tilespmem:s23+$0xF00];
	v20 =	vadd.f32 v21, v20  }
0x253: {  	v38 =	vld [tilespmem:s23+$0x4F10]  }
0x254: {  	v39 =	vld [tilespmem:s23+$0xF20];
	[tilespmem:s25+$0x88B0] =	vst v20  }
0x255: {  	v20 =	vld [tilespmem:s26+$0xE00]  }
0x256: {  	v59 =	vld [tilespmem:s26+$0x4E00]  }
0x257: {  	v60 =	vld [tilespmem:s26+$0xE10]  }
0x258: {  	v61 =	vld [tilespmem:s26+$0x4E10]  }
0x259: {  	v62 =	vld [tilespmem:s26+$0xE20]  }
0x25a: {  	v63 =	vld [tilespmem:s26+$0x4E20]  }
0x25b: {  	v42 =	vld [tilespmem:s26+$0xE30]  }
0x25c: {  	v43 =	vld [tilespmem:s26+$0x4E30]  }
0x25d: {  	v44 =	vld [tilespmem:s26+$0xE40]  }
0x25e: {  	v45 =	vld [tilespmem:s26+$0x4E40]  }
0x25f: {  	v46 =	vld [tilespmem:s26+$0xE50]  }
0x260: {  	v47 =	vld [tilespmem:s26+$0x4E50]  }
0x261: {  	v48 =	vld [tilespmem:s26+$0xE60]  }
0x262: {  	v49 =	vld [tilespmem:s26+$0x4E60]  }
0x263: {  	v50 =	vld [tilespmem:s26+$0xE70]  }
0x264: {  	v51 =	vld [tilespmem:s26+$0x4E70]  }
0x265: {  	v24 =	vld [tilespmem:s23+$0x4F20]  }
0x266: {  	v27 =	vld [tilespmem:s23+$0xF30];
	v20 =	vmul.f32 v59, v20;
	v52 =	vmul.f32 v61, v60  }
0x267: {  	v30 =	vld [tilespmem:s23+$0x4F30];
	v53 =	vmul.f32 v63, v62;
	v54 =	vmul.f32 v43, v42  }
0x268: {  	v33 =	vld [tilespmem:s23+$0xF40];
	v55 =	vmul.f32 v45, v44;
	v56 =	vmul.f32 v47, v46  }
0x269: {  	v25 =	vld [tilespmem:s23+$0x4F40];
	v57 =	vmul.f32 v49, v48;
	v58 =	vmul.f32 v51, v50  }
0x26a: {  	v29 =	vld [tilespmem:s23+$0xF50];
	v20 =	vadd.f32 v52, v20;
	v59 =	vadd.f32 v54, v53  }
0x26b: {  	v31 =	vld [tilespmem:s23+$0x4F50];
	v60 =	vadd.f32 v56, v55;
	v61 =	vadd.f32 v58, v57  }
0x26c: {  	v26 =	vld [tilespmem:s23+$0xF60]  }
0x26d: {  	v23 =	vld [tilespmem:s23+$0xF70];
	v20 =	vadd.f32 v59, v20;
	v62 =	vadd.f32 v61, v60  }
0x26e: {  	v22 =	vld [tilespmem:s23+$0xF10]  }
0x26f: {  	v21 =	vld [tilespmem:s23+$0x4F00];
	v20 =	vadd.f32 v62, v20  }
0x270: {  	v63 =	vld [tilespmem:s23+$0x4F60]  }
0x271: {  	v48 =	vld [tilespmem:s23+$0x4F70];
	[tilespmem:s25+$0x88C0] =	vst v20  }
0x272: {  	v20 =	vld [tilespmem:s26+$0xE80]  }
0x273: {  	v49 =	vld [tilespmem:s26+$0x4E80]  }
0x274: {  	v50 =	vld [tilespmem:s26+$0xE90]  }
0x275: {  	v51 =	vld [tilespmem:s26+$0x4E90]  }
0x276: {  	v52 =	vld [tilespmem:s26+$0xEA0]  }
0x277: {  	v53 =	vld [tilespmem:s26+$0x4EA0]  }
0x278: {  	v54 =	vld [tilespmem:s26+$0xEB0]  }
0x279: {  	v55 =	vld [tilespmem:s26+$0x4EB0]  }
0x27a: {  	v56 =	vld [tilespmem:s26+$0xEC0]  }
0x27b: {  	v57 =	vld [tilespmem:s26+$0x4EC0]  }
0x27c: {  	v58 =	vld [tilespmem:s26+$0xED0]  }
0x27d: {  	v59 =	vld [tilespmem:s26+$0x4ED0]  }
0x27e: {  	v24 =	vmul.f32 v24, v39;
	v60 =	vld [tilespmem:s26+$0xEE0]  }
0x27f: {  	v27 =	vmul.f32 v30, v27;
	v25 =	vmul.f32 v25, v33;
	v61 =	vld [tilespmem:s26+$0x4EE0]  }
0x280: {  	v29 =	vmul.f32 v31, v29;
	v22 =	vmul.f32 v38, v22;
	v62 =	vld [tilespmem:s26+$0xEF0]  }
0x281: {  	v19 =	vmul.f32 v21, v19;
	v26 =	vmul.f32 v63, v26;
	v63 =	vld [tilespmem:s26+$0x4EF0]  }
0x282: {  	v32 =	vadd.f32 v27, v24;
	v33 =	vadd.f32 v29, v25;
	v23 =	vmul.f32 v48, v23  }
0x283: {  	v19 =	vadd.f32 v22, v19;
	v20 =	vmul.f32 v49, v20;
	v39 =	vmul.f32 v51, v50  }
0x284: {  	v23 =	vadd.f32 v23, v26;
	v40 =	vmul.f32 v53, v52;
	v42 =	vmul.f32 v55, v54  }
0x285: {  	v19 =	vadd.f32 v32, v19;
	v43 =	vmul.f32 v57, v56;
	v44 =	vmul.f32 v59, v58  }
0x286: {  	v23 =	vadd.f32 v23, v33;
	v21 =	vmul.f32 v61, v60;
	v45 =	vmul.f32 v63, v62  }
0x287: {  	v20 =	vadd.f32 v39, v20;
	v46 =	vadd.f32 v42, v40  }
0x288: {  	v22 =	vadd.f32 v44, v43;
	v21 =	vadd.f32 v45, v21  }
0x289: {  	v19 =	vadd.f32 v23, v19  }
0x28a: {  	v20 =	vadd.f32 v46, v20;
	v21 =	vadd.f32 v21, v22  }
0x28b: {  	[tilespmem:s31+$0x88E0] =	vst v19  }
0x28c: {  	v19 =	vld [tilespmem:s23+$0xF80];
	v20 =	vadd.f32 v21, v20  }
0x28d: {  	v62 =	vld [tilespmem:s23+$0x4F90]  }
0x28e: {  	v39 =	vld [tilespmem:s23+$0xFA0];
	[tilespmem:s25+$0x88D0] =	vst v20  }
0x28f: {  	v20 =	vld [tilespmem:s26+$0xF00]  }
0x290: {  	v47 =	vld [tilespmem:s26+$0x4F00]  }
0x291: {  	v48 =	vld [tilespmem:s26+$0xF10]  }
0x292: {  	v49 =	vld [tilespmem:s26+$0x4F10]  }
0x293: {  	v50 =	vld [tilespmem:s26+$0xF20]  }
0x294: {  	v51 =	vld [tilespmem:s26+$0x4F20]  }
0x295: {  	v52 =	vld [tilespmem:s26+$0xF30]  }
0x296: {  	v53 =	vld [tilespmem:s26+$0x4F30]  }
0x297: {  	v54 =	vld [tilespmem:s26+$0xF40]  }
0x298: {  	v55 =	vld [tilespmem:s26+$0x4F40]  }
0x299: {  	v56 =	vld [tilespmem:s26+$0xF50]  }
0x29a: {  	v57 =	vld [tilespmem:s26+$0x4F50]  }
0x29b: {  	v58 =	vld [tilespmem:s26+$0xF60]  }
0x29c: {  	v59 =	vld [tilespmem:s26+$0x4F60]  }
0x29d: {  	v60 =	vld [tilespmem:s26+$0xF70]  }
0x29e: {  	v61 =	vld [tilespmem:s26+$0x4F70]  }
0x29f: {  	v40 =	vld [tilespmem:s23+$0x4FA0]  }
0x2a0: {  	v43 =	vld [tilespmem:s23+$0xFB0];
	v20 =	vmul.f32 v47, v20;
	v63 =	vmul.f32 v49, v48  }
0x2a1: {  	v22 =	vld [tilespmem:s23+$0xF90];
	v41 =	vmul.f32 v51, v50;
	v42 =	vmul.f32 v53, v52  }
0x2a2: {  	v46 =	vld [tilespmem:s23+$0x4FB0];
	v44 =	vmul.f32 v55, v54;
	v45 =	vmul.f32 v57, v56  }
0x2a3: {  	v21 =	vld [tilespmem:s23+$0x4F80];
	v47 =	vmul.f32 v59, v58;
	v48 =	vmul.f32 v61, v60  }
0x2a4: {  	v49 =	vld [tilespmem:s23+$0xFC0];
	v20 =	vadd.f32 v63, v20;
	v50 =	vadd.f32 v42, v41  }
0x2a5: {  	v51 =	vld [tilespmem:s23+$0x4FC0];
	v52 =	vadd.f32 v45, v44;
	v53 =	vadd.f32 v48, v47  }
0x2a6: {  	v54 =	vld [tilespmem:s23+$0xFD0]  }
0x2a7: {  	v55 =	vld [tilespmem:s23+$0x4FD0];
	v20 =	vadd.f32 v50, v20;
	v56 =	vadd.f32 v53, v52  }
0x2a8: {  	v57 =	vld [tilespmem:s23+$0xFE0]  }
0x2a9: {  	v58 =	vld [tilespmem:s23+$0x4FE0];
	v20 =	vadd.f32 v56, v20  }
0x2aa: {  	v59 =	vld [tilespmem:s23+$0xFF0]  }
0x2ab: {  	v60 =	vld [tilespmem:s23+$0x4FF0];
	[tilespmem:s25+$0x88E0] =	vst v20  }
0x2ac: {  	v20 =	vld [tilespmem:s26+$0xF80]  }
0x2ad: {  	v61 =	vld [tilespmem:s26+$0x4F80]  }
0x2ae: {  	v35 =	vld [tilespmem:s26+$0xF90]  }
0x2af: {  	v36 =	vld [tilespmem:s26+$0x4F90]  }
0x2b0: {  	v24 =	vmul.f32 v40, v39;
	v62 =	vmul.f32 v62, v22;
	v22 =	vld [tilespmem:s26+$0xFA0]  }
0x2b1: {  	v27 =	vmul.f32 v46, v43;
	v19 =	vmul.f32 v21, v19;
	v30 =	vld [tilespmem:s26+$0x4FA0]  }
0x2b2: {  	v25 =	vmul.f32 v51, v49;
	v29 =	vmul.f32 v55, v54;
	v31 =	vld [tilespmem:s26+$0xFB0]  }
0x2b3: {  	v26 =	vmul.f32 v58, v57;
	v23 =	vmul.f32 v60, v59;
	v63 =	vld [tilespmem:s26+$0x4FB0]  }
0x2b4: {  	v19 =	vadd.f32 v62, v19;
	v44 =	vadd.f32 v27, v24;
	v24 =	vld [tilespmem:s26+$0xFC0]  }
0x2b5: {  	v25 =	vadd.f32 v29, v25;
	v23 =	vadd.f32 v23, v26;
	v26 =	vld [tilespmem:s26+$0x4FC0]  }
0x2b6: {  	v45 =	vor.u32 s31, v0;
	v46 =	vld [tilespmem:s26+$0xFD0]  }
0x2b7: {  	v48 =	vand.u32 v1, v45;
	v19 =	vadd.f32 v44, v19;
	v47 =	vadd.f32 v23, v25;
	v49 =	vld [tilespmem:s26+$0x4FD0]  }
0x2b8: {  	v50 =	vor.u32 s31, v2;
	v51 =	vld [tilespmem:s26+$0xFE0]  }
0x2b9: {  	v52 =	vor.u32 s31, v3;
	v53 =	vld [tilespmem:s26+$0x4FE0];
	v19 =	vadd.f32 v47, v19  }
0x2ba: {  	v54 =	vor.u32 s31, v4;
	v55 =	vld [tilespmem:s26+$0xFF0]  }
0x2bb: {  	v57 =	vor.u32 s31, v6;
	v56 =	vld [tilespmem:s26+$0x4FF0];
	[tilespmem:s31+$0x88F0] =	vst v19  }
0x2bc: {  	v58 =	vor.u32 s31, v7;
	v23 =	vld.idx.msk [tilespmem:v48+s15+$0x0], $0xffff  }
0x2bd: {  	v59 =	vor.u32 s31, v8;
	v27 =	vld.idx.msk [tilespmem:v50+s15+$0x0], $0xffff  }
0x2be: {  	v60 =	vor.u32 s31, v9;
	v21 =	vld.idx.msk [tilespmem:v52+s15+$0x0], $0xffff  }
0x2bf: {  	v62 =	vor.u32 s31, v11;
	v37 =	vld.idx.msk [tilespmem:v54+s15+$0x0], $0xffff  }
0x2c0: {  	v42 =	vor.u32 s31, v13;
	v20 =	vmul.f32 v61, v20;
	v35 =	vmul.f32 v36, v35;
	v36 =	vld.idx.msk [tilespmem:v57+s15+$0x0], $0xffff  }
0x2c1: {  	v45 =	vor.u32 s31, v14;
	v22 =	vmul.f32 v30, v22;
	v28 =	vmul.f32 v63, v31;
	v30 =	vld.idx.msk [tilespmem:v58+s15+$0x0], $0xffff  }
0x2c2: {  	v47 =	vor.u32 s31, v15;
	v24 =	vmul.f32 v26, v24;
	v25 =	vmul.f32 v49, v46;
	v26 =	vld.idx.msk [tilespmem:v59+s15+$0x0], $0xffff  }
0x2c3: {  	v19 =	vor.u32 s31, v5;
	v32 =	vmul.f32 v53, v51;
	v44 =	vmul.f32 v56, v55;
	v38 =	vld.idx.msk [tilespmem:v60+s15+$0x0], $0xffff  }
0x2c4: {  	v61 =	vor.u32 s31, v10;
	v49 =	vld.idx.msk [tilespmem:v62+s15+$0x0], $0xffff;
	v20 =	vadd.f32 v35, v20;
	v22 =	vadd.f32 v28, v22  }
0x2c5: {  	v63 =	vor.u32 s31, v12;
	v54 =	vld.idx.msk [tilespmem:v42+s15+$0x0], $0xffff;
	v24 =	vadd.f32 v25, v24;
	v48 =	vadd.f32 v44, v32  }
0x2c6: {  	v50 =	vor.u32 s31, v16;
	v51 =	vor.u32 s25, v0;
	v56 =	vld.idx.msk [tilespmem:v45+s15+$0x0], $0xffff  }
0x2c7: {  	v53 =	vand.u32 v17, v51;
	v34 =	vld.idx.msk [tilespmem:v47+s15+$0x0], $0xffff;
	v20 =	vadd.f32 v22, v20;
	v52 =	vadd.f32 v48, v24  }
0x2c8: {  	v55 =	vor.u32 s25, v2;
	v19 =	vld.idx.msk [tilespmem:v19+s15+$0x0], $0xffff  }
0x2c9: {  	v57 =	vor.u32 s25, v3;
	v46 =	vld.idx.msk [tilespmem:v61+s15+$0x0], $0xffff;
	v20 =	vadd.f32 v52, v20  }
0x2ca: {  	v58 =	vor.u32 s25, v4;
	v31 =	vld.idx.msk [tilespmem:v63+s15+$0x0], $0xffff  }
0x2cb: {  	v59 =	vor.u32 s25, v6;
	v33 =	vld.idx.msk [tilespmem:v50+s15+$0x0], $0xffff;
	[tilespmem:s25+$0x88F0] =	vst v20  }
0x2cc: {  	v62 =	vor.u32 s25, v9;
	v24 =	vld.idx.msk [tilespmem:v53+s15+$0x0], $0xffff  }
0x2cd: {  	v45 =	vor.u32 s25, v11;
	v29 =	vld.idx.msk [tilespmem:v55+s15+$0x0], $0xffff  }
0x2ce: {  	v47 =	vor.u32 s25, v12;
	v22 =	vld.idx.msk [tilespmem:v57+s15+$0x0], $0xffff  }
0x2cf: {  	v51 =	vor.u32 s25, v14;
	v39 =	vld.idx.msk [tilespmem:v58+s15+$0x0], $0xffff  }
0x2d0: {  	v60 =	vor.u32 s25, v7;
	v23 =	vadd.f32 v27, v23;
	v21 =	vadd.f32 v37, v21;
	v44 =	vld.idx.msk [tilespmem:v59+s15+$0x0], $0xffff  }
0x2d1: {  	v61 =	vor.u32 s25, v8;
	v26 =	vadd.f32 v26, v30;
	v25 =	vadd.f32 v56, v54;
	v50 =	vld.idx.msk [tilespmem:v62+s15+$0x0], $0xffff  }
0x2d2: {  	v63 =	vor.u32 s25, v10;
	v19 =	vadd.f32 v36, v19;
	v53 =	vld.idx.msk [tilespmem:v45+s15+$0x0], $0xffff;
	v28 =	vadd.f32 v46, v38  }
0x2d3: {  	v54 =	vor.u32 s25, v16;
	v56 =	vld.idx.msk [tilespmem:v47+s15+$0x0], $0xffff;
	v31 =	vadd.f32 v31, v49;
	v33 =	vadd.f32 v33, v34  }
0x2d4: {  	v52 =	vor.u32 s25, v15;
	v21 =	vadd.f32 v21, v23;
	v58 =	vld.idx.msk [tilespmem:v51+s15+$0x0], $0xffff;
	v19 =	vadd.f32 v26, v19  }
0x2d5: {  	v20 =	vor.u32 s25, v5;
	v46 =	vld.idx.msk [tilespmem:v60+s15+$0x0], $0xffff;
	v28 =	vadd.f32 v31, v28;
	v25 =	vadd.f32 v33, v25  }
0x2d6: {  	v48 =	vld.idx.msk [tilespmem:v61+s15+$0x0], $0xffff;
	v49 =	vor.u32 s25, v13  }
0x2d7: {  	v27 =	vld.idx.msk [tilespmem:v63+s15+$0x0], $0xffff;
	v19 =	vadd.f32 v19, v21;
	v55 =	vadd.f32 v25, v28  }
0x2d8: {  	v60 =	vld.idx.msk [tilespmem:v54+s15+$0x0], $0xffff  }
0x2d9: {  	v59 =	vld.idx.msk [tilespmem:v52+s15+$0x0], $0xffff;
	v19 =	vadd.f32 v55, v19  }
0x2da: {  	v20 =	vld.idx.msk [tilespmem:v20+s15+$0x0], $0xffff  }
0x2db: {  	v57 =	vld.idx.msk [tilespmem:v49+s15+$0x0], $0xffff;
	v19 =	vsub.f32 $0.0e+00, v19;
	_ =	sdelay $0x1  }
0x2dc: {  	v24 =	vadd.f32 v29, v24;
	v22 =	vadd.f32 v39, v22;
	v19 =	vmul.f32 $1.442695020e+00, v19  }
0x2dd: {  	v62 =	vadd.f32 v56, v53;
	v61 =	vadd.f32 v48, v46  }
0x2de: {  	v63 =	vadd.f32 v60, v59;
	v20 =	vadd.f32 v44, v20;
	(erf) = vpow2.f32 v19  }
0x2df: {  	v21 =	vadd.f32 v58, v57;
	v19 =	vadd.f32 v27, v50  }
0x2e0: {  	v22 =	vadd.f32 v22, v24;
	v20 =	vadd.f32 v61, v20  }
0x2e1: {  	v21 =	vadd.f32 v63, v21;
	v19 =	vadd.f32 v62, v19;
	_ =	sdelay $0x1  }
0x2e2: {  	v20 =	vadd.f32 v20, v22;
	v19 =	vadd.f32 v21, v19;
	_ =	sdelay $0x1  }
0x2e3: {  	v19 =	vadd.f32 v19, v20;
	_ =	sdelay $0x1  }
0x2e4: {  	v19 =	vsub.f32 $0.0e+00, v19;
	v20 =	vpop (erf)  }
0x2e5: {  	v20 =	vadd.f32 $1.000000000e+00, v20  }
0x2e6: {  	v19 =	vmul.f32 $1.442695020e+00, v19  }
0x2e7: {  	(erf) = vrcp.f32 v20  }
0x2e8: {  	(erf) = vpow2.f32 v19;
	_ =	sdelay $0x7  }
0x2e9: {  	v19 =	vpop (erf)  }
0x2ea: {  	v20 =	vpop (erf)  }
0x2eb: {  	v20 =	vadd.f32 $1.000000000e+00, v20;
	_ =	sdelay $0x1  }
0x2ec: {  	(erf) = vrcp.f32 v20;
	_ =	sdelay $0x4  }
0x2ed: {  	p1 =	por p0, p0  }
.Ltmp0:
0x2ee: {  	_ = 	snop;
	(pc) =	sbr.rel @p1 .LBB2_4-.Ltmp0, $3  }
0x2ef: {  	_ =	sdelay $0x1  }
0x2f0: {  	[tilespmem:v18+s21+$0x0 ss:$0x1] =	vst.idx.msk $0xffff, v19;
	v19 =	vpop (erf)  }
0x2f1: {  	p0 =	por $0x0, $0x0;
	[tilespmem:v18+s24+$0x0 ss:$0x1] =	vst.idx.msk $0xffff, v19;
	s24 =	simm.s32 $0x2  }
0x2f2: {  	p0 =	seq.s32 s19, $0x8  }
.Ltmp1:
0x2f3: {  	_ = 	snop;
	(pc) =	sbr.rel @!p0 .LBB2_3-.Ltmp1, $1  }
0x2f4: {  	_ =	sdelay $0x3  }
0x2f5: {  	s18 =	sadd.s32 $0x1, s18  }
0x2f6: {  	p0 =	sne.s32 s18, s8  }
.Ltmp2:
0x2f7: {  	_ = 	snop;
	(pc) =	sbr.rel @p0 .LBB2_1-.Ltmp2, $4  }
0x2f8: {  	[hbm4b:s7+s4] =	stream.linear.scatter [tilespmem:s16], [sflag:$0x7], $0x200, $0x38;
	[tilespmem:$0x8E00] =	vst v63  }
0x2f9: {  	_ =	swait.ge [sflag:s17], $0x200  }
0x2fa: {  	[sflag:s17] =	ssyncset.done $0x0  }
0x2fb: {  	[sflag:s17] =	ssyncadd.s32 $0xFFFFFE00  }
0x2fc: {  	_ =	sfence.sel $0x180000  }
0x2fd: {  	[bflag:$0x0] =	sbarrier.arrive $0xFFFF  }
0x2fe: {  	p0 =	sne.s32 s1, $0x0;
	_ =	strace $0x90000047  }
0x2ff: {  	s0 =	sadd.s32 @!p0 $0x100000, s0;
	[bflag:$0x2] =	sbarrier.arrive $0xFFFF  }
0x300: {  	[sflag:s0] =	ssyncadd.tile.s32 @!p0 $0x1;
	_ =	shalt  }
.Lfunc_end2:
_tile_overlayer_lowered:
.L_overlay_start_2:
0x301: {  	(tag) =	ssettag $0x2  }
0x302: {  	s0 =	rddreg [dreg:$0x0];
	s2 =	stileid.u32  }
0x303: {  	s1 =	rddreg [dreg:$0x1];
	p0 =	sne.s32 s2, $0x0  }
0x304: {  	s3 =	rddreg [dreg:$0x2];
	[bflag:$0x3] =	sbarrier.arrive $0xFFFF;
	s2 =	simm.s32 @!p0 $0x1C07  }
0x305: {  	[timem:s3], [sflag:s2] =	dma.local @!p0 [hbm:s0], s1  }
0x306: {  	s0 =	simm.s32 @!p0 $0x7  }
0x307: {  	_ =	swait.ge @!p0 [sflag:s0], s1  }
0x308: {  	s1 =	ssub.s32 @!p0 $0x0, s1;
	[sflag:s0] =	ssyncset.done @!p0 $0x0  }
0x309: {  	[sflag:s0] =	ssyncadd.s32 @!p0 s1  }
0x30a: {  	[bflag:$0x3] =	sbarrier.arrive $0xFFFF  }
0x30b: {  	_ =	shalt  }

</sc_bundles>
